<compile_context>
chip_gen: v7x
topology: tpu7x:2x2x1
jax: 0.10.2.dev20260603
libtpu: 0.0.44.dev20260713+nightly
codegen_flags: <defaults>
</compile_context>

<pallas_src>
import functools

import jax
import jax.numpy as jnp
from jax import lax
from jax.experimental import pallas as pl
from jax.experimental.pallas import tpu as pltpu
from jax.experimental.pallas import tpu_sc as plsc

D_MODEL = 128
B_TOTAL = 16384 * 200
NC = 2
NS = 16
NW = NC * NS
B_PER_W = B_TOTAL // NW

S = 8
C = 80
K = 4
CHUNKS = B_PER_W // C
ROUNDS = CHUNKS // S

_mesh = plsc.VectorSubcoreMesh(core_axis_name="c", subcore_axis_name="s")


@functools.partial(
    pl.kernel,
    mesh=_mesh,
    out_type=jax.ShapeDtypeStruct((B_TOTAL, D_MODEL), jnp.float32),
    scratch_types=(
        [pltpu.VMEM((C,), jnp.int32) for _ in range(S)]
        + [pltpu.VMEM((C, D_MODEL), jnp.float32) for _ in range(S)]
        + [
            pltpu.VMEM_SHARED((367, D_MODEL), jnp.float32),
            pltpu.SemaphoreType.DMA((S,)),
            pltpu.SemaphoreType.DMA((S,)),
            pltpu.SemaphoreType.DMA((S,)),
        ]
    ),
)
def _pe_gather(pos_hbm, table_hbm, out_hbm, *scratch):
    idx_v = scratch[:S]
    rows_v = scratch[S:2 * S]
    table_v, isem, gsem, ssem = scratch[2 * S:]

    wid = lax.axis_index("s") * NC + lax.axis_index("c")
    base = wid * B_PER_W

    def fetch_idx(slot, i):
        pltpu.async_copy(pos_hbm.at[pl.ds(base + i * C, C)], idx_v[slot], isem.at[slot])

    def wait_idx(slot):
        pltpu.make_async_copy(
            pos_hbm.at[pl.ds(base, C)], idx_v[slot], isem.at[slot]
        ).wait()

    def issue_gather(slot):
        pltpu.async_copy(table_v.at[idx_v[slot]], rows_v[slot], gsem.at[slot])

    def wait_gather(slot):
        pltpu.make_async_copy(
            table_v.at[idx_v[slot]], rows_v[slot], gsem.at[slot]
        ).wait()

    def issue_scatter(slot, i):
        pltpu.async_copy(rows_v[slot], out_hbm.at[pl.ds(base + i * C, C)], ssem.at[slot])

    def wait_scatter(slot):
        pltpu.make_async_copy(
            rows_v[slot], out_hbm.at[pl.ds(base, C)], ssem.at[slot]
        ).wait()

    def round_body(r, first=False, last=False):
        for b in range(S):
            i = r * S + b
            wait_gather(b)
            if not last:
                fetch_idx(b, i + S)
            issue_scatter(b, i)
            if not (first and b < K):
                wait_scatter((b + K) % S)
            if not (last and b >= K):
                wait_idx((b + K) % S)
                issue_gather((b + K) % S)

    @pl.when(lax.axis_index("s") == 0)
    def _stage_table():
        pltpu.sync_copy(table_hbm, table_v)

    plsc.subcore_barrier()
    for b in range(S):
        fetch_idx(b, b)
    for b in range(K):
        wait_idx(b)
        issue_gather(b)

    round_body(0, first=True)

    def loop_body(r, carry):
        round_body(r)
        return carry

    lax.fori_loop(1, ROUNDS - 1, loop_body, 0)

    round_body(ROUNDS - 1, last=True)

    for b in range(K, S):
        wait_scatter(b)


def kernel(positions, pe):
    pos_flat = positions.reshape(-1).astype(jnp.int32)
    out = _pe_gather(pos_flat, pe)
    return out.reshape(positions.shape + (D_MODEL,))

# --- scband reference (transcript-rebuilt; emitter-appended) ---
"""Pipeline reference for scband-sinusoidal-positional-encoding-31679678775485 (READ-ONLY COPY).

The authoritative reference and input builder live on the scoring server;
editing this copy changes nothing except your own understanding.
"""

import jax, jax.numpy as jnp
import numpy as np
import math

D_MODEL = 128
MAX_LEN = 367

def _make_pe():
    position = np.arange(MAX_LEN, dtype=np.float64)[:, None]
    div_term = np.exp(np.arange(0, D_MODEL, 2, dtype=np.float64) * (-math.log(10000.0) / D_MODEL))
    pe = np.zeros((MAX_LEN, D_MODEL), dtype=np.float32)
    pe[:, 0::2] = np.sin(position * div_term).astype(np.float32)
    pe[:, 1::2] = np.cos(position * div_term).astype(np.float32)
    return jnp.asarray(pe)

def setup_inputs(seed: int = 0) -> dict:
    key = jax.random.key(seed)
    positions = jax.random.randint(key, (16384, 200), 0, MAX_LEN)
    pe = _make_pe()
    return {"positions": positions, "pe": pe}

def reference(positions, pe):
    pos_indices = jnp.clip(positions, 0, pe.shape[0] - 1).astype(jnp.int32)
    return jnp.take(pe, pos_indices, axis=0)

if __name__ == "__main__":
    import jax
    _d = setup_inputs()
    print(jax.jit(kernel)(*tuple(_d.values())))

</pallas_src>

<mosaic_0001>
#map = affine_map<(d0, d1) -> (0)>
#map1 = affine_map<(d0, d1) -> (0, 0)>
module attributes {stable_mosaic.version = 14 : i64} {
  func.func @_pe_gather(%arg0: i32, %arg1: i32, %arg2: memref<3276800xi32, #tpu.memory_space<hbm>>, %arg3: memref<367x128xf32, #tpu.memory_space<hbm>>, %arg4: memref<3276800x128xf32, #tpu.memory_space<hbm>>, %arg5: memref<80xi32, #tpu.memory_space<vmem>>, %arg6: memref<80xi32, #tpu.memory_space<vmem>>, %arg7: memref<80xi32, #tpu.memory_space<vmem>>, %arg8: memref<80xi32, #tpu.memory_space<vmem>>, %arg9: memref<80xi32, #tpu.memory_space<vmem>>, %arg10: memref<80xi32, #tpu.memory_space<vmem>>, %arg11: memref<80xi32, #tpu.memory_space<vmem>>, %arg12: memref<80xi32, #tpu.memory_space<vmem>>, %arg13: memref<80x128xf32, #tpu.memory_space<vmem>>, %arg14: memref<80x128xf32, #tpu.memory_space<vmem>>, %arg15: memref<80x128xf32, #tpu.memory_space<vmem>>, %arg16: memref<80x128xf32, #tpu.memory_space<vmem>>, %arg17: memref<80x128xf32, #tpu.memory_space<vmem>>, %arg18: memref<80x128xf32, #tpu.memory_space<vmem>>, %arg19: memref<80x128xf32, #tpu.memory_space<vmem>>, %arg20: memref<80x128xf32, #tpu.memory_space<vmem>>, %arg21: memref<367x128xf32, #tpu.memory_space<vmem_shared>>, %arg22: memref<8x!tpu.dma_semaphore, #tpu.memory_space<semaphore_mem>>, %arg23: memref<8x!tpu.dma_semaphore, #tpu.memory_space<semaphore_mem>>, %arg24: memref<8x!tpu.dma_semaphore, #tpu.memory_space<semaphore_mem>>) attributes {dimension_semantics = [#tpu.dimension_semantics<core_parallel>, #tpu.dimension_semantics<subcore_parallel>], iteration_bounds = array<i64: 2, 16>, scalar_prefetch = 0 : i64, scratch_operands = 20 : i64, tpu.core_type = #tpu.core_type<sc_vector_subcore>, window_params = [{transform_indices = #map}, {transform_indices = #map1}, {transform_indices = #map1}]} {
    %mul3A = arith.constant 2 : i32
    %mul3A_0 = arith.muli %arg1, %mul3A : i32
    %add3A = arith.addi %mul3A_0, %arg0 : i32
    %mul3A_1 = arith.constant 102400 : i32
    %mul3A_2 = arith.muli %add3A, %mul3A_1 : i32
    %eq3A = arith.constant 0 : i32
    %eq3A_3 = arith.cmpi eq, %arg1, %eq3A : i32
    %convert_element_type3A = arith.extui %eq3A_3 : i1 to i32
    %cond3A = arith.constant 0 : i32
    %cond3A_4 = arith.cmpi ne, %convert_element_type3A, %cond3A : i32
    scf.if %cond3A_4 {
      "tpu.region"() ({
        %run_scoped3A = tpu.sem_alloc : memref<!tpu.dma_semaphore, #tpu.memory_space<semaphore_mem>>
        tpu.enqueue_dma source(%arg3 : memref<367x128xf32, #tpu.memory_space<hbm>>) target(%arg21 : memref<367x128xf32, #tpu.memory_space<vmem_shared>>) target_semaphore(%run_scoped3A : memref<!tpu.dma_semaphore, #tpu.memory_space<semaphore_mem>>)
        tpu.wait_dma2 semaphore(%run_scoped3A : memref<!tpu.dma_semaphore, #tpu.memory_space<semaphore_mem>>) src(%arg3 : memref<367x128xf32, #tpu.memory_space<hbm>>) dst(%arg21 : memref<367x128xf32, #tpu.memory_space<vmem_shared>>)
        tpu.yield
      }) : () -> ()
    } else {
    }
    %barrier3A = arith.constant 0 : index
    tpu.barrier barrier_id(%barrier3A)
    %add3A_5 = arith.constant 0 : i32
    %add3A_6 = arith.addi %mul3A_2, %add3A_5 : i32
    %dma_start3A = arith.constant 0 : i32
    %dma_start3A_7 = tpu.memref_slice %arg2[%add3A_6] : memref<3276800xi32, #tpu.memory_space<hbm>> -> memref<80xi32, #tpu.memory_space<hbm>>
    %dma_start3A_8 = tpu.memref_slice %arg22[%dma_start3A] : memref<8x!tpu.dma_semaphore, #tpu.memory_space<semaphore_mem>> -> memref<1x!tpu.dma_semaphore, #tpu.memory_space<semaphore_mem>>
    %dma_start3A_9 = tpu.memref_squeeze %dma_start3A_8 : memref<1x!tpu.dma_semaphore, #tpu.memory_space<semaphore_mem>> -> memref<!tpu.dma_semaphore, #tpu.memory_space<semaphore_mem>>
    %dma_start3A_10 = tpu.memref_slice %arg2[%add3A_6] : memref<3276800xi32, #tpu.memory_space<hbm>> -> memref<80xi32, #tpu.memory_space<hbm>>
    tpu.enqueue_dma source(%dma_start3A_10 : memref<80xi32, #tpu.memory_space<hbm>>) target(%arg5 : memref<80xi32, #tpu.memory_space<vmem>>) target_semaphore(%dma_start3A_9 : memref<!tpu.dma_semaphore, #tpu.memory_space<semaphore_mem>>)
    %add3A_11 = arith.constant 80 : i32
    %add3A_12 = arith.addi %mul3A_2, %add3A_11 : i32
    %dma_start3A_13 = arith.constant 1 : i32
    %dma_start3A_14 = tpu.memref_slice %arg2[%add3A_12] : memref<3276800xi32, #tpu.memory_space<hbm>> -> memref<80xi32, #tpu.memory_space<hbm>>
    %dma_start3A_15 = tpu.memref_slice %arg22[%dma_start3A_13] : memref<8x!tpu.dma_semaphore, #tpu.memory_space<semaphore_mem>> -> memref<1x!tpu.dma_semaphore, #tpu.memory_space<semaphore_mem>>
    %dma_start3A_16 = tpu.memref_squeeze %dma_start3A_15 : memref<1x!tpu.dma_semaphore, #tpu.memory_space<semaphore_mem>> -> memref<!tpu.dma_semaphore, #tpu.memory_space<semaphore_mem>>
    %dma_start3A_17 = tpu.memref_slice %arg2[%add3A_12] : memref<3276800xi32, #tpu.memory_space<hbm>> -> memref<80xi32, #tpu.memory_space<hbm>>
    tpu.enqueue_dma source(%dma_start3A_17 : memref<80xi32, #tpu.memory_space<hbm>>) target(%arg6 : memref<80xi32, #tpu.memory_space<vmem>>) target_semaphore(%dma_start3A_16 : memref<!tpu.dma_semaphore, #tpu.memory_space<semaphore_mem>>)
    %add3A_18 = arith.constant 160 : i32
    %add3A_19 = arith.addi %mul3A_2, %add3A_18 : i32
    %dma_start3A_20 = arith.constant 2 : i32
    %dma_start3A_21 = tpu.memref_slice %arg2[%add3A_19] : memref<3276800xi32, #tpu.memory_space<hbm>> -> memref<80xi32, #tpu.memory_space<hbm>>
    %dma_start3A_22 = tpu.memref_slice %arg22[%dma_start3A_20] : memref<8x!tpu.dma_semaphore, #tpu.memory_space<semaphore_mem>> -> memref<1x!tpu.dma_semaphore, #tpu.memory_space<semaphore_mem>>
    %dma_start3A_23 = tpu.memref_squeeze %dma_start3A_22 : memref<1x!tpu.dma_semaphore, #tpu.memory_space<semaphore_mem>> -> memref<!tpu.dma_semaphore, #tpu.memory_space<semaphore_mem>>
    %dma_start3A_24 = tpu.memref_slice %arg2[%add3A_19] : memref<3276800xi32, #tpu.memory_space<hbm>> -> memref<80xi32, #tpu.memory_space<hbm>>
    tpu.enqueue_dma source(%dma_start3A_24 : memref<80xi32, #tpu.memory_space<hbm>>) target(%arg7 : memref<80xi32, #tpu.memory_space<vmem>>) target_semaphore(%dma_start3A_23 : memref<!tpu.dma_semaphore, #tpu.memory_space<semaphore_mem>>)
    %add3A_25 = arith.constant 240 : i32
    %add3A_26 = arith.addi %mul3A_2, %add3A_25 : i32
    %dma_start3A_27 = arith.constant 3 : i32
    %dma_start3A_28 = tpu.memref_slice %arg2[%add3A_26] : memref<3276800xi32, #tpu.memory_space<hbm>> -> memref<80xi32, #tpu.memory_space<hbm>>
    %dma_start3A_29 = tpu.memref_slice %arg22[%dma_start3A_27] : memref<8x!tpu.dma_semaphore, #tpu.memory_space<semaphore_mem>> -> memref<1x!tpu.dma_semaphore, #tpu.memory_space<semaphore_mem>>
    %dma_start3A_30 = tpu.memref_squeeze %dma_start3A_29 : memref<1x!tpu.dma_semaphore, #tpu.memory_space<semaphore_mem>> -> memref<!tpu.dma_semaphore, #tpu.memory_space<semaphore_mem>>
    %dma_start3A_31 = tpu.memref_slice %arg2[%add3A_26] : memref<3276800xi32, #tpu.memory_space<hbm>> -> memref<80xi32, #tpu.memory_space<hbm>>
    tpu.enqueue_dma source(%dma_start3A_31 : memref<80xi32, #tpu.memory_space<hbm>>) target(%arg8 : memref<80xi32, #tpu.memory_space<vmem>>) target_semaphore(%dma_start3A_30 : memref<!tpu.dma_semaphore, #tpu.memory_space<semaphore_mem>>)
    %add3A_32 = arith.constant 320 : i32
    %add3A_33 = arith.addi %mul3A_2, %add3A_32 : i32
    %dma_start3A_34 = arith.constant 4 : i32
    %dma_start3A_35 = tpu.memref_slice %arg2[%add3A_33] : memref<3276800xi32, #tpu.memory_space<hbm>> -> memref<80xi32, #tpu.memory_space<hbm>>
    %dma_start3A_36 = tpu.memref_slice %arg22[%dma_start3A_34] : memref<8x!tpu.dma_semaphore, #tpu.memory_space<semaphore_mem>> -> memref<1x!tpu.dma_semaphore, #tpu.memory_space<semaphore_mem>>
    %dma_start3A_37 = tpu.memref_squeeze %dma_start3A_36 : memref<1x!tpu.dma_semaphore, #tpu.memory_space<semaphore_mem>> -> memref<!tpu.dma_semaphore, #tpu.memory_space<semaphore_mem>>
    %dma_start3A_38 = tpu.memref_slice %arg2[%add3A_33] : memref<3276800xi32, #tpu.memory_space<hbm>> -> memref<80xi32, #tpu.memory_space<hbm>>
    tpu.enqueue_dma source(%dma_start3A_38 : memref<80xi32, #tpu.memory_space<hbm>>) target(%arg9 : memref<80xi32, #tpu.memory_space<vmem>>) target_semaphore(%dma_start3A_37 : memref<!tpu.dma_semaphore, #tpu.memory_space<semaphore_mem>>)
    %add3A_39 = arith.constant 400 : i32
    %add3A_40 = arith.addi %mul3A_2, %add3A_39 : i32
    %dma_start3A_41 = arith.constant 5 : i32
    %dma_start3A_42 = tpu.memref_slice %arg2[%add3A_40] : memref<3276800xi32, #tpu.memory_space<hbm>> -> memref<80xi32, #tpu.memory_space<hbm>>
    %dma_start3A_43 = tpu.memref_slice %arg22[%dma_start3A_41] : memref<8x!tpu.dma_semaphore, #tpu.memory_space<semaphore_mem>> -> memref<1x!tpu.dma_semaphore, #tpu.memory_space<semaphore_mem>>
    %dma_start3A_44 = tpu.memref_squeeze %dma_start3A_43 : memref<1x!tpu.dma_semaphore, #tpu.memory_space<semaphore_mem>> -> memref<!tpu.dma_semaphore, #tpu.memory_space<semaphore_mem>>
    %dma_start3A_45 = tpu.memref_slice %arg2[%add3A_40] : memref<3276800xi32, #tpu.memory_space<hbm>> -> memref<80xi32, #tpu.memory_space<hbm>>
    tpu.enqueue_dma source(%dma_start3A_45 : memref<80xi32, #tpu.memory_space<hbm>>) target(%arg10 : memref<80xi32, #tpu.memory_space<vmem>>) target_semaphore(%dma_start3A_44 : memref<!tpu.dma_semaphore, #tpu.memory_space<semaphore_mem>>)
    %add3A_46 = arith.constant 480 : i32
    %add3A_47 = arith.addi %mul3A_2, %add3A_46 : i32
    %dma_start3A_48 = arith.constant 6 : i32
    %dma_start3A_49 = tpu.memref_slice %arg2[%add3A_47] : memref<3276800xi32, #tpu.memory_space<hbm>> -> memref<80xi32, #tpu.memory_space<hbm>>
    %dma_start3A_50 = tpu.memref_slice %arg22[%dma_start3A_48] : memref<8x!tpu.dma_semaphore, #tpu.memory_space<semaphore_mem>> -> memref<1x!tpu.dma_semaphore, #tpu.memory_space<semaphore_mem>>
    %dma_start3A_51 = tpu.memref_squeeze %dma_start3A_50 : memref<1x!tpu.dma_semaphore, #tpu.memory_space<semaphore_mem>> -> memref<!tpu.dma_semaphore, #tpu.memory_space<semaphore_mem>>
    %dma_start3A_52 = tpu.memref_slice %arg2[%add3A_47] : memref<3276800xi32, #tpu.memory_space<hbm>> -> memref<80xi32, #tpu.memory_space<hbm>>
    tpu.enqueue_dma source(%dma_start3A_52 : memref<80xi32, #tpu.memory_space<hbm>>) target(%arg11 : memref<80xi32, #tpu.memory_space<vmem>>) target_semaphore(%dma_start3A_51 : memref<!tpu.dma_semaphore, #tpu.memory_space<semaphore_mem>>)
    %add3A_53 = arith.constant 560 : i32
    %add3A_54 = arith.addi %mul3A_2, %add3A_53 : i32
    %dma_start3A_55 = arith.constant 7 : i32
    %dma_start3A_56 = tpu.memref_slice %arg2[%add3A_54] : memref<3276800xi32, #tpu.memory_space<hbm>> -> memref<80xi32, #tpu.memory_space<hbm>>
    %dma_start3A_57 = tpu.memref_slice %arg22[%dma_start3A_55] : memref<8x!tpu.dma_semaphore, #tpu.memory_space<semaphore_mem>> -> memref<1x!tpu.dma_semaphore, #tpu.memory_space<semaphore_mem>>
    %dma_start3A_58 = tpu.memref_squeeze %dma_start3A_57 : memref<1x!tpu.dma_semaphore, #tpu.memory_space<semaphore_mem>> -> memref<!tpu.dma_semaphore, #tpu.memory_space<semaphore_mem>>
    %dma_start3A_59 = tpu.memref_slice %arg2[%add3A_54] : memref<3276800xi32, #tpu.memory_space<hbm>> -> memref<80xi32, #tpu.memory_space<hbm>>
    tpu.enqueue_dma source(%dma_start3A_59 : memref<80xi32, #tpu.memory_space<hbm>>) target(%arg12 : memref<80xi32, #tpu.memory_space<vmem>>) target_semaphore(%dma_start3A_58 : memref<!tpu.dma_semaphore, #tpu.memory_space<semaphore_mem>>)
    %dma_wait3A = arith.constant 0 : i32
    %dma_wait3A_60 = tpu.memref_slice %arg2[%mul3A_2] : memref<3276800xi32, #tpu.memory_space<hbm>> -> memref<80xi32, #tpu.memory_space<hbm>>
    %dma_wait3A_61 = tpu.memref_slice %arg22[%dma_wait3A] : memref<8x!tpu.dma_semaphore, #tpu.memory_space<semaphore_mem>> -> memref<1x!tpu.dma_semaphore, #tpu.memory_space<semaphore_mem>>
    %dma_wait3A_62 = tpu.memref_squeeze %dma_wait3A_61 : memref<1x!tpu.dma_semaphore, #tpu.memory_space<semaphore_mem>> -> memref<!tpu.dma_semaphore, #tpu.memory_space<semaphore_mem>>
    %dma_wait3A_63 = tpu.memref_slice %arg2[%mul3A_2] : memref<3276800xi32, #tpu.memory_space<hbm>> -> memref<80xi32, #tpu.memory_space<hbm>>
    tpu.wait_dma2 semaphore(%dma_wait3A_62 : memref<!tpu.dma_semaphore, #tpu.memory_space<semaphore_mem>>) src(%dma_wait3A_63 : memref<80xi32, #tpu.memory_space<hbm>>) dst(%arg5 : memref<80xi32, #tpu.memory_space<vmem>>)
    %dma_start3A_64 = arith.constant 0 : i32
    %dma_start3A_65 = arith.constant 0 : i32
    %dma_start3A_66 = arith.constant 0 : i32
    %dma_start3A_67 = tpu.memref_slice %arg21[%dma_start3A_65, %dma_start3A_66] : memref<367x128xf32, #tpu.memory_space<vmem_shared>> -> memref<367x128xf32, #tpu.memory_space<vmem_shared>>
    %dma_start3A_68 = tpu.memref_slice %arg23[%dma_start3A_64] : memref<8x!tpu.dma_semaphore, #tpu.memory_space<semaphore_mem>> -> memref<1x!tpu.dma_semaphore, #tpu.memory_space<semaphore_mem>>
    %dma_start3A_69 = tpu.memref_squeeze %dma_start3A_68 : memref<1x!tpu.dma_semaphore, #tpu.memory_space<semaphore_mem>> -> memref<!tpu.dma_semaphore, #tpu.memory_space<semaphore_mem>>
    tpu.enqueue_indirect_dma source(%dma_start3A_67 : memref<367x128xf32, #tpu.memory_space<vmem_shared>>) target(%arg13 : memref<80x128xf32, #tpu.memory_space<vmem>>) offsets(%arg5 : memref<80xi32, #tpu.memory_space<vmem>>) semaphore(%dma_start3A_69 : memref<!tpu.dma_semaphore, #tpu.memory_space<semaphore_mem>>)
    %dma_wait3A_70 = arith.constant 1 : i32
    %dma_wait3A_71 = tpu.memref_slice %arg2[%mul3A_2] : memref<3276800xi32, #tpu.memory_space<hbm>> -> memref<80xi32, #tpu.memory_space<hbm>>
    %dma_wait3A_72 = tpu.memref_slice %arg22[%dma_wait3A_70] : memref<8x!tpu.dma_semaphore, #tpu.memory_space<semaphore_mem>> -> memref<1x!tpu.dma_semaphore, #tpu.memory_space<semaphore_mem>>
    %dma_wait3A_73 = tpu.memref_squeeze %dma_wait3A_72 : memref<1x!tpu.dma_semaphore, #tpu.memory_space<semaphore_mem>> -> memref<!tpu.dma_semaphore, #tpu.memory_space<semaphore_mem>>
    %dma_wait3A_74 = tpu.memref_slice %arg2[%mul3A_2] : memref<3276800xi32, #tpu.memory_space<hbm>> -> memref<80xi32, #tpu.memory_space<hbm>>
    tpu.wait_dma2 semaphore(%dma_wait3A_73 : memref<!tpu.dma_semaphore, #tpu.memory_space<semaphore_mem>>) src(%dma_wait3A_74 : memref<80xi32, #tpu.memory_space<hbm>>) dst(%arg6 : memref<80xi32, #tpu.memory_space<vmem>>)
    %dma_start3A_75 = arith.constant 1 : i32
    %dma_start3A_76 = arith.constant 0 : i32
    %dma_start3A_77 = arith.constant 0 : i32
    %dma_start3A_78 = tpu.memref_slice %arg21[%dma_start3A_76, %dma_start3A_77] : memref<367x128xf32, #tpu.memory_space<vmem_shared>> -> memref<367x128xf32, #tpu.memory_space<vmem_shared>>
    %dma_start3A_79 = tpu.memref_slice %arg23[%dma_start3A_75] : memref<8x!tpu.dma_semaphore, #tpu.memory_space<semaphore_mem>> -> memref<1x!tpu.dma_semaphore, #tpu.memory_space<semaphore_mem>>
    %dma_start3A_80 = tpu.memref_squeeze %dma_start3A_79 : memref<1x!tpu.dma_semaphore, #tpu.memory_space<semaphore_mem>> -> memref<!tpu.dma_semaphore, #tpu.memory_space<semaphore_mem>>
    tpu.enqueue_indirect_dma source(%dma_start3A_78 : memref<367x128xf32, #tpu.memory_space<vmem_shared>>) target(%arg14 : memref<80x128xf32, #tpu.memory_space<vmem>>) offsets(%arg6 : memref<80xi32, #tpu.memory_space<vmem>>) semaphore(%dma_start3A_80 : memref<!tpu.dma_semaphore, #tpu.memory_space<semaphore_mem>>)
    %dma_wait3A_81 = arith.constant 2 : i32
    %dma_wait3A_82 = tpu.memref_slice %arg2[%mul3A_2] : memref<3276800xi32, #tpu.memory_space<hbm>> -> memref<80xi32, #tpu.memory_space<hbm>>
    %dma_wait3A_83 = tpu.memref_slice %arg22[%dma_wait3A_81] : memref<8x!tpu.dma_semaphore, #tpu.memory_space<semaphore_mem>> -> memref<1x!tpu.dma_semaphore, #tpu.memory_space<semaphore_mem>>
    %dma_wait3A_84 = tpu.memref_squeeze %dma_wait3A_83 : memref<1x!tpu.dma_semaphore, #tpu.memory_space<semaphore_mem>> -> memref<!tpu.dma_semaphore, #tpu.memory_space<semaphore_mem>>
    %dma_wait3A_85 = tpu.memref_slice %arg2[%mul3A_2] : memref<3276800xi32, #tpu.memory_space<hbm>> -> memref<80xi32, #tpu.memory_space<hbm>>
    tpu.wait_dma2 semaphore(%dma_wait3A_84 : memref<!tpu.dma_semaphore, #tpu.memory_space<semaphore_mem>>) src(%dma_wait3A_85 : memref<80xi32, #tpu.memory_space<hbm>>) dst(%arg7 : memref<80xi32, #tpu.memory_space<vmem>>)
    %dma_start3A_86 = arith.constant 2 : i32
    %dma_start3A_87 = arith.constant 0 : i32
    %dma_start3A_88 = arith.constant 0 : i32
    %dma_start3A_89 = tpu.memref_slice %arg21[%dma_start3A_87, %dma_start3A_88] : memref<367x128xf32, #tpu.memory_space<vmem_shared>> -> memref<367x128xf32, #tpu.memory_space<vmem_shared>>
    %dma_start3A_90 = tpu.memref_slice %arg23[%dma_start3A_86] : memref<8x!tpu.dma_semaphore, #tpu.memory_space<semaphore_mem>> -> memref<1x!tpu.dma_semaphore, #tpu.memory_space<semaphore_mem>>
    %dma_start3A_91 = tpu.memref_squeeze %dma_start3A_90 : memref<1x!tpu.dma_semaphore, #tpu.memory_space<semaphore_mem>> -> memref<!tpu.dma_semaphore, #tpu.memory_space<semaphore_mem>>
    tpu.enqueue_indirect_dma source(%dma_start3A_89 : memref<367x128xf32, #tpu.memory_space<vmem_shared>>) target(%arg15 : memref<80x128xf32, #tpu.memory_space<vmem>>) offsets(%arg7 : memref<80xi32, #tpu.memory_space<vmem>>) semaphore(%dma_start3A_91 : memref<!tpu.dma_semaphore, #tpu.memory_space<semaphore_mem>>)
    %dma_wait3A_92 = arith.constant 3 : i32
    %dma_wait3A_93 = tpu.memref_slice %arg2[%mul3A_2] : memref<3276800xi32, #tpu.memory_space<hbm>> -> memref<80xi32, #tpu.memory_space<hbm>>
    %dma_wait3A_94 = tpu.memref_slice %arg22[%dma_wait3A_92] : memref<8x!tpu.dma_semaphore, #tpu.memory_space<semaphore_mem>> -> memref<1x!tpu.dma_semaphore, #tpu.memory_space<semaphore_mem>>
    %dma_wait3A_95 = tpu.memref_squeeze %dma_wait3A_94 : memref<1x!tpu.dma_semaphore, #tpu.memory_space<semaphore_mem>> -> memref<!tpu.dma_semaphore, #tpu.memory_space<semaphore_mem>>
    %dma_wait3A_96 = tpu.memref_slice %arg2[%mul3A_2] : memref<3276800xi32, #tpu.memory_space<hbm>> -> memref<80xi32, #tpu.memory_space<hbm>>
    tpu.wait_dma2 semaphore(%dma_wait3A_95 : memref<!tpu.dma_semaphore, #tpu.memory_space<semaphore_mem>>) src(%dma_wait3A_96 : memref<80xi32, #tpu.memory_space<hbm>>) dst(%arg8 : memref<80xi32, #tpu.memory_space<vmem>>)
    %dma_start3A_97 = arith.constant 3 : i32
    %dma_start3A_98 = arith.constant 0 : i32
    %dma_start3A_99 = arith.constant 0 : i32
    %dma_start3A_100 = tpu.memref_slice %arg21[%dma_start3A_98, %dma_start3A_99] : memref<367x128xf32, #tpu.memory_space<vmem_shared>> -> memref<367x128xf32, #tpu.memory_space<vmem_shared>>
    %dma_start3A_101 = tpu.memref_slice %arg23[%dma_start3A_97] : memref<8x!tpu.dma_semaphore, #tpu.memory_space<semaphore_mem>> -> memref<1x!tpu.dma_semaphore, #tpu.memory_space<semaphore_mem>>
    %dma_start3A_102 = tpu.memref_squeeze %dma_start3A_101 : memref<1x!tpu.dma_semaphore, #tpu.memory_space<semaphore_mem>> -> memref<!tpu.dma_semaphore, #tpu.memory_space<semaphore_mem>>
    tpu.enqueue_indirect_dma source(%dma_start3A_100 : memref<367x128xf32, #tpu.memory_space<vmem_shared>>) target(%arg16 : memref<80x128xf32, #tpu.memory_space<vmem>>) offsets(%arg8 : memref<80xi32, #tpu.memory_space<vmem>>) semaphore(%dma_start3A_102 : memref<!tpu.dma_semaphore, #tpu.memory_space<semaphore_mem>>)
    %dma_wait3A_103 = arith.constant 0 : i32
    %dma_wait3A_104 = arith.constant 0 : i32
    %dma_wait3A_105 = arith.constant 0 : i32
    %dma_wait3A_106 = tpu.memref_slice %arg21[%dma_wait3A_104, %dma_wait3A_105] : memref<367x128xf32, #tpu.memory_space<vmem_shared>> -> memref<367x128xf32, #tpu.memory_space<vmem_shared>>
    %dma_wait3A_107 = tpu.memref_slice %arg23[%dma_wait3A_103] : memref<8x!tpu.dma_semaphore, #tpu.memory_space<semaphore_mem>> -> memref<1x!tpu.dma_semaphore, #tpu.memory_space<semaphore_mem>>
    %dma_wait3A_108 = tpu.memref_squeeze %dma_wait3A_107 : memref<1x!tpu.dma_semaphore, #tpu.memory_space<semaphore_mem>> -> memref<!tpu.dma_semaphore, #tpu.memory_space<semaphore_mem>>
    tpu.wait_indirect_dma semaphore(%dma_wait3A_108 : memref<!tpu.dma_semaphore, #tpu.memory_space<semaphore_mem>>) src(%dma_wait3A_106 : memref<367x128xf32, #tpu.memory_space<vmem_shared>>) dst(%arg13 : memref<80x128xf32, #tpu.memory_space<vmem>>)
    %add3A_109 = arith.constant 640 : i32
    %add3A_110 = arith.addi %mul3A_2, %add3A_109 : i32
    %dma_start3A_111 = arith.constant 0 : i32
    %dma_start3A_112 = tpu.memref_slice %arg2[%add3A_110] : memref<3276800xi32, #tpu.memory_space<hbm>> -> memref<80xi32, #tpu.memory_space<hbm>>
    %dma_start3A_113 = tpu.memref_slice %arg22[%dma_start3A_111] : memref<8x!tpu.dma_semaphore, #tpu.memory_space<semaphore_mem>> -> memref<1x!tpu.dma_semaphore, #tpu.memory_space<semaphore_mem>>
    %dma_start3A_114 = tpu.memref_squeeze %dma_start3A_113 : memref<1x!tpu.dma_semaphore, #tpu.memory_space<semaphore_mem>> -> memref<!tpu.dma_semaphore, #tpu.memory_space<semaphore_mem>>
    %dma_start3A_115 = tpu.memref_slice %arg2[%add3A_110] : memref<3276800xi32, #tpu.memory_space<hbm>> -> memref<80xi32, #tpu.memory_space<hbm>>
    tpu.enqueue_dma source(%dma_start3A_115 : memref<80xi32, #tpu.memory_space<hbm>>) target(%arg5 : memref<80xi32, #tpu.memory_space<vmem>>) target_semaphore(%dma_start3A_114 : memref<!tpu.dma_semaphore, #tpu.memory_space<semaphore_mem>>)
    %add3A_116 = arith.constant 0 : i32
    %add3A_117 = arith.addi %mul3A_2, %add3A_116 : i32
    %dma_start3A_118 = arith.constant 0 : i32
    %dma_start3A_119 = arith.constant 0 : i32
    %dma_start3A_120 = tpu.memref_slice %arg4[%add3A_117, %dma_start3A_119] : memref<3276800x128xf32, #tpu.memory_space<hbm>> -> memref<80x128xf32, #tpu.memory_space<hbm>>
    %dma_start3A_121 = tpu.memref_slice %arg24[%dma_start3A_118] : memref<8x!tpu.dma_semaphore, #tpu.memory_space<semaphore_mem>> -> memref<1x!tpu.dma_semaphore, #tpu.memory_space<semaphore_mem>>
    %dma_start3A_122 = tpu.memref_squeeze %dma_start3A_121 : memref<1x!tpu.dma_semaphore, #tpu.memory_space<semaphore_mem>> -> memref<!tpu.dma_semaphore, #tpu.memory_space<semaphore_mem>>
    %dma_start3A_123 = arith.constant 0 : i32
    %dma_start3A_124 = tpu.memref_slice %arg4[%add3A_117, %dma_start3A_123] : memref<3276800x128xf32, #tpu.memory_space<hbm>> -> memref<80x128xf32, #tpu.memory_space<hbm>>
    tpu.enqueue_dma source(%arg13 : memref<80x128xf32, #tpu.memory_space<vmem>>) target(%dma_start3A_124 : memref<80x128xf32, #tpu.memory_space<hbm>>) target_semaphore(%dma_start3A_122 : memref<!tpu.dma_semaphore, #tpu.memory_space<semaphore_mem>>)
    %dma_wait3A_125 = arith.constant 4 : i32
    %dma_wait3A_126 = tpu.memref_slice %arg2[%mul3A_2] : memref<3276800xi32, #tpu.memory_space<hbm>> -> memref<80xi32, #tpu.memory_space<hbm>>
    %dma_wait3A_127 = tpu.memref_slice %arg22[%dma_wait3A_125] : memref<8x!tpu.dma_semaphore, #tpu.memory_space<semaphore_mem>> -> memref<1x!tpu.dma_semaphore, #tpu.memory_space<semaphore_mem>>
    %dma_wait3A_128 = tpu.memref_squeeze %dma_wait3A_127 : memref<1x!tpu.dma_semaphore, #tpu.memory_space<semaphore_mem>> -> memref<!tpu.dma_semaphore, #tpu.memory_space<semaphore_mem>>
    %dma_wait3A_129 = tpu.memref_slice %arg2[%mul3A_2] : memref<3276800xi32, #tpu.memory_space<hbm>> -> memref<80xi32, #tpu.memory_space<hbm>>
    tpu.wait_dma2 semaphore(%dma_wait3A_128 : memref<!tpu.dma_semaphore, #tpu.memory_space<semaphore_mem>>) src(%dma_wait3A_129 : memref<80xi32, #tpu.memory_space<hbm>>) dst(%arg9 : memref<80xi32, #tpu.memory_space<vmem>>)
    %dma_start3A_130 = arith.constant 4 : i32
    %dma_start3A_131 = arith.constant 0 : i32
    %dma_start3A_132 = arith.constant 0 : i32
    %dma_start3A_133 = tpu.memref_slice %arg21[%dma_start3A_131, %dma_start3A_132] : memref<367x128xf32, #tpu.memory_space<vmem_shared>> -> memref<367x128xf32, #tpu.memory_space<vmem_shared>>
    %dma_start3A_134 = tpu.memref_slice %arg23[%dma_start3A_130] : memref<8x!tpu.dma_semaphore, #tpu.memory_space<semaphore_mem>> -> memref<1x!tpu.dma_semaphore, #tpu.memory_space<semaphore_mem>>
    %dma_start3A_135 = tpu.memref_squeeze %dma_start3A_134 : memref<1x!tpu.dma_semaphore, #tpu.memory_space<semaphore_mem>> -> memref<!tpu.dma_semaphore, #tpu.memory_space<semaphore_mem>>
    tpu.enqueue_indirect_dma source(%dma_start3A_133 : memref<367x128xf32, #tpu.memory_space<vmem_shared>>) target(%arg17 : memref<80x128xf32, #tpu.memory_space<vmem>>) offsets(%arg9 : memref<80xi32, #tpu.memory_space<vmem>>) semaphore(%dma_start3A_135 : memref<!tpu.dma_semaphore, #tpu.memory_space<semaphore_mem>>)
    %dma_wait3A_136 = arith.constant 1 : i32
    %dma_wait3A_137 = arith.constant 0 : i32
    %dma_wait3A_138 = arith.constant 0 : i32
    %dma_wait3A_139 = tpu.memref_slice %arg21[%dma_wait3A_137, %dma_wait3A_138] : memref<367x128xf32, #tpu.memory_space<vmem_shared>> -> memref<367x128xf32, #tpu.memory_space<vmem_shared>>
    %dma_wait3A_140 = tpu.memref_slice %arg23[%dma_wait3A_136] : memref<8x!tpu.dma_semaphore, #tpu.memory_space<semaphore_mem>> -> memref<1x!tpu.dma_semaphore, #tpu.memory_space<semaphore_mem>>
    %dma_wait3A_141 = tpu.memref_squeeze %dma_wait3A_140 : memref<1x!tpu.dma_semaphore, #tpu.memory_space<semaphore_mem>> -> memref<!tpu.dma_semaphore, #tpu.memory_space<semaphore_mem>>
    tpu.wait_indirect_dma semaphore(%dma_wait3A_141 : memref<!tpu.dma_semaphore, #tpu.memory_space<semaphore_mem>>) src(%dma_wait3A_139 : memref<367x128xf32, #tpu.memory_space<vmem_shared>>) dst(%arg14 : memref<80x128xf32, #tpu.memory_space<vmem>>)
    %add3A_142 = arith.constant 720 : i32
    %add3A_143 = arith.addi %mul3A_2, %add3A_142 : i32
    %dma_start3A_144 = arith.constant 1 : i32
    %dma_start3A_145 = tpu.memref_slice %arg2[%add3A_143] : memref<3276800xi32, #tpu.memory_space<hbm>> -> memref<80xi32, #tpu.memory_space<hbm>>
    %dma_start3A_146 = tpu.memref_slice %arg22[%dma_start3A_144] : memref<8x!tpu.dma_semaphore, #tpu.memory_space<semaphore_mem>> -> memref<1x!tpu.dma_semaphore, #tpu.memory_space<semaphore_mem>>
    %dma_start3A_147 = tpu.memref_squeeze %dma_start3A_146 : memref<1x!tpu.dma_semaphore, #tpu.memory_space<semaphore_mem>> -> memref<!tpu.dma_semaphore, #tpu.memory_space<semaphore_mem>>
    %dma_start3A_148 = tpu.memref_slice %arg2[%add3A_143] : memref<3276800xi32, #tpu.memory_space<hbm>> -> memref<80xi32, #tpu.memory_space<hbm>>
    tpu.enqueue_dma source(%dma_start3A_148 : memref<80xi32, #tpu.memory_space<hbm>>) target(%arg6 : memref<80xi32, #tpu.memory_space<vmem>>) target_semaphore(%dma_start3A_147 : memref<!tpu.dma_semaphore, #tpu.memory_space<semaphore_mem>>)
    %add3A_149 = arith.constant 80 : i32
    %add3A_150 = arith.addi %mul3A_2, %add3A_149 : i32
    %dma_start3A_151 = arith.constant 1 : i32
    %dma_start3A_152 = arith.constant 0 : i32
    %dma_start3A_153 = tpu.memref_slice %arg4[%add3A_150, %dma_start3A_152] : memref<3276800x128xf32, #tpu.memory_space<hbm>> -> memref<80x128xf32, #tpu.memory_space<hbm>>
    %dma_start3A_154 = tpu.memref_slice %arg24[%dma_start3A_151] : memref<8x!tpu.dma_semaphore, #tpu.memory_space<semaphore_mem>> -> memref<1x!tpu.dma_semaphore, #tpu.memory_space<semaphore_mem>>
    %dma_start3A_155 = tpu.memref_squeeze %dma_start3A_154 : memref<1x!tpu.dma_semaphore, #tpu.memory_space<semaphore_mem>> -> memref<!tpu.dma_semaphore, #tpu.memory_space<semaphore_mem>>
    %dma_start3A_156 = arith.constant 0 : i32
    %dma_start3A_157 = tpu.memref_slice %arg4[%add3A_150, %dma_start3A_156] : memref<3276800x128xf32, #tpu.memory_space<hbm>> -> memref<80x128xf32, #tpu.memory_space<hbm>>
    tpu.enqueue_dma source(%arg14 : memref<80x128xf32, #tpu.memory_space<vmem>>) target(%dma_start3A_157 : memref<80x128xf32, #tpu.memory_space<hbm>>) target_semaphore(%dma_start3A_155 : memref<!tpu.dma_semaphore, #tpu.memory_space<semaphore_mem>>)
    %dma_wait3A_158 = arith.constant 5 : i32
    %dma_wait3A_159 = tpu.memref_slice %arg2[%mul3A_2] : memref<3276800xi32, #tpu.memory_space<hbm>> -> memref<80xi32, #tpu.memory_space<hbm>>
    %dma_wait3A_160 = tpu.memref_slice %arg22[%dma_wait3A_158] : memref<8x!tpu.dma_semaphore, #tpu.memory_space<semaphore_mem>> -> memref<1x!tpu.dma_semaphore, #tpu.memory_space<semaphore_mem>>
    %dma_wait3A_161 = tpu.memref_squeeze %dma_wait3A_160 : memref<1x!tpu.dma_semaphore, #tpu.memory_space<semaphore_mem>> -> memref<!tpu.dma_semaphore, #tpu.memory_space<semaphore_mem>>
    %dma_wait3A_162 = tpu.memref_slice %arg2[%mul3A_2] : memref<3276800xi32, #tpu.memory_space<hbm>> -> memref<80xi32, #tpu.memory_space<hbm>>
    tpu.wait_dma2 semaphore(%dma_wait3A_161 : memref<!tpu.dma_semaphore, #tpu.memory_space<semaphore_mem>>) src(%dma_wait3A_162 : memref<80xi32, #tpu.memory_space<hbm>>) dst(%arg10 : memref<80xi32, #tpu.memory_space<vmem>>)
    %dma_start3A_163 = arith.constant 5 : i32
    %dma_start3A_164 = arith.constant 0 : i32
    %dma_start3A_165 = arith.constant 0 : i32
    %dma_start3A_166 = tpu.memref_slice %arg21[%dma_start3A_164, %dma_start3A_165] : memref<367x128xf32, #tpu.memory_space<vmem_shared>> -> memref<367x128xf32, #tpu.memory_space<vmem_shared>>
    %dma_start3A_167 = tpu.memref_slice %arg23[%dma_start3A_163] : memref<8x!tpu.dma_semaphore, #tpu.memory_space<semaphore_mem>> -> memref<1x!tpu.dma_semaphore, #tpu.memory_space<semaphore_mem>>
    %dma_start3A_168 = tpu.memref_squeeze %dma_start3A_167 : memref<1x!tpu.dma_semaphore, #tpu.memory_space<semaphore_mem>> -> memref<!tpu.dma_semaphore, #tpu.memory_space<semaphore_mem>>
    tpu.enqueue_indirect_dma source(%dma_start3A_166 : memref<367x128xf32, #tpu.memory_space<vmem_shared>>) target(%arg18 : memref<80x128xf32, #tpu.memory_space<vmem>>) offsets(%arg10 : memref<80xi32, #tpu.memory_space<vmem>>) semaphore(%dma_start3A_168 : memref<!tpu.dma_semaphore, #tpu.memory_space<semaphore_mem>>)
    %dma_wait3A_169 = arith.constant 2 : i32
    %dma_wait3A_170 = arith.constant 0 : i32
    %dma_wait3A_171 = arith.constant 0 : i32
    %dma_wait3A_172 = tpu.memref_slice %arg21[%dma_wait3A_170, %dma_wait3A_171] : memref<367x128xf32, #tpu.memory_space<vmem_shared>> -> memref<367x128xf32, #tpu.memory_space<vmem_shared>>
    %dma_wait3A_173 = tpu.memref_slice %arg23[%dma_wait3A_169] : memref<8x!tpu.dma_semaphore, #tpu.memory_space<semaphore_mem>> -> memref<1x!tpu.dma_semaphore, #tpu.memory_space<semaphore_mem>>
    %dma_wait3A_174 = tpu.memref_squeeze %dma_wait3A_173 : memref<1x!tpu.dma_semaphore, #tpu.memory_space<semaphore_mem>> -> memref<!tpu.dma_semaphore, #tpu.memory_space<semaphore_mem>>
    tpu.wait_indirect_dma semaphore(%dma_wait3A_174 : memref<!tpu.dma_semaphore, #tpu.memory_space<semaphore_mem>>) src(%dma_wait3A_172 : memref<367x128xf32, #tpu.memory_space<vmem_shared>>) dst(%arg15 : memref<80x128xf32, #tpu.memory_space<vmem>>)
    %add3A_175 = arith.constant 800 : i32
    %add3A_176 = arith.addi %mul3A_2, %add3A_175 : i32
    %dma_start3A_177 = arith.constant 2 : i32
    %dma_start3A_178 = tpu.memref_slice %arg2[%add3A_176] : memref<3276800xi32, #tpu.memory_space<hbm>> -> memref<80xi32, #tpu.memory_space<hbm>>
    %dma_start3A_179 = tpu.memref_slice %arg22[%dma_start3A_177] : memref<8x!tpu.dma_semaphore, #tpu.memory_space<semaphore_mem>> -> memref<1x!tpu.dma_semaphore, #tpu.memory_space<semaphore_mem>>
    %dma_start3A_180 = tpu.memref_squeeze %dma_start3A_179 : memref<1x!tpu.dma_semaphore, #tpu.memory_space<semaphore_mem>> -> memref<!tpu.dma_semaphore, #tpu.memory_space<semaphore_mem>>
    %dma_start3A_181 = tpu.memref_slice %arg2[%add3A_176] : memref<3276800xi32, #tpu.memory_space<hbm>> -> memref<80xi32, #tpu.memory_space<hbm>>
    tpu.enqueue_dma source(%dma_start3A_181 : memref<80xi32, #tpu.memory_space<hbm>>) target(%arg7 : memref<80xi32, #tpu.memory_space<vmem>>) target_semaphore(%dma_start3A_180 : memref<!tpu.dma_semaphore, #tpu.memory_space<semaphore_mem>>)
    %add3A_182 = arith.constant 160 : i32
    %add3A_183 = arith.addi %mul3A_2, %add3A_182 : i32
    %dma_start3A_184 = arith.constant 2 : i32
    %dma_start3A_185 = arith.constant 0 : i32
    %dma_start3A_186 = tpu.memref_slice %arg4[%add3A_183, %dma_start3A_185] : memref<3276800x128xf32, #tpu.memory_space<hbm>> -> memref<80x128xf32, #tpu.memory_space<hbm>>
    %dma_start3A_187 = tpu.memref_slice %arg24[%dma_start3A_184] : memref<8x!tpu.dma_semaphore, #tpu.memory_space<semaphore_mem>> -> memref<1x!tpu.dma_semaphore, #tpu.memory_space<semaphore_mem>>
    %dma_start3A_188 = tpu.memref_squeeze %dma_start3A_187 : memref<1x!tpu.dma_semaphore, #tpu.memory_space<semaphore_mem>> -> memref<!tpu.dma_semaphore, #tpu.memory_space<semaphore_mem>>
    %dma_start3A_189 = arith.constant 0 : i32
    %dma_start3A_190 = tpu.memref_slice %arg4[%add3A_183, %dma_start3A_189] : memref<3276800x128xf32, #tpu.memory_space<hbm>> -> memref<80x128xf32, #tpu.memory_space<hbm>>
    tpu.enqueue_dma source(%arg15 : memref<80x128xf32, #tpu.memory_space<vmem>>) target(%dma_start3A_190 : memref<80x128xf32, #tpu.memory_space<hbm>>) target_semaphore(%dma_start3A_188 : memref<!tpu.dma_semaphore, #tpu.memory_space<semaphore_mem>>)
    %dma_wait3A_191 = arith.constant 6 : i32
    %dma_wait3A_192 = tpu.memref_slice %arg2[%mul3A_2] : memref<3276800xi32, #tpu.memory_space<hbm>> -> memref<80xi32, #tpu.memory_space<hbm>>
    %dma_wait3A_193 = tpu.memref_slice %arg22[%dma_wait3A_191] : memref<8x!tpu.dma_semaphore, #tpu.memory_space<semaphore_mem>> -> memref<1x!tpu.dma_semaphore, #tpu.memory_space<semaphore_mem>>
    %dma_wait3A_194 = tpu.memref_squeeze %dma_wait3A_193 : memref<1x!tpu.dma_semaphore, #tpu.memory_space<semaphore_mem>> -> memref<!tpu.dma_semaphore, #tpu.memory_space<semaphore_mem>>
    %dma_wait3A_195 = tpu.memref_slice %arg2[%mul3A_2] : memref<3276800xi32, #tpu.memory_space<hbm>> -> memref<80xi32, #tpu.memory_space<hbm>>
    tpu.wait_dma2 semaphore(%dma_wait3A_194 : memref<!tpu.dma_semaphore, #tpu.memory_space<semaphore_mem>>) src(%dma_wait3A_195 : memref<80xi32, #tpu.memory_space<hbm>>) dst(%arg11 : memref<80xi32, #tpu.memory_space<vmem>>)
    %dma_start3A_196 = arith.constant 6 : i32
    %dma_start3A_197 = arith.constant 0 : i32
    %dma_start3A_198 = arith.constant 0 : i32
    %dma_start3A_199 = tpu.memref_slice %arg21[%dma_start3A_197, %dma_start3A_198] : memref<367x128xf32, #tpu.memory_space<vmem_shared>> -> memref<367x128xf32, #tpu.memory_space<vmem_shared>>
    %dma_start3A_200 = tpu.memref_slice %arg23[%dma_start3A_196] : memref<8x!tpu.dma_semaphore, #tpu.memory_space<semaphore_mem>> -> memref<1x!tpu.dma_semaphore, #tpu.memory_space<semaphore_mem>>
    %dma_start3A_201 = tpu.memref_squeeze %dma_start3A_200 : memref<1x!tpu.dma_semaphore, #tpu.memory_space<semaphore_mem>> -> memref<!tpu.dma_semaphore, #tpu.memory_space<semaphore_mem>>
    tpu.enqueue_indirect_dma source(%dma_start3A_199 : memref<367x128xf32, #tpu.memory_space<vmem_shared>>) target(%arg19 : memref<80x128xf32, #tpu.memory_space<vmem>>) offsets(%arg11 : memref<80xi32, #tpu.memory_space<vmem>>) semaphore(%dma_start3A_201 : memref<!tpu.dma_semaphore, #tpu.memory_space<semaphore_mem>>)
    %dma_wait3A_202 = arith.constant 3 : i32
    %dma_wait3A_203 = arith.constant 0 : i32
    %dma_wait3A_204 = arith.constant 0 : i32
    %dma_wait3A_205 = tpu.memref_slice %arg21[%dma_wait3A_203, %dma_wait3A_204] : memref<367x128xf32, #tpu.memory_space<vmem_shared>> -> memref<367x128xf32, #tpu.memory_space<vmem_shared>>
    %dma_wait3A_206 = tpu.memref_slice %arg23[%dma_wait3A_202] : memref<8x!tpu.dma_semaphore, #tpu.memory_space<semaphore_mem>> -> memref<1x!tpu.dma_semaphore, #tpu.memory_space<semaphore_mem>>
    %dma_wait3A_207 = tpu.memref_squeeze %dma_wait3A_206 : memref<1x!tpu.dma_semaphore, #tpu.memory_space<semaphore_mem>> -> memref<!tpu.dma_semaphore, #tpu.memory_space<semaphore_mem>>
    tpu.wait_indirect_dma semaphore(%dma_wait3A_207 : memref<!tpu.dma_semaphore, #tpu.memory_space<semaphore_mem>>) src(%dma_wait3A_205 : memref<367x128xf32, #tpu.memory_space<vmem_shared>>) dst(%arg16 : memref<80x128xf32, #tpu.memory_space<vmem>>)
    %add3A_208 = arith.constant 880 : i32
    %add3A_209 = arith.addi %mul3A_2, %add3A_208 : i32
    %dma_start3A_210 = arith.constant 3 : i32
    %dma_start3A_211 = tpu.memref_slice %arg2[%add3A_209] : memref<3276800xi32, #tpu.memory_space<hbm>> -> memref<80xi32, #tpu.memory_space<hbm>>
    %dma_start3A_212 = tpu.memref_slice %arg22[%dma_start3A_210] : memref<8x!tpu.dma_semaphore, #tpu.memory_space<semaphore_mem>> -> memref<1x!tpu.dma_semaphore, #tpu.memory_space<semaphore_mem>>
    %dma_start3A_213 = tpu.memref_squeeze %dma_start3A_212 : memref<1x!tpu.dma_semaphore, #tpu.memory_space<semaphore_mem>> -> memref<!tpu.dma_semaphore, #tpu.memory_space<semaphore_mem>>
    %dma_start3A_214 = tpu.memref_slice %arg2[%add3A_209] : memref<3276800xi32, #tpu.memory_space<hbm>> -> memref<80xi32, #tpu.memory_space<hbm>>
    tpu.enqueue_dma source(%dma_start3A_214 : memref<80xi32, #tpu.memory_space<hbm>>) target(%arg8 : memref<80xi32, #tpu.memory_space<vmem>>) target_semaphore(%dma_start3A_213 : memref<!tpu.dma_semaphore, #tpu.memory_space<semaphore_mem>>)
    %add3A_215 = arith.constant 240 : i32
    %add3A_216 = arith.addi %mul3A_2, %add3A_215 : i32
    %dma_start3A_217 = arith.constant 3 : i32
    %dma_start3A_218 = arith.constant 0 : i32
    %dma_start3A_219 = tpu.memref_slice %arg4[%add3A_216, %dma_start3A_218] : memref<3276800x128xf32, #tpu.memory_space<hbm>> -> memref<80x128xf32, #tpu.memory_space<hbm>>
    %dma_start3A_220 = tpu.memref_slice %arg24[%dma_start3A_217] : memref<8x!tpu.dma_semaphore, #tpu.memory_space<semaphore_mem>> -> memref<1x!tpu.dma_semaphore, #tpu.memory_space<semaphore_mem>>
    %dma_start3A_221 = tpu.memref_squeeze %dma_start3A_220 : memref<1x!tpu.dma_semaphore, #tpu.memory_space<semaphore_mem>> -> memref<!tpu.dma_semaphore, #tpu.memory_space<semaphore_mem>>
    %dma_start3A_222 = arith.constant 0 : i32
    %dma_start3A_223 = tpu.memref_slice %arg4[%add3A_216, %dma_start3A_222] : memref<3276800x128xf32, #tpu.memory_space<hbm>> -> memref<80x128xf32, #tpu.memory_space<hbm>>
    tpu.enqueue_dma source(%arg16 : memref<80x128xf32, #tpu.memory_space<vmem>>) target(%dma_start3A_223 : memref<80x128xf32, #tpu.memory_space<hbm>>) target_semaphore(%dma_start3A_221 : memref<!tpu.dma_semaphore, #tpu.memory_space<semaphore_mem>>)
    %dma_wait3A_224 = arith.constant 7 : i32
    %dma_wait3A_225 = tpu.memref_slice %arg2[%mul3A_2] : memref<3276800xi32, #tpu.memory_space<hbm>> -> memref<80xi32, #tpu.memory_space<hbm>>
    %dma_wait3A_226 = tpu.memref_slice %arg22[%dma_wait3A_224] : memref<8x!tpu.dma_semaphore, #tpu.memory_space<semaphore_mem>> -> memref<1x!tpu.dma_semaphore, #tpu.memory_space<semaphore_mem>>
    %dma_wait3A_227 = tpu.memref_squeeze %dma_wait3A_226 : memref<1x!tpu.dma_semaphore, #tpu.memory_space<semaphore_mem>> -> memref<!tpu.dma_semaphore, #tpu.memory_space<semaphore_mem>>
    %dma_wait3A_228 = tpu.memref_slice %arg2[%mul3A_2] : memref<3276800xi32, #tpu.memory_space<hbm>> -> memref<80xi32, #tpu.memory_space<hbm>>
    tpu.wait_dma2 semaphore(%dma_wait3A_227 : memref<!tpu.dma_semaphore, #tpu.memory_space<semaphore_mem>>) src(%dma_wait3A_228 : memref<80xi32, #tpu.memory_space<hbm>>) dst(%arg12 : memref<80xi32, #tpu.memory_space<vmem>>)
    %dma_start3A_229 = arith.constant 7 : i32
    %dma_start3A_230 = arith.constant 0 : i32
    %dma_start3A_231 = arith.constant 0 : i32
    %dma_start3A_232 = tpu.memref_slice %arg21[%dma_start3A_230, %dma_start3A_231] : memref<367x128xf32, #tpu.memory_space<vmem_shared>> -> memref<367x128xf32, #tpu.memory_space<vmem_shared>>
    %dma_start3A_233 = tpu.memref_slice %arg23[%dma_start3A_229] : memref<8x!tpu.dma_semaphore, #tpu.memory_space<semaphore_mem>> -> memref<1x!tpu.dma_semaphore, #tpu.memory_space<semaphore_mem>>
    %dma_start3A_234 = tpu.memref_squeeze %dma_start3A_233 : memref<1x!tpu.dma_semaphore, #tpu.memory_space<semaphore_mem>> -> memref<!tpu.dma_semaphore, #tpu.memory_space<semaphore_mem>>
    tpu.enqueue_indirect_dma source(%dma_start3A_232 : memref<367x128xf32, #tpu.memory_space<vmem_shared>>) target(%arg20 : memref<80x128xf32, #tpu.memory_space<vmem>>) offsets(%arg12 : memref<80xi32, #tpu.memory_space<vmem>>) semaphore(%dma_start3A_234 : memref<!tpu.dma_semaphore, #tpu.memory_space<semaphore_mem>>)
    %dma_wait3A_235 = arith.constant 4 : i32
    %dma_wait3A_236 = arith.constant 0 : i32
    %dma_wait3A_237 = arith.constant 0 : i32
    %dma_wait3A_238 = tpu.memref_slice %arg21[%dma_wait3A_236, %dma_wait3A_237] : memref<367x128xf32, #tpu.memory_space<vmem_shared>> -> memref<367x128xf32, #tpu.memory_space<vmem_shared>>
    %dma_wait3A_239 = tpu.memref_slice %arg23[%dma_wait3A_235] : memref<8x!tpu.dma_semaphore, #tpu.memory_space<semaphore_mem>> -> memref<1x!tpu.dma_semaphore, #tpu.memory_space<semaphore_mem>>
    %dma_wait3A_240 = tpu.memref_squeeze %dma_wait3A_239 : memref<1x!tpu.dma_semaphore, #tpu.memory_space<semaphore_mem>> -> memref<!tpu.dma_semaphore, #tpu.memory_space<semaphore_mem>>
    tpu.wait_indirect_dma semaphore(%dma_wait3A_240 : memref<!tpu.dma_semaphore, #tpu.memory_space<semaphore_mem>>) src(%dma_wait3A_238 : memref<367x128xf32, #tpu.memory_space<vmem_shared>>) dst(%arg17 : memref<80x128xf32, #tpu.memory_space<vmem>>)
    %add3A_241 = arith.constant 960 : i32
    %add3A_242 = arith.addi %mul3A_2, %add3A_241 : i32
    %dma_start3A_243 = arith.constant 4 : i32
    %dma_start3A_244 = tpu.memref_slice %arg2[%add3A_242] : memref<3276800xi32, #tpu.memory_space<hbm>> -> memref<80xi32, #tpu.memory_space<hbm>>
    %dma_start3A_245 = tpu.memref_slice %arg22[%dma_start3A_243] : memref<8x!tpu.dma_semaphore, #tpu.memory_space<semaphore_mem>> -> memref<1x!tpu.dma_semaphore, #tpu.memory_space<semaphore_mem>>
    %dma_start3A_246 = tpu.memref_squeeze %dma_start3A_245 : memref<1x!tpu.dma_semaphore, #tpu.memory_space<semaphore_mem>> -> memref<!tpu.dma_semaphore, #tpu.memory_space<semaphore_mem>>
    %dma_start3A_247 = tpu.memref_slice %arg2[%add3A_242] : memref<3276800xi32, #tpu.memory_space<hbm>> -> memref<80xi32, #tpu.memory_space<hbm>>
    tpu.enqueue_dma source(%dma_start3A_247 : memref<80xi32, #tpu.memory_space<hbm>>) target(%arg9 : memref<80xi32, #tpu.memory_space<vmem>>) target_semaphore(%dma_start3A_246 : memref<!tpu.dma_semaphore, #tpu.memory_space<semaphore_mem>>)
    %add3A_248 = arith.constant 320 : i32
    %add3A_249 = arith.addi %mul3A_2, %add3A_248 : i32
    %dma_start3A_250 = arith.constant 4 : i32
    %dma_start3A_251 = arith.constant 0 : i32
    %dma_start3A_252 = tpu.memref_slice %arg4[%add3A_249, %dma_start3A_251] : memref<3276800x128xf32, #tpu.memory_space<hbm>> -> memref<80x128xf32, #tpu.memory_space<hbm>>
    %dma_start3A_253 = tpu.memref_slice %arg24[%dma_start3A_250] : memref<8x!tpu.dma_semaphore, #tpu.memory_space<semaphore_mem>> -> memref<1x!tpu.dma_semaphore, #tpu.memory_space<semaphore_mem>>
    %dma_start3A_254 = tpu.memref_squeeze %dma_start3A_253 : memref<1x!tpu.dma_semaphore, #tpu.memory_space<semaphore_mem>> -> memref<!tpu.dma_semaphore, #tpu.memory_space<semaphore_mem>>
    %dma_start3A_255 = arith.constant 0 : i32
    %dma_start3A_256 = tpu.memref_slice %arg4[%add3A_249, %dma_start3A_255] : memref<3276800x128xf32, #tpu.memory_space<hbm>> -> memref<80x128xf32, #tpu.memory_space<hbm>>
    tpu.enqueue_dma source(%arg17 : memref<80x128xf32, #tpu.memory_space<vmem>>) target(%dma_start3A_256 : memref<80x128xf32, #tpu.memory_space<hbm>>) target_semaphore(%dma_start3A_254 : memref<!tpu.dma_semaphore, #tpu.memory_space<semaphore_mem>>)
    %dma_wait3A_257 = arith.constant 0 : i32
    %dma_wait3A_258 = arith.constant 0 : i32
    %dma_wait3A_259 = tpu.memref_slice %arg4[%mul3A_2, %dma_wait3A_258] : memref<3276800x128xf32, #tpu.memory_space<hbm>> -> memref<80x128xf32, #tpu.memory_space<hbm>>
    %dma_wait3A_260 = tpu.memref_slice %arg24[%dma_wait3A_257] : memref<8x!tpu.dma_semaphore, #tpu.memory_space<semaphore_mem>> -> memref<1x!tpu.dma_semaphore, #tpu.memory_space<semaphore_mem>>
    %dma_wait3A_261 = tpu.memref_squeeze %dma_wait3A_260 : memref<1x!tpu.dma_semaphore, #tpu.memory_space<semaphore_mem>> -> memref<!tpu.dma_semaphore, #tpu.memory_space<semaphore_mem>>
    %dma_wait3A_262 = arith.constant 0 : i32
    %dma_wait3A_263 = tpu.memref_slice %arg4[%mul3A_2, %dma_wait3A_262] : memref<3276800x128xf32, #tpu.memory_space<hbm>> -> memref<80x128xf32, #tpu.memory_space<hbm>>
    tpu.wait_dma2 semaphore(%dma_wait3A_261 : memref<!tpu.dma_semaphore, #tpu.memory_space<semaphore_mem>>) src(%arg13 : memref<80x128xf32, #tpu.memory_space<vmem>>) dst(%dma_wait3A_263 : memref<80x128xf32, #tpu.memory_space<hbm>>)
    %dma_wait3A_264 = arith.constant 0 : i32
    %dma_wait3A_265 = tpu.memref_slice %arg2[%mul3A_2] : memref<3276800xi32, #tpu.memory_space<hbm>> -> memref<80xi32, #tpu.memory_space<hbm>>
    %dma_wait3A_266 = tpu.memref_slice %arg22[%dma_wait3A_264] : memref<8x!tpu.dma_semaphore, #tpu.memory_space<semaphore_mem>> -> memref<1x!tpu.dma_semaphore, #tpu.memory_space<semaphore_mem>>
    %dma_wait3A_267 = tpu.memref_squeeze %dma_wait3A_266 : memref<1x!tpu.dma_semaphore, #tpu.memory_space<semaphore_mem>> -> memref<!tpu.dma_semaphore, #tpu.memory_space<semaphore_mem>>
    %dma_wait3A_268 = tpu.memref_slice %arg2[%mul3A_2] : memref<3276800xi32, #tpu.memory_space<hbm>> -> memref<80xi32, #tpu.memory_space<hbm>>
    tpu.wait_dma2 semaphore(%dma_wait3A_267 : memref<!tpu.dma_semaphore, #tpu.memory_space<semaphore_mem>>) src(%dma_wait3A_268 : memref<80xi32, #tpu.memory_space<hbm>>) dst(%arg5 : memref<80xi32, #tpu.memory_space<vmem>>)
    %dma_start3A_269 = arith.constant 0 : i32
    %dma_start3A_270 = arith.constant 0 : i32
    %dma_start3A_271 = arith.constant 0 : i32
    %dma_start3A_272 = tpu.memref_slice %arg21[%dma_start3A_270, %dma_start3A_271] : memref<367x128xf32, #tpu.memory_space<vmem_shared>> -> memref<367x128xf32, #tpu.memory_space<vmem_shared>>
    %dma_start3A_273 = tpu.memref_slice %arg23[%dma_start3A_269] : memref<8x!tpu.dma_semaphore, #tpu.memory_space<semaphore_mem>> -> memref<1x!tpu.dma_semaphore, #tpu.memory_space<semaphore_mem>>
    %dma_start3A_274 = tpu.memref_squeeze %dma_start3A_273 : memref<1x!tpu.dma_semaphore, #tpu.memory_space<semaphore_mem>> -> memref<!tpu.dma_semaphore, #tpu.memory_space<semaphore_mem>>
    tpu.enqueue_indirect_dma source(%dma_start3A_272 : memref<367x128xf32, #tpu.memory_space<vmem_shared>>) target(%arg13 : memref<80x128xf32, #tpu.memory_space<vmem>>) offsets(%arg5 : memref<80xi32, #tpu.memory_space<vmem>>) semaphore(%dma_start3A_274 : memref<!tpu.dma_semaphore, #tpu.memory_space<semaphore_mem>>)
    %dma_wait3A_275 = arith.constant 5 : i32
    %dma_wait3A_276 = arith.constant 0 : i32
    %dma_wait3A_277 = arith.constant 0 : i32
    %dma_wait3A_278 = tpu.memref_slice %arg21[%dma_wait3A_276, %dma_wait3A_277] : memref<367x128xf32, #tpu.memory_space<vmem_shared>> -> memref<367x128xf32, #tpu.memory_space<vmem_shared>>
    %dma_wait3A_279 = tpu.memref_slice %arg23[%dma_wait3A_275] : memref<8x!tpu.dma_semaphore, #tpu.memory_space<semaphore_mem>> -> memref<1x!tpu.dma_semaphore, #tpu.memory_space<semaphore_mem>>
    %dma_wait3A_280 = tpu.memref_squeeze %dma_wait3A_279 : memref<1x!tpu.dma_semaphore, #tpu.memory_space<semaphore_mem>> -> memref<!tpu.dma_semaphore, #tpu.memory_space<semaphore_mem>>
    tpu.wait_indirect_dma semaphore(%dma_wait3A_280 : memref<!tpu.dma_semaphore, #tpu.memory_space<semaphore_mem>>) src(%dma_wait3A_278 : memref<367x128xf32, #tpu.memory_space<vmem_shared>>) dst(%arg18 : memref<80x128xf32, #tpu.memory_space<vmem>>)
    %add3A_281 = arith.constant 1040 : i32
    %add3A_282 = arith.addi %mul3A_2, %add3A_281 : i32
    %dma_start3A_283 = arith.constant 5 : i32
    %dma_start3A_284 = tpu.memref_slice %arg2[%add3A_282] : memref<3276800xi32, #tpu.memory_space<hbm>> -> memref<80xi32, #tpu.memory_space<hbm>>
    %dma_start3A_285 = tpu.memref_slice %arg22[%dma_start3A_283] : memref<8x!tpu.dma_semaphore, #tpu.memory_space<semaphore_mem>> -> memref<1x!tpu.dma_semaphore, #tpu.memory_space<semaphore_mem>>
    %dma_start3A_286 = tpu.memref_squeeze %dma_start3A_285 : memref<1x!tpu.dma_semaphore, #tpu.memory_space<semaphore_mem>> -> memref<!tpu.dma_semaphore, #tpu.memory_space<semaphore_mem>>
    %dma_start3A_287 = tpu.memref_slice %arg2[%add3A_282] : memref<3276800xi32, #tpu.memory_space<hbm>> -> memref<80xi32, #tpu.memory_space<hbm>>
    tpu.enqueue_dma source(%dma_start3A_287 : memref<80xi32, #tpu.memory_space<hbm>>) target(%arg10 : memref<80xi32, #tpu.memory_space<vmem>>) target_semaphore(%dma_start3A_286 : memref<!tpu.dma_semaphore, #tpu.memory_space<semaphore_mem>>)
    %add3A_288 = arith.constant 400 : i32
    %add3A_289 = arith.addi %mul3A_2, %add3A_288 : i32
    %dma_start3A_290 = arith.constant 5 : i32
    %dma_start3A_291 = arith.constant 0 : i32
    %dma_start3A_292 = tpu.memref_slice %arg4[%add3A_289, %dma_start3A_291] : memref<3276800x128xf32, #tpu.memory_space<hbm>> -> memref<80x128xf32, #tpu.memory_space<hbm>>
    %dma_start3A_293 = tpu.memref_slice %arg24[%dma_start3A_290] : memref<8x!tpu.dma_semaphore, #tpu.memory_space<semaphore_mem>> -> memref<1x!tpu.dma_semaphore, #tpu.memory_space<semaphore_mem>>
    %dma_start3A_294 = tpu.memref_squeeze %dma_start3A_293 : memref<1x!tpu.dma_semaphore, #tpu.memory_space<semaphore_mem>> -> memref<!tpu.dma_semaphore, #tpu.memory_space<semaphore_mem>>
    %dma_start3A_295 = arith.constant 0 : i32
    %dma_start3A_296 = tpu.memref_slice %arg4[%add3A_289, %dma_start3A_295] : memref<3276800x128xf32, #tpu.memory_space<hbm>> -> memref<80x128xf32, #tpu.memory_space<hbm>>
    tpu.enqueue_dma source(%arg18 : memref<80x128xf32, #tpu.memory_space<vmem>>) target(%dma_start3A_296 : memref<80x128xf32, #tpu.memory_space<hbm>>) target_semaphore(%dma_start3A_294 : memref<!tpu.dma_semaphore, #tpu.memory_space<semaphore_mem>>)
    %dma_wait3A_297 = arith.constant 1 : i32
    %dma_wait3A_298 = arith.constant 0 : i32
    %dma_wait3A_299 = tpu.memref_slice %arg4[%mul3A_2, %dma_wait3A_298] : memref<3276800x128xf32, #tpu.memory_space<hbm>> -> memref<80x128xf32, #tpu.memory_space<hbm>>
    %dma_wait3A_300 = tpu.memref_slice %arg24[%dma_wait3A_297] : memref<8x!tpu.dma_semaphore, #tpu.memory_space<semaphore_mem>> -> memref<1x!tpu.dma_semaphore, #tpu.memory_space<semaphore_mem>>
    %dma_wait3A_301 = tpu.memref_squeeze %dma_wait3A_300 : memref<1x!tpu.dma_semaphore, #tpu.memory_space<semaphore_mem>> -> memref<!tpu.dma_semaphore, #tpu.memory_space<semaphore_mem>>
    %dma_wait3A_302 = arith.constant 0 : i32
    %dma_wait3A_303 = tpu.memref_slice %arg4[%mul3A_2, %dma_wait3A_302] : memref<3276800x128xf32, #tpu.memory_space<hbm>> -> memref<80x128xf32, #tpu.memory_space<hbm>>
    tpu.wait_dma2 semaphore(%dma_wait3A_301 : memref<!tpu.dma_semaphore, #tpu.memory_space<semaphore_mem>>) src(%arg14 : memref<80x128xf32, #tpu.memory_space<vmem>>) dst(%dma_wait3A_303 : memref<80x128xf32, #tpu.memory_space<hbm>>)
    %dma_wait3A_304 = arith.constant 1 : i32
    %dma_wait3A_305 = tpu.memref_slice %arg2[%mul3A_2] : memref<3276800xi32, #tpu.memory_space<hbm>> -> memref<80xi32, #tpu.memory_space<hbm>>
    %dma_wait3A_306 = tpu.memref_slice %arg22[%dma_wait3A_304] : memref<8x!tpu.dma_semaphore, #tpu.memory_space<semaphore_mem>> -> memref<1x!tpu.dma_semaphore, #tpu.memory_space<semaphore_mem>>
    %dma_wait3A_307 = tpu.memref_squeeze %dma_wait3A_306 : memref<1x!tpu.dma_semaphore, #tpu.memory_space<semaphore_mem>> -> memref<!tpu.dma_semaphore, #tpu.memory_space<semaphore_mem>>
    %dma_wait3A_308 = tpu.memref_slice %arg2[%mul3A_2] : memref<3276800xi32, #tpu.memory_space<hbm>> -> memref<80xi32, #tpu.memory_space<hbm>>
    tpu.wait_dma2 semaphore(%dma_wait3A_307 : memref<!tpu.dma_semaphore, #tpu.memory_space<semaphore_mem>>) src(%dma_wait3A_308 : memref<80xi32, #tpu.memory_space<hbm>>) dst(%arg6 : memref<80xi32, #tpu.memory_space<vmem>>)
    %dma_start3A_309 = arith.constant 1 : i32
    %dma_start3A_310 = arith.constant 0 : i32
    %dma_start3A_311 = arith.constant 0 : i32
    %dma_start3A_312 = tpu.memref_slice %arg21[%dma_start3A_310, %dma_start3A_311] : memref<367x128xf32, #tpu.memory_space<vmem_shared>> -> memref<367x128xf32, #tpu.memory_space<vmem_shared>>
    %dma_start3A_313 = tpu.memref_slice %arg23[%dma_start3A_309] : memref<8x!tpu.dma_semaphore, #tpu.memory_space<semaphore_mem>> -> memref<1x!tpu.dma_semaphore, #tpu.memory_space<semaphore_mem>>
    %dma_start3A_314 = tpu.memref_squeeze %dma_start3A_313 : memref<1x!tpu.dma_semaphore, #tpu.memory_space<semaphore_mem>> -> memref<!tpu.dma_semaphore, #tpu.memory_space<semaphore_mem>>
    tpu.enqueue_indirect_dma source(%dma_start3A_312 : memref<367x128xf32, #tpu.memory_space<vmem_shared>>) target(%arg14 : memref<80x128xf32, #tpu.memory_space<vmem>>) offsets(%arg6 : memref<80xi32, #tpu.memory_space<vmem>>) semaphore(%dma_start3A_314 : memref<!tpu.dma_semaphore, #tpu.memory_space<semaphore_mem>>)
    %dma_wait3A_315 = arith.constant 6 : i32
    %dma_wait3A_316 = arith.constant 0 : i32
    %dma_wait3A_317 = arith.constant 0 : i32
    %dma_wait3A_318 = tpu.memref_slice %arg21[%dma_wait3A_316, %dma_wait3A_317] : memref<367x128xf32, #tpu.memory_space<vmem_shared>> -> memref<367x128xf32, #tpu.memory_space<vmem_shared>>
    %dma_wait3A_319 = tpu.memref_slice %arg23[%dma_wait3A_315] : memref<8x!tpu.dma_semaphore, #tpu.memory_space<semaphore_mem>> -> memref<1x!tpu.dma_semaphore, #tpu.memory_space<semaphore_mem>>
    %dma_wait3A_320 = tpu.memref_squeeze %dma_wait3A_319 : memref<1x!tpu.dma_semaphore, #tpu.memory_space<semaphore_mem>> -> memref<!tpu.dma_semaphore, #tpu.memory_space<semaphore_mem>>
    tpu.wait_indirect_dma semaphore(%dma_wait3A_320 : memref<!tpu.dma_semaphore, #tpu.memory_space<semaphore_mem>>) src(%dma_wait3A_318 : memref<367x128xf32, #tpu.memory_space<vmem_shared>>) dst(%arg19 : memref<80x128xf32, #tpu.memory_space<vmem>>)
    %add3A_321 = arith.constant 1120 : i32
    %add3A_322 = arith.addi %mul3A_2, %add3A_321 : i32
    %dma_start3A_323 = arith.constant 6 : i32
    %dma_start3A_324 = tpu.memref_slice %arg2[%add3A_322] : memref<3276800xi32, #tpu.memory_space<hbm>> -> memref<80xi32, #tpu.memory_space<hbm>>
    %dma_start3A_325 = tpu.memref_slice %arg22[%dma_start3A_323] : memref<8x!tpu.dma_semaphore, #tpu.memory_space<semaphore_mem>> -> memref<1x!tpu.dma_semaphore, #tpu.memory_space<semaphore_mem>>
    %dma_start3A_326 = tpu.memref_squeeze %dma_start3A_325 : memref<1x!tpu.dma_semaphore, #tpu.memory_space<semaphore_mem>> -> memref<!tpu.dma_semaphore, #tpu.memory_space<semaphore_mem>>
    %dma_start3A_327 = tpu.memref_slice %arg2[%add3A_322] : memref<3276800xi32, #tpu.memory_space<hbm>> -> memref<80xi32, #tpu.memory_space<hbm>>
    tpu.enqueue_dma source(%dma_start3A_327 : memref<80xi32, #tpu.memory_space<hbm>>) target(%arg11 : memref<80xi32, #tpu.memory_space<vmem>>) target_semaphore(%dma_start3A_326 : memref<!tpu.dma_semaphore, #tpu.memory_space<semaphore_mem>>)
    %add3A_328 = arith.constant 480 : i32
    %add3A_329 = arith.addi %mul3A_2, %add3A_328 : i32
    %dma_start3A_330 = arith.constant 6 : i32
    %dma_start3A_331 = arith.constant 0 : i32
    %dma_start3A_332 = tpu.memref_slice %arg4[%add3A_329, %dma_start3A_331] : memref<3276800x128xf32, #tpu.memory_space<hbm>> -> memref<80x128xf32, #tpu.memory_space<hbm>>
    %dma_start3A_333 = tpu.memref_slice %arg24[%dma_start3A_330] : memref<8x!tpu.dma_semaphore, #tpu.memory_space<semaphore_mem>> -> memref<1x!tpu.dma_semaphore, #tpu.memory_space<semaphore_mem>>
    %dma_start3A_334 = tpu.memref_squeeze %dma_start3A_333 : memref<1x!tpu.dma_semaphore, #tpu.memory_space<semaphore_mem>> -> memref<!tpu.dma_semaphore, #tpu.memory_space<semaphore_mem>>
    %dma_start3A_335 = arith.constant 0 : i32
    %dma_start3A_336 = tpu.memref_slice %arg4[%add3A_329, %dma_start3A_335] : memref<3276800x128xf32, #tpu.memory_space<hbm>> -> memref<80x128xf32, #tpu.memory_space<hbm>>
    tpu.enqueue_dma source(%arg19 : memref<80x128xf32, #tpu.memory_space<vmem>>) target(%dma_start3A_336 : memref<80x128xf32, #tpu.memory_space<hbm>>) target_semaphore(%dma_start3A_334 : memref<!tpu.dma_semaphore, #tpu.memory_space<semaphore_mem>>)
    %dma_wait3A_337 = arith.constant 2 : i32
    %dma_wait3A_338 = arith.constant 0 : i32
    %dma_wait3A_339 = tpu.memref_slice %arg4[%mul3A_2, %dma_wait3A_338] : memref<3276800x128xf32, #tpu.memory_space<hbm>> -> memref<80x128xf32, #tpu.memory_space<hbm>>
    %dma_wait3A_340 = tpu.memref_slice %arg24[%dma_wait3A_337] : memref<8x!tpu.dma_semaphore, #tpu.memory_space<semaphore_mem>> -> memref<1x!tpu.dma_semaphore, #tpu.memory_space<semaphore_mem>>
    %dma_wait3A_341 = tpu.memref_squeeze %dma_wait3A_340 : memref<1x!tpu.dma_semaphore, #tpu.memory_space<semaphore_mem>> -> memref<!tpu.dma_semaphore, #tpu.memory_space<semaphore_mem>>
    %dma_wait3A_342 = arith.constant 0 : i32
    %dma_wait3A_343 = tpu.memref_slice %arg4[%mul3A_2, %dma_wait3A_342] : memref<3276800x128xf32, #tpu.memory_space<hbm>> -> memref<80x128xf32, #tpu.memory_space<hbm>>
    tpu.wait_dma2 semaphore(%dma_wait3A_341 : memref<!tpu.dma_semaphore, #tpu.memory_space<semaphore_mem>>) src(%arg15 : memref<80x128xf32, #tpu.memory_space<vmem>>) dst(%dma_wait3A_343 : memref<80x128xf32, #tpu.memory_space<hbm>>)
    %dma_wait3A_344 = arith.constant 2 : i32
    %dma_wait3A_345 = tpu.memref_slice %arg2[%mul3A_2] : memref<3276800xi32, #tpu.memory_space<hbm>> -> memref<80xi32, #tpu.memory_space<hbm>>
    %dma_wait3A_346 = tpu.memref_slice %arg22[%dma_wait3A_344] : memref<8x!tpu.dma_semaphore, #tpu.memory_space<semaphore_mem>> -> memref<1x!tpu.dma_semaphore, #tpu.memory_space<semaphore_mem>>
    %dma_wait3A_347 = tpu.memref_squeeze %dma_wait3A_346 : memref<1x!tpu.dma_semaphore, #tpu.memory_space<semaphore_mem>> -> memref<!tpu.dma_semaphore, #tpu.memory_space<semaphore_mem>>
    %dma_wait3A_348 = tpu.memref_slice %arg2[%mul3A_2] : memref<3276800xi32, #tpu.memory_space<hbm>> -> memref<80xi32, #tpu.memory_space<hbm>>
    tpu.wait_dma2 semaphore(%dma_wait3A_347 : memref<!tpu.dma_semaphore, #tpu.memory_space<semaphore_mem>>) src(%dma_wait3A_348 : memref<80xi32, #tpu.memory_space<hbm>>) dst(%arg7 : memref<80xi32, #tpu.memory_space<vmem>>)
    %dma_start3A_349 = arith.constant 2 : i32
    %dma_start3A_350 = arith.constant 0 : i32
    %dma_start3A_351 = arith.constant 0 : i32
    %dma_start3A_352 = tpu.memref_slice %arg21[%dma_start3A_350, %dma_start3A_351] : memref<367x128xf32, #tpu.memory_space<vmem_shared>> -> memref<367x128xf32, #tpu.memory_space<vmem_shared>>
    %dma_start3A_353 = tpu.memref_slice %arg23[%dma_start3A_349] : memref<8x!tpu.dma_semaphore, #tpu.memory_space<semaphore_mem>> -> memref<1x!tpu.dma_semaphore, #tpu.memory_space<semaphore_mem>>
    %dma_start3A_354 = tpu.memref_squeeze %dma_start3A_353 : memref<1x!tpu.dma_semaphore, #tpu.memory_space<semaphore_mem>> -> memref<!tpu.dma_semaphore, #tpu.memory_space<semaphore_mem>>
    tpu.enqueue_indirect_dma source(%dma_start3A_352 : memref<367x128xf32, #tpu.memory_space<vmem_shared>>) target(%arg15 : memref<80x128xf32, #tpu.memory_space<vmem>>) offsets(%arg7 : memref<80xi32, #tpu.memory_space<vmem>>) semaphore(%dma_start3A_354 : memref<!tpu.dma_semaphore, #tpu.memory_space<semaphore_mem>>)
    %dma_wait3A_355 = arith.constant 7 : i32
    %dma_wait3A_356 = arith.constant 0 : i32
    %dma_wait3A_357 = arith.constant 0 : i32
    %dma_wait3A_358 = tpu.memref_slice %arg21[%dma_wait3A_356, %dma_wait3A_357] : memref<367x128xf32, #tpu.memory_space<vmem_shared>> -> memref<367x128xf32, #tpu.memory_space<vmem_shared>>
    %dma_wait3A_359 = tpu.memref_slice %arg23[%dma_wait3A_355] : memref<8x!tpu.dma_semaphore, #tpu.memory_space<semaphore_mem>> -> memref<1x!tpu.dma_semaphore, #tpu.memory_space<semaphore_mem>>
    %dma_wait3A_360 = tpu.memref_squeeze %dma_wait3A_359 : memref<1x!tpu.dma_semaphore, #tpu.memory_space<semaphore_mem>> -> memref<!tpu.dma_semaphore, #tpu.memory_space<semaphore_mem>>
    tpu.wait_indirect_dma semaphore(%dma_wait3A_360 : memref<!tpu.dma_semaphore, #tpu.memory_space<semaphore_mem>>) src(%dma_wait3A_358 : memref<367x128xf32, #tpu.memory_space<vmem_shared>>) dst(%arg20 : memref<80x128xf32, #tpu.memory_space<vmem>>)
    %add3A_361 = arith.constant 1200 : i32
    %add3A_362 = arith.addi %mul3A_2, %add3A_361 : i32
    %dma_start3A_363 = arith.constant 7 : i32
    %dma_start3A_364 = tpu.memref_slice %arg2[%add3A_362] : memref<3276800xi32, #tpu.memory_space<hbm>> -> memref<80xi32, #tpu.memory_space<hbm>>
    %dma_start3A_365 = tpu.memref_slice %arg22[%dma_start3A_363] : memref<8x!tpu.dma_semaphore, #tpu.memory_space<semaphore_mem>> -> memref<1x!tpu.dma_semaphore, #tpu.memory_space<semaphore_mem>>
    %dma_start3A_366 = tpu.memref_squeeze %dma_start3A_365 : memref<1x!tpu.dma_semaphore, #tpu.memory_space<semaphore_mem>> -> memref<!tpu.dma_semaphore, #tpu.memory_space<semaphore_mem>>
    %dma_start3A_367 = tpu.memref_slice %arg2[%add3A_362] : memref<3276800xi32, #tpu.memory_space<hbm>> -> memref<80xi32, #tpu.memory_space<hbm>>
    tpu.enqueue_dma source(%dma_start3A_367 : memref<80xi32, #tpu.memory_space<hbm>>) target(%arg12 : memref<80xi32, #tpu.memory_space<vmem>>) target_semaphore(%dma_start3A_366 : memref<!tpu.dma_semaphore, #tpu.memory_space<semaphore_mem>>)
    %add3A_368 = arith.constant 560 : i32
    %add3A_369 = arith.addi %mul3A_2, %add3A_368 : i32
    %dma_start3A_370 = arith.constant 7 : i32
    %dma_start3A_371 = arith.constant 0 : i32
    %dma_start3A_372 = tpu.memref_slice %arg4[%add3A_369, %dma_start3A_371] : memref<3276800x128xf32, #tpu.memory_space<hbm>> -> memref<80x128xf32, #tpu.memory_space<hbm>>
    %dma_start3A_373 = tpu.memref_slice %arg24[%dma_start3A_370] : memref<8x!tpu.dma_semaphore, #tpu.memory_space<semaphore_mem>> -> memref<1x!tpu.dma_semaphore, #tpu.memory_space<semaphore_mem>>
    %dma_start3A_374 = tpu.memref_squeeze %dma_start3A_373 : memref<1x!tpu.dma_semaphore, #tpu.memory_space<semaphore_mem>> -> memref<!tpu.dma_semaphore, #tpu.memory_space<semaphore_mem>>
    %dma_start3A_375 = arith.constant 0 : i32
    %dma_start3A_376 = tpu.memref_slice %arg4[%add3A_369, %dma_start3A_375] : memref<3276800x128xf32, #tpu.memory_space<hbm>> -> memref<80x128xf32, #tpu.memory_space<hbm>>
    tpu.enqueue_dma source(%arg20 : memref<80x128xf32, #tpu.memory_space<vmem>>) target(%dma_start3A_376 : memref<80x128xf32, #tpu.memory_space<hbm>>) target_semaphore(%dma_start3A_374 : memref<!tpu.dma_semaphore, #tpu.memory_space<semaphore_mem>>)
    %dma_wait3A_377 = arith.constant 3 : i32
    %dma_wait3A_378 = arith.constant 0 : i32
    %dma_wait3A_379 = tpu.memref_slice %arg4[%mul3A_2, %dma_wait3A_378] : memref<3276800x128xf32, #tpu.memory_space<hbm>> -> memref<80x128xf32, #tpu.memory_space<hbm>>
    %dma_wait3A_380 = tpu.memref_slice %arg24[%dma_wait3A_377] : memref<8x!tpu.dma_semaphore, #tpu.memory_space<semaphore_mem>> -> memref<1x!tpu.dma_semaphore, #tpu.memory_space<semaphore_mem>>
    %dma_wait3A_381 = tpu.memref_squeeze %dma_wait3A_380 : memref<1x!tpu.dma_semaphore, #tpu.memory_space<semaphore_mem>> -> memref<!tpu.dma_semaphore, #tpu.memory_space<semaphore_mem>>
    %dma_wait3A_382 = arith.constant 0 : i32
    %dma_wait3A_383 = tpu.memref_slice %arg4[%mul3A_2, %dma_wait3A_382] : memref<3276800x128xf32, #tpu.memory_space<hbm>> -> memref<80x128xf32, #tpu.memory_space<hbm>>
    tpu.wait_dma2 semaphore(%dma_wait3A_381 : memref<!tpu.dma_semaphore, #tpu.memory_space<semaphore_mem>>) src(%arg16 : memref<80x128xf32, #tpu.memory_space<vmem>>) dst(%dma_wait3A_383 : memref<80x128xf32, #tpu.memory_space<hbm>>)
    %dma_wait3A_384 = arith.constant 3 : i32
    %dma_wait3A_385 = tpu.memref_slice %arg2[%mul3A_2] : memref<3276800xi32, #tpu.memory_space<hbm>> -> memref<80xi32, #tpu.memory_space<hbm>>
    %dma_wait3A_386 = tpu.memref_slice %arg22[%dma_wait3A_384] : memref<8x!tpu.dma_semaphore, #tpu.memory_space<semaphore_mem>> -> memref<1x!tpu.dma_semaphore, #tpu.memory_space<semaphore_mem>>
    %dma_wait3A_387 = tpu.memref_squeeze %dma_wait3A_386 : memref<1x!tpu.dma_semaphore, #tpu.memory_space<semaphore_mem>> -> memref<!tpu.dma_semaphore, #tpu.memory_space<semaphore_mem>>
    %dma_wait3A_388 = tpu.memref_slice %arg2[%mul3A_2] : memref<3276800xi32, #tpu.memory_space<hbm>> -> memref<80xi32, #tpu.memory_space<hbm>>
    tpu.wait_dma2 semaphore(%dma_wait3A_387 : memref<!tpu.dma_semaphore, #tpu.memory_space<semaphore_mem>>) src(%dma_wait3A_388 : memref<80xi32, #tpu.memory_space<hbm>>) dst(%arg8 : memref<80xi32, #tpu.memory_space<vmem>>)
    %dma_start3A_389 = arith.constant 3 : i32
    %dma_start3A_390 = arith.constant 0 : i32
    %dma_start3A_391 = arith.constant 0 : i32
    %dma_start3A_392 = tpu.memref_slice %arg21[%dma_start3A_390, %dma_start3A_391] : memref<367x128xf32, #tpu.memory_space<vmem_shared>> -> memref<367x128xf32, #tpu.memory_space<vmem_shared>>
    %dma_start3A_393 = tpu.memref_slice %arg23[%dma_start3A_389] : memref<8x!tpu.dma_semaphore, #tpu.memory_space<semaphore_mem>> -> memref<1x!tpu.dma_semaphore, #tpu.memory_space<semaphore_mem>>
    %dma_start3A_394 = tpu.memref_squeeze %dma_start3A_393 : memref<1x!tpu.dma_semaphore, #tpu.memory_space<semaphore_mem>> -> memref<!tpu.dma_semaphore, #tpu.memory_space<semaphore_mem>>
    tpu.enqueue_indirect_dma source(%dma_start3A_392 : memref<367x128xf32, #tpu.memory_space<vmem_shared>>) target(%arg16 : memref<80x128xf32, #tpu.memory_space<vmem>>) offsets(%arg8 : memref<80xi32, #tpu.memory_space<vmem>>) semaphore(%dma_start3A_394 : memref<!tpu.dma_semaphore, #tpu.memory_space<semaphore_mem>>)
    %scan3A = arith.constant 0 : i32
    %scan3A_395 = arith.constant 1 : i32
    %scan3A_396 = arith.constant 158 : i32
    %scan3A_397 = arith.addi %scan3A_395, %scan3A_396 : i32
    %scan3A_398 = arith.constant 1 : i32
    scf.for %scan3A_648 = %scan3A_395 to %scan3A_397 step %scan3A_398  : i32 {
      %mul3A_649 = arith.constant 8 : i32
      %mul3A_650 = arith.muli %scan3A_648, %mul3A_649 : i32
      %add3A_651 = arith.constant 0 : i32
      %add3A_652 = arith.addi %mul3A_650, %add3A_651 : i32
      %dma_wait3A_653 = arith.constant 0 : i32
      %dma_wait3A_654 = arith.constant 0 : i32
      %dma_wait3A_655 = arith.constant 0 : i32
      %dma_wait3A_656 = tpu.memref_slice %arg21[%dma_wait3A_654, %dma_wait3A_655] : memref<367x128xf32, #tpu.memory_space<vmem_shared>> -> memref<367x128xf32, #tpu.memory_space<vmem_shared>>
      %dma_wait3A_657 = tpu.memref_slice %arg23[%dma_wait3A_653] : memref<8x!tpu.dma_semaphore, #tpu.memory_space<semaphore_mem>> -> memref<1x!tpu.dma_semaphore, #tpu.memory_space<semaphore_mem>>
      %dma_wait3A_658 = tpu.memref_squeeze %dma_wait3A_657 : memref<1x!tpu.dma_semaphore, #tpu.memory_space<semaphore_mem>> -> memref<!tpu.dma_semaphore, #tpu.memory_space<semaphore_mem>>
      tpu.wait_indirect_dma semaphore(%dma_wait3A_658 : memref<!tpu.dma_semaphore, #tpu.memory_space<semaphore_mem>>) src(%dma_wait3A_656 : memref<367x128xf32, #tpu.memory_space<vmem_shared>>) dst(%arg13 : memref<80x128xf32, #tpu.memory_space<vmem>>)
      %add3A_659 = arith.constant 8 : i32
      %add3A_660 = arith.addi %add3A_652, %add3A_659 : i32
      %mul3A_661 = arith.constant 80 : i32
      %mul3A_662 = arith.muli %add3A_660, %mul3A_661 : i32
      %add3A_663 = arith.addi %mul3A_2, %mul3A_662 : i32
      %dma_start3A_664 = arith.constant 0 : i32
      %dma_start3A_665 = tpu.memref_slice %arg2[%add3A_663] : memref<3276800xi32, #tpu.memory_space<hbm>> -> memref<80xi32, #tpu.memory_space<hbm>>
      %dma_start3A_666 = tpu.memref_slice %arg22[%dma_start3A_664] : memref<8x!tpu.dma_semaphore, #tpu.memory_space<semaphore_mem>> -> memref<1x!tpu.dma_semaphore, #tpu.memory_space<semaphore_mem>>
      %dma_start3A_667 = tpu.memref_squeeze %dma_start3A_666 : memref<1x!tpu.dma_semaphore, #tpu.memory_space<semaphore_mem>> -> memref<!tpu.dma_semaphore, #tpu.memory_space<semaphore_mem>>
      %dma_start3A_668 = tpu.memref_slice %arg2[%add3A_663] : memref<3276800xi32, #tpu.memory_space<hbm>> -> memref<80xi32, #tpu.memory_space<hbm>>
      tpu.enqueue_dma source(%dma_start3A_668 : memref<80xi32, #tpu.memory_space<hbm>>) target(%arg5 : memref<80xi32, #tpu.memory_space<vmem>>) target_semaphore(%dma_start3A_667 : memref<!tpu.dma_semaphore, #tpu.memory_space<semaphore_mem>>)
      %mul3A_669 = arith.constant 80 : i32
      %mul3A_670 = arith.muli %add3A_652, %mul3A_669 : i32
      %add3A_671 = arith.addi %mul3A_2, %mul3A_670 : i32
      %dma_start3A_672 = arith.constant 0 : i32
      %dma_start3A_673 = arith.constant 0 : i32
      %dma_start3A_674 = tpu.memref_slice %arg4[%add3A_671, %dma_start3A_673] : memref<3276800x128xf32, #tpu.memory_space<hbm>> -> memref<80x128xf32, #tpu.memory_space<hbm>>
      %dma_start3A_675 = tpu.memref_slice %arg24[%dma_start3A_672] : memref<8x!tpu.dma_semaphore, #tpu.memory_space<semaphore_mem>> -> memref<1x!tpu.dma_semaphore, #tpu.memory_space<semaphore_mem>>
      %dma_start3A_676 = tpu.memref_squeeze %dma_start3A_675 : memref<1x!tpu.dma_semaphore, #tpu.memory_space<semaphore_mem>> -> memref<!tpu.dma_semaphore, #tpu.memory_space<semaphore_mem>>
      %dma_start3A_677 = arith.constant 0 : i32
      %dma_start3A_678 = tpu.memref_slice %arg4[%add3A_671, %dma_start3A_677] : memref<3276800x128xf32, #tpu.memory_space<hbm>> -> memref<80x128xf32, #tpu.memory_space<hbm>>
      tpu.enqueue_dma source(%arg13 : memref<80x128xf32, #tpu.memory_space<vmem>>) target(%dma_start3A_678 : memref<80x128xf32, #tpu.memory_space<hbm>>) target_semaphore(%dma_start3A_676 : memref<!tpu.dma_semaphore, #tpu.memory_space<semaphore_mem>>)
      %dma_wait3A_679 = arith.constant 4 : i32
      %dma_wait3A_680 = arith.constant 0 : i32
      %dma_wait3A_681 = tpu.memref_slice %arg4[%mul3A_2, %dma_wait3A_680] : memref<3276800x128xf32, #tpu.memory_space<hbm>> -> memref<80x128xf32, #tpu.memory_space<hbm>>
      %dma_wait3A_682 = tpu.memref_slice %arg24[%dma_wait3A_679] : memref<8x!tpu.dma_semaphore, #tpu.memory_space<semaphore_mem>> -> memref<1x!tpu.dma_semaphore, #tpu.memory_space<semaphore_mem>>
      %dma_wait3A_683 = tpu.memref_squeeze %dma_wait3A_682 : memref<1x!tpu.dma_semaphore, #tpu.memory_space<semaphore_mem>> -> memref<!tpu.dma_semaphore, #tpu.memory_space<semaphore_mem>>
      %dma_wait3A_684 = arith.constant 0 : i32
      %dma_wait3A_685 = tpu.memref_slice %arg4[%mul3A_2, %dma_wait3A_684] : memref<3276800x128xf32, #tpu.memory_space<hbm>> -> memref<80x128xf32, #tpu.memory_space<hbm>>
      tpu.wait_dma2 semaphore(%dma_wait3A_683 : memref<!tpu.dma_semaphore, #tpu.memory_space<semaphore_mem>>) src(%arg17 : memref<80x128xf32, #tpu.memory_space<vmem>>) dst(%dma_wait3A_685 : memref<80x128xf32, #tpu.memory_space<hbm>>)
      %dma_wait3A_686 = arith.constant 4 : i32
      %dma_wait3A_687 = tpu.memref_slice %arg2[%mul3A_2] : memref<3276800xi32, #tpu.memory_space<hbm>> -> memref<80xi32, #tpu.memory_space<hbm>>
      %dma_wait3A_688 = tpu.memref_slice %arg22[%dma_wait3A_686] : memref<8x!tpu.dma_semaphore, #tpu.memory_space<semaphore_mem>> -> memref<1x!tpu.dma_semaphore, #tpu.memory_space<semaphore_mem>>
      %dma_wait3A_689 = tpu.memref_squeeze %dma_wait3A_688 : memref<1x!tpu.dma_semaphore, #tpu.memory_space<semaphore_mem>> -> memref<!tpu.dma_semaphore, #tpu.memory_space<semaphore_mem>>
      %dma_wait3A_690 = tpu.memref_slice %arg2[%mul3A_2] : memref<3276800xi32, #tpu.memory_space<hbm>> -> memref<80xi32, #tpu.memory_space<hbm>>
      tpu.wait_dma2 semaphore(%dma_wait3A_689 : memref<!tpu.dma_semaphore, #tpu.memory_space<semaphore_mem>>) src(%dma_wait3A_690 : memref<80xi32, #tpu.memory_space<hbm>>) dst(%arg9 : memref<80xi32, #tpu.memory_space<vmem>>)
      %dma_start3A_691 = arith.constant 4 : i32
      %dma_start3A_692 = arith.constant 0 : i32
      %dma_start3A_693 = arith.constant 0 : i32
      %dma_start3A_694 = tpu.memref_slice %arg21[%dma_start3A_692, %dma_start3A_693] : memref<367x128xf32, #tpu.memory_space<vmem_shared>> -> memref<367x128xf32, #tpu.memory_space<vmem_shared>>
      %dma_start3A_695 = tpu.memref_slice %arg23[%dma_start3A_691] : memref<8x!tpu.dma_semaphore, #tpu.memory_space<semaphore_mem>> -> memref<1x!tpu.dma_semaphore, #tpu.memory_space<semaphore_mem>>
      %dma_start3A_696 = tpu.memref_squeeze %dma_start3A_695 : memref<1x!tpu.dma_semaphore, #tpu.memory_space<semaphore_mem>> -> memref<!tpu.dma_semaphore, #tpu.memory_space<semaphore_mem>>
      tpu.enqueue_indirect_dma source(%dma_start3A_694 : memref<367x128xf32, #tpu.memory_space<vmem_shared>>) target(%arg17 : memref<80x128xf32, #tpu.memory_space<vmem>>) offsets(%arg9 : memref<80xi32, #tpu.memory_space<vmem>>) semaphore(%dma_start3A_696 : memref<!tpu.dma_semaphore, #tpu.memory_space<semaphore_mem>>)
      %mul3A_697 = arith.constant 8 : i32
      %mul3A_698 = arith.muli %scan3A_648, %mul3A_697 : i32
      %add3A_699 = arith.constant 1 : i32
      %add3A_700 = arith.addi %mul3A_698, %add3A_699 : i32
      %dma_wait3A_701 = arith.constant 1 : i32
      %dma_wait3A_702 = arith.constant 0 : i32
      %dma_wait3A_703 = arith.constant 0 : i32
      %dma_wait3A_704 = tpu.memref_slice %arg21[%dma_wait3A_702, %dma_wait3A_703] : memref<367x128xf32, #tpu.memory_space<vmem_shared>> -> memref<367x128xf32, #tpu.memory_space<vmem_shared>>
      %dma_wait3A_705 = tpu.memref_slice %arg23[%dma_wait3A_701] : memref<8x!tpu.dma_semaphore, #tpu.memory_space<semaphore_mem>> -> memref<1x!tpu.dma_semaphore, #tpu.memory_space<semaphore_mem>>
      %dma_wait3A_706 = tpu.memref_squeeze %dma_wait3A_705 : memref<1x!tpu.dma_semaphore, #tpu.memory_space<semaphore_mem>> -> memref<!tpu.dma_semaphore, #tpu.memory_space<semaphore_mem>>
      tpu.wait_indirect_dma semaphore(%dma_wait3A_706 : memref<!tpu.dma_semaphore, #tpu.memory_space<semaphore_mem>>) src(%dma_wait3A_704 : memref<367x128xf32, #tpu.memory_space<vmem_shared>>) dst(%arg14 : memref<80x128xf32, #tpu.memory_space<vmem>>)
      %add3A_707 = arith.constant 8 : i32
      %add3A_708 = arith.addi %add3A_700, %add3A_707 : i32
      %mul3A_709 = arith.constant 80 : i32
      %mul3A_710 = arith.muli %add3A_708, %mul3A_709 : i32
      %add3A_711 = arith.addi %mul3A_2, %mul3A_710 : i32
      %dma_start3A_712 = arith.constant 1 : i32
      %dma_start3A_713 = tpu.memref_slice %arg2[%add3A_711] : memref<3276800xi32, #tpu.memory_space<hbm>> -> memref<80xi32, #tpu.memory_space<hbm>>
      %dma_start3A_714 = tpu.memref_slice %arg22[%dma_start3A_712] : memref<8x!tpu.dma_semaphore, #tpu.memory_space<semaphore_mem>> -> memref<1x!tpu.dma_semaphore, #tpu.memory_space<semaphore_mem>>
      %dma_start3A_715 = tpu.memref_squeeze %dma_start3A_714 : memref<1x!tpu.dma_semaphore, #tpu.memory_space<semaphore_mem>> -> memref<!tpu.dma_semaphore, #tpu.memory_space<semaphore_mem>>
      %dma_start3A_716 = tpu.memref_slice %arg2[%add3A_711] : memref<3276800xi32, #tpu.memory_space<hbm>> -> memref<80xi32, #tpu.memory_space<hbm>>
      tpu.enqueue_dma source(%dma_start3A_716 : memref<80xi32, #tpu.memory_space<hbm>>) target(%arg6 : memref<80xi32, #tpu.memory_space<vmem>>) target_semaphore(%dma_start3A_715 : memref<!tpu.dma_semaphore, #tpu.memory_space<semaphore_mem>>)
      %mul3A_717 = arith.constant 80 : i32
      %mul3A_718 = arith.muli %add3A_700, %mul3A_717 : i32
      %add3A_719 = arith.addi %mul3A_2, %mul3A_718 : i32
      %dma_start3A_720 = arith.constant 1 : i32
      %dma_start3A_721 = arith.constant 0 : i32
      %dma_start3A_722 = tpu.memref_slice %arg4[%add3A_719, %dma_start3A_721] : memref<3276800x128xf32, #tpu.memory_space<hbm>> -> memref<80x128xf32, #tpu.memory_space<hbm>>
      %dma_start3A_723 = tpu.memref_slice %arg24[%dma_start3A_720] : memref<8x!tpu.dma_semaphore, #tpu.memory_space<semaphore_mem>> -> memref<1x!tpu.dma_semaphore, #tpu.memory_space<semaphore_mem>>
      %dma_start3A_724 = tpu.memref_squeeze %dma_start3A_723 : memref<1x!tpu.dma_semaphore, #tpu.memory_space<semaphore_mem>> -> memref<!tpu.dma_semaphore, #tpu.memory_space<semaphore_mem>>
      %dma_start3A_725 = arith.constant 0 : i32
      %dma_start3A_726 = tpu.memref_slice %arg4[%add3A_719, %dma_start3A_725] : memref<3276800x128xf32, #tpu.memory_space<hbm>> -> memref<80x128xf32, #tpu.memory_space<hbm>>
      tpu.enqueue_dma source(%arg14 : memref<80x128xf32, #tpu.memory_space<vmem>>) target(%dma_start3A_726 : memref<80x128xf32, #tpu.memory_space<hbm>>) target_semaphore(%dma_start3A_724 : memref<!tpu.dma_semaphore, #tpu.memory_space<semaphore_mem>>)
      %dma_wait3A_727 = arith.constant 5 : i32
      %dma_wait3A_728 = arith.constant 0 : i32
      %dma_wait3A_729 = tpu.memref_slice %arg4[%mul3A_2, %dma_wait3A_728] : memref<3276800x128xf32, #tpu.memory_space<hbm>> -> memref<80x128xf32, #tpu.memory_space<hbm>>
      %dma_wait3A_730 = tpu.memref_slice %arg24[%dma_wait3A_727] : memref<8x!tpu.dma_semaphore, #tpu.memory_space<semaphore_mem>> -> memref<1x!tpu.dma_semaphore, #tpu.memory_space<semaphore_mem>>
      %dma_wait3A_731 = tpu.memref_squeeze %dma_wait3A_730 : memref<1x!tpu.dma_semaphore, #tpu.memory_space<semaphore_mem>> -> memref<!tpu.dma_semaphore, #tpu.memory_space<semaphore_mem>>
      %dma_wait3A_732 = arith.constant 0 : i32
      %dma_wait3A_733 = tpu.memref_slice %arg4[%mul3A_2, %dma_wait3A_732] : memref<3276800x128xf32, #tpu.memory_space<hbm>> -> memref<80x128xf32, #tpu.memory_space<hbm>>
      tpu.wait_dma2 semaphore(%dma_wait3A_731 : memref<!tpu.dma_semaphore, #tpu.memory_space<semaphore_mem>>) src(%arg18 : memref<80x128xf32, #tpu.memory_space<vmem>>) dst(%dma_wait3A_733 : memref<80x128xf32, #tpu.memory_space<hbm>>)
      %dma_wait3A_734 = arith.constant 5 : i32
      %dma_wait3A_735 = tpu.memref_slice %arg2[%mul3A_2] : memref<3276800xi32, #tpu.memory_space<hbm>> -> memref<80xi32, #tpu.memory_space<hbm>>
      %dma_wait3A_736 = tpu.memref_slice %arg22[%dma_wait3A_734] : memref<8x!tpu.dma_semaphore, #tpu.memory_space<semaphore_mem>> -> memref<1x!tpu.dma_semaphore, #tpu.memory_space<semaphore_mem>>
      %dma_wait3A_737 = tpu.memref_squeeze %dma_wait3A_736 : memref<1x!tpu.dma_semaphore, #tpu.memory_space<semaphore_mem>> -> memref<!tpu.dma_semaphore, #tpu.memory_space<semaphore_mem>>
      %dma_wait3A_738 = tpu.memref_slice %arg2[%mul3A_2] : memref<3276800xi32, #tpu.memory_space<hbm>> -> memref<80xi32, #tpu.memory_space<hbm>>
      tpu.wait_dma2 semaphore(%dma_wait3A_737 : memref<!tpu.dma_semaphore, #tpu.memory_space<semaphore_mem>>) src(%dma_wait3A_738 : memref<80xi32, #tpu.memory_space<hbm>>) dst(%arg10 : memref<80xi32, #tpu.memory_space<vmem>>)
      %dma_start3A_739 = arith.constant 5 : i32
      %dma_start3A_740 = arith.constant 0 : i32
      %dma_start3A_741 = arith.constant 0 : i32
      %dma_start3A_742 = tpu.memref_slice %arg21[%dma_start3A_740, %dma_start3A_741] : memref<367x128xf32, #tpu.memory_space<vmem_shared>> -> memref<367x128xf32, #tpu.memory_space<vmem_shared>>
      %dma_start3A_743 = tpu.memref_slice %arg23[%dma_start3A_739] : memref<8x!tpu.dma_semaphore, #tpu.memory_space<semaphore_mem>> -> memref<1x!tpu.dma_semaphore, #tpu.memory_space<semaphore_mem>>
      %dma_start3A_744 = tpu.memref_squeeze %dma_start3A_743 : memref<1x!tpu.dma_semaphore, #tpu.memory_space<semaphore_mem>> -> memref<!tpu.dma_semaphore, #tpu.memory_space<semaphore_mem>>
      tpu.enqueue_indirect_dma source(%dma_start3A_742 : memref<367x128xf32, #tpu.memory_space<vmem_shared>>) target(%arg18 : memref<80x128xf32, #tpu.memory_space<vmem>>) offsets(%arg10 : memref<80xi32, #tpu.memory_space<vmem>>) semaphore(%dma_start3A_744 : memref<!tpu.dma_semaphore, #tpu.memory_space<semaphore_mem>>)
      %mul3A_745 = arith.constant 8 : i32
      %mul3A_746 = arith.muli %scan3A_648, %mul3A_745 : i32
      %add3A_747 = arith.constant 2 : i32
      %add3A_748 = arith.addi %mul3A_746, %add3A_747 : i32
      %dma_wait3A_749 = arith.constant 2 : i32
      %dma_wait3A_750 = arith.constant 0 : i32
      %dma_wait3A_751 = arith.constant 0 : i32
      %dma_wait3A_752 = tpu.memref_slice %arg21[%dma_wait3A_750, %dma_wait3A_751] : memref<367x128xf32, #tpu.memory_space<vmem_shared>> -> memref<367x128xf32, #tpu.memory_space<vmem_shared>>
      %dma_wait3A_753 = tpu.memref_slice %arg23[%dma_wait3A_749] : memref<8x!tpu.dma_semaphore, #tpu.memory_space<semaphore_mem>> -> memref<1x!tpu.dma_semaphore, #tpu.memory_space<semaphore_mem>>
      %dma_wait3A_754 = tpu.memref_squeeze %dma_wait3A_753 : memref<1x!tpu.dma_semaphore, #tpu.memory_space<semaphore_mem>> -> memref<!tpu.dma_semaphore, #tpu.memory_space<semaphore_mem>>
      tpu.wait_indirect_dma semaphore(%dma_wait3A_754 : memref<!tpu.dma_semaphore, #tpu.memory_space<semaphore_mem>>) src(%dma_wait3A_752 : memref<367x128xf32, #tpu.memory_space<vmem_shared>>) dst(%arg15 : memref<80x128xf32, #tpu.memory_space<vmem>>)
      %add3A_755 = arith.constant 8 : i32
      %add3A_756 = arith.addi %add3A_748, %add3A_755 : i32
      %mul3A_757 = arith.constant 80 : i32
      %mul3A_758 = arith.muli %add3A_756, %mul3A_757 : i32
      %add3A_759 = arith.addi %mul3A_2, %mul3A_758 : i32
      %dma_start3A_760 = arith.constant 2 : i32
      %dma_start3A_761 = tpu.memref_slice %arg2[%add3A_759] : memref<3276800xi32, #tpu.memory_space<hbm>> -> memref<80xi32, #tpu.memory_space<hbm>>
      %dma_start3A_762 = tpu.memref_slice %arg22[%dma_start3A_760] : memref<8x!tpu.dma_semaphore, #tpu.memory_space<semaphore_mem>> -> memref<1x!tpu.dma_semaphore, #tpu.memory_space<semaphore_mem>>
      %dma_start3A_763 = tpu.memref_squeeze %dma_start3A_762 : memref<1x!tpu.dma_semaphore, #tpu.memory_space<semaphore_mem>> -> memref<!tpu.dma_semaphore, #tpu.memory_space<semaphore_mem>>
      %dma_start3A_764 = tpu.memref_slice %arg2[%add3A_759] : memref<3276800xi32, #tpu.memory_space<hbm>> -> memref<80xi32, #tpu.memory_space<hbm>>
      tpu.enqueue_dma source(%dma_start3A_764 : memref<80xi32, #tpu.memory_space<hbm>>) target(%arg7 : memref<80xi32, #tpu.memory_space<vmem>>) target_semaphore(%dma_start3A_763 : memref<!tpu.dma_semaphore, #tpu.memory_space<semaphore_mem>>)
      %mul3A_765 = arith.constant 80 : i32
      %mul3A_766 = arith.muli %add3A_748, %mul3A_765 : i32
      %add3A_767 = arith.addi %mul3A_2, %mul3A_766 : i32
      %dma_start3A_768 = arith.constant 2 : i32
      %dma_start3A_769 = arith.constant 0 : i32
      %dma_start3A_770 = tpu.memref_slice %arg4[%add3A_767, %dma_start3A_769] : memref<3276800x128xf32, #tpu.memory_space<hbm>> -> memref<80x128xf32, #tpu.memory_space<hbm>>
      %dma_start3A_771 = tpu.memref_slice %arg24[%dma_start3A_768] : memref<8x!tpu.dma_semaphore, #tpu.memory_space<semaphore_mem>> -> memref<1x!tpu.dma_semaphore, #tpu.memory_space<semaphore_mem>>
      %dma_start3A_772 = tpu.memref_squeeze %dma_start3A_771 : memref<1x!tpu.dma_semaphore, #tpu.memory_space<semaphore_mem>> -> memref<!tpu.dma_semaphore, #tpu.memory_space<semaphore_mem>>
      %dma_start3A_773 = arith.constant 0 : i32
      %dma_start3A_774 = tpu.memref_slice %arg4[%add3A_767, %dma_start3A_773] : memref<3276800x128xf32, #tpu.memory_space<hbm>> -> memref<80x128xf32, #tpu.memory_space<hbm>>
      tpu.enqueue_dma source(%arg15 : memref<80x128xf32, #tpu.memory_space<vmem>>) target(%dma_start3A_774 : memref<80x128xf32, #tpu.memory_space<hbm>>) target_semaphore(%dma_start3A_772 : memref<!tpu.dma_semaphore, #tpu.memory_space<semaphore_mem>>)
      %dma_wait3A_775 = arith.constant 6 : i32
      %dma_wait3A_776 = arith.constant 0 : i32
      %dma_wait3A_777 = tpu.memref_slice %arg4[%mul3A_2, %dma_wait3A_776] : memref<3276800x128xf32, #tpu.memory_space<hbm>> -> memref<80x128xf32, #tpu.memory_space<hbm>>
      %dma_wait3A_778 = tpu.memref_slice %arg24[%dma_wait3A_775] : memref<8x!tpu.dma_semaphore, #tpu.memory_space<semaphore_mem>> -> memref<1x!tpu.dma_semaphore, #tpu.memory_space<semaphore_mem>>
      %dma_wait3A_779 = tpu.memref_squeeze %dma_wait3A_778 : memref<1x!tpu.dma_semaphore, #tpu.memory_space<semaphore_mem>> -> memref<!tpu.dma_semaphore, #tpu.memory_space<semaphore_mem>>
      %dma_wait3A_780 = arith.constant 0 : i32
      %dma_wait3A_781 = tpu.memref_slice %arg4[%mul3A_2, %dma_wait3A_780] : memref<3276800x128xf32, #tpu.memory_space<hbm>> -> memref<80x128xf32, #tpu.memory_space<hbm>>
      tpu.wait_dma2 semaphore(%dma_wait3A_779 : memref<!tpu.dma_semaphore, #tpu.memory_space<semaphore_mem>>) src(%arg19 : memref<80x128xf32, #tpu.memory_space<vmem>>) dst(%dma_wait3A_781 : memref<80x128xf32, #tpu.memory_space<hbm>>)
      %dma_wait3A_782 = arith.constant 6 : i32
      %dma_wait3A_783 = tpu.memref_slice %arg2[%mul3A_2] : memref<3276800xi32, #tpu.memory_space<hbm>> -> memref<80xi32, #tpu.memory_space<hbm>>
      %dma_wait3A_784 = tpu.memref_slice %arg22[%dma_wait3A_782] : memref<8x!tpu.dma_semaphore, #tpu.memory_space<semaphore_mem>> -> memref<1x!tpu.dma_semaphore, #tpu.memory_space<semaphore_mem>>
      %dma_wait3A_785 = tpu.memref_squeeze %dma_wait3A_784 : memref<1x!tpu.dma_semaphore, #tpu.memory_space<semaphore_mem>> -> memref<!tpu.dma_semaphore, #tpu.memory_space<semaphore_mem>>
      %dma_wait3A_786 = tpu.memref_slice %arg2[%mul3A_2] : memref<3276800xi32, #tpu.memory_space<hbm>> -> memref<80xi32, #tpu.memory_space<hbm>>
      tpu.wait_dma2 semaphore(%dma_wait3A_785 : memref<!tpu.dma_semaphore, #tpu.memory_space<semaphore_mem>>) src(%dma_wait3A_786 : memref<80xi32, #tpu.memory_space<hbm>>) dst(%arg11 : memref<80xi32, #tpu.memory_space<vmem>>)
      %dma_start3A_787 = arith.constant 6 : i32
      %dma_start3A_788 = arith.constant 0 : i32
      %dma_start3A_789 = arith.constant 0 : i32
      %dma_start3A_790 = tpu.memref_slice %arg21[%dma_start3A_788, %dma_start3A_789] : memref<367x128xf32, #tpu.memory_space<vmem_shared>> -> memref<367x128xf32, #tpu.memory_space<vmem_shared>>
      %dma_start3A_791 = tpu.memref_slice %arg23[%dma_start3A_787] : memref<8x!tpu.dma_semaphore, #tpu.memory_space<semaphore_mem>> -> memref<1x!tpu.dma_semaphore, #tpu.memory_space<semaphore_mem>>
      %dma_start3A_792 = tpu.memref_squeeze %dma_start3A_791 : memref<1x!tpu.dma_semaphore, #tpu.memory_space<semaphore_mem>> -> memref<!tpu.dma_semaphore, #tpu.memory_space<semaphore_mem>>
      tpu.enqueue_indirect_dma source(%dma_start3A_790 : memref<367x128xf32, #tpu.memory_space<vmem_shared>>) target(%arg19 : memref<80x128xf32, #tpu.memory_space<vmem>>) offsets(%arg11 : memref<80xi32, #tpu.memory_space<vmem>>) semaphore(%dma_start3A_792 : memref<!tpu.dma_semaphore, #tpu.memory_space<semaphore_mem>>)
      %mul3A_793 = arith.constant 8 : i32
      %mul3A_794 = arith.muli %scan3A_648, %mul3A_793 : i32
      %add3A_795 = arith.constant 3 : i32
      %add3A_796 = arith.addi %mul3A_794, %add3A_795 : i32
      %dma_wait3A_797 = arith.constant 3 : i32
      %dma_wait3A_798 = arith.constant 0 : i32
      %dma_wait3A_799 = arith.constant 0 : i32
      %dma_wait3A_800 = tpu.memref_slice %arg21[%dma_wait3A_798, %dma_wait3A_799] : memref<367x128xf32, #tpu.memory_space<vmem_shared>> -> memref<367x128xf32, #tpu.memory_space<vmem_shared>>
      %dma_wait3A_801 = tpu.memref_slice %arg23[%dma_wait3A_797] : memref<8x!tpu.dma_semaphore, #tpu.memory_space<semaphore_mem>> -> memref<1x!tpu.dma_semaphore, #tpu.memory_space<semaphore_mem>>
      %dma_wait3A_802 = tpu.memref_squeeze %dma_wait3A_801 : memref<1x!tpu.dma_semaphore, #tpu.memory_space<semaphore_mem>> -> memref<!tpu.dma_semaphore, #tpu.memory_space<semaphore_mem>>
      tpu.wait_indirect_dma semaphore(%dma_wait3A_802 : memref<!tpu.dma_semaphore, #tpu.memory_space<semaphore_mem>>) src(%dma_wait3A_800 : memref<367x128xf32, #tpu.memory_space<vmem_shared>>) dst(%arg16 : memref<80x128xf32, #tpu.memory_space<vmem>>)
      %add3A_803 = arith.constant 8 : i32
      %add3A_804 = arith.addi %add3A_796, %add3A_803 : i32
      %mul3A_805 = arith.constant 80 : i32
      %mul3A_806 = arith.muli %add3A_804, %mul3A_805 : i32
      %add3A_807 = arith.addi %mul3A_2, %mul3A_806 : i32
      %dma_start3A_808 = arith.constant 3 : i32
      %dma_start3A_809 = tpu.memref_slice %arg2[%add3A_807] : memref<3276800xi32, #tpu.memory_space<hbm>> -> memref<80xi32, #tpu.memory_space<hbm>>
      %dma_start3A_810 = tpu.memref_slice %arg22[%dma_start3A_808] : memref<8x!tpu.dma_semaphore, #tpu.memory_space<semaphore_mem>> -> memref<1x!tpu.dma_semaphore, #tpu.memory_space<semaphore_mem>>
      %dma_start3A_811 = tpu.memref_squeeze %dma_start3A_810 : memref<1x!tpu.dma_semaphore, #tpu.memory_space<semaphore_mem>> -> memref<!tpu.dma_semaphore, #tpu.memory_space<semaphore_mem>>
      %dma_start3A_812 = tpu.memref_slice %arg2[%add3A_807] : memref<3276800xi32, #tpu.memory_space<hbm>> -> memref<80xi32, #tpu.memory_space<hbm>>
      tpu.enqueue_dma source(%dma_start3A_812 : memref<80xi32, #tpu.memory_space<hbm>>) target(%arg8 : memref<80xi32, #tpu.memory_space<vmem>>) target_semaphore(%dma_start3A_811 : memref<!tpu.dma_semaphore, #tpu.memory_space<semaphore_mem>>)
      %mul3A_813 = arith.constant 80 : i32
      %mul3A_814 = arith.muli %add3A_796, %mul3A_813 : i32
      %add3A_815 = arith.addi %mul3A_2, %mul3A_814 : i32
      %dma_start3A_816 = arith.constant 3 : i32
      %dma_start3A_817 = arith.constant 0 : i32
      %dma_start3A_818 = tpu.memref_slice %arg4[%add3A_815, %dma_start3A_817] : memref<3276800x128xf32, #tpu.memory_space<hbm>> -> memref<80x128xf32, #tpu.memory_space<hbm>>
      %dma_start3A_819 = tpu.memref_slice %arg24[%dma_start3A_816] : memref<8x!tpu.dma_semaphore, #tpu.memory_space<semaphore_mem>> -> memref<1x!tpu.dma_semaphore, #tpu.memory_space<semaphore_mem>>
      %dma_start3A_820 = tpu.memref_squeeze %dma_start3A_819 : memref<1x!tpu.dma_semaphore, #tpu.memory_space<semaphore_mem>> -> memref<!tpu.dma_semaphore, #tpu.memory_space<semaphore_mem>>
      %dma_start3A_821 = arith.constant 0 : i32
      %dma_start3A_822 = tpu.memref_slice %arg4[%add3A_815, %dma_start3A_821] : memref<3276800x128xf32, #tpu.memory_space<hbm>> -> memref<80x128xf32, #tpu.memory_space<hbm>>
      tpu.enqueue_dma source(%arg16 : memref<80x128xf32, #tpu.memory_space<vmem>>) target(%dma_start3A_822 : memref<80x128xf32, #tpu.memory_space<hbm>>) target_semaphore(%dma_start3A_820 : memref<!tpu.dma_semaphore, #tpu.memory_space<semaphore_mem>>)
      %dma_wait3A_823 = arith.constant 7 : i32
      %dma_wait3A_824 = arith.constant 0 : i32
      %dma_wait3A_825 = tpu.memref_slice %arg4[%mul3A_2, %dma_wait3A_824] : memref<3276800x128xf32, #tpu.memory_space<hbm>> -> memref<80x128xf32, #tpu.memory_space<hbm>>
      %dma_wait3A_826 = tpu.memref_slice %arg24[%dma_wait3A_823] : memref<8x!tpu.dma_semaphore, #tpu.memory_space<semaphore_mem>> -> memref<1x!tpu.dma_semaphore, #tpu.memory_space<semaphore_mem>>
      %dma_wait3A_827 = tpu.memref_squeeze %dma_wait3A_826 : memref<1x!tpu.dma_semaphore, #tpu.memory_space<semaphore_mem>> -> memref<!tpu.dma_semaphore, #tpu.memory_space<semaphore_mem>>
      %dma_wait3A_828 = arith.constant 0 : i32
      %dma_wait3A_829 = tpu.memref_slice %arg4[%mul3A_2, %dma_wait3A_828] : memref<3276800x128xf32, #tpu.memory_space<hbm>> -> memref<80x128xf32, #tpu.memory_space<hbm>>
      tpu.wait_dma2 semaphore(%dma_wait3A_827 : memref<!tpu.dma_semaphore, #tpu.memory_space<semaphore_mem>>) src(%arg20 : memref<80x128xf32, #tpu.memory_space<vmem>>) dst(%dma_wait3A_829 : memref<80x128xf32, #tpu.memory_space<hbm>>)
      %dma_wait3A_830 = arith.constant 7 : i32
      %dma_wait3A_831 = tpu.memref_slice %arg2[%mul3A_2] : memref<3276800xi32, #tpu.memory_space<hbm>> -> memref<80xi32, #tpu.memory_space<hbm>>
      %dma_wait3A_832 = tpu.memref_slice %arg22[%dma_wait3A_830] : memref<8x!tpu.dma_semaphore, #tpu.memory_space<semaphore_mem>> -> memref<1x!tpu.dma_semaphore, #tpu.memory_space<semaphore_mem>>
      %dma_wait3A_833 = tpu.memref_squeeze %dma_wait3A_832 : memref<1x!tpu.dma_semaphore, #tpu.memory_space<semaphore_mem>> -> memref<!tpu.dma_semaphore, #tpu.memory_space<semaphore_mem>>
      %dma_wait3A_834 = tpu.memref_slice %arg2[%mul3A_2] : memref<3276800xi32, #tpu.memory_space<hbm>> -> memref<80xi32, #tpu.memory_space<hbm>>
      tpu.wait_dma2 semaphore(%dma_wait3A_833 : memref<!tpu.dma_semaphore, #tpu.memory_space<semaphore_mem>>) src(%dma_wait3A_834 : memref<80xi32, #tpu.memory_space<hbm>>) dst(%arg12 : memref<80xi32, #tpu.memory_space<vmem>>)
      %dma_start3A_835 = arith.constant 7 : i32
      %dma_start3A_836 = arith.constant 0 : i32
      %dma_start3A_837 = arith.constant 0 : i32
      %dma_start3A_838 = tpu.memref_slice %arg21[%dma_start3A_836, %dma_start3A_837] : memref<367x128xf32, #tpu.memory_space<vmem_shared>> -> memref<367x128xf32, #tpu.memory_space<vmem_shared>>
      %dma_start3A_839 = tpu.memref_slice %arg23[%dma_start3A_835] : memref<8x!tpu.dma_semaphore, #tpu.memory_space<semaphore_mem>> -> memref<1x!tpu.dma_semaphore, #tpu.memory_space<semaphore_mem>>
      %dma_start3A_840 = tpu.memref_squeeze %dma_start3A_839 : memref<1x!tpu.dma_semaphore, #tpu.memory_space<semaphore_mem>> -> memref<!tpu.dma_semaphore, #tpu.memory_space<semaphore_mem>>
      tpu.enqueue_indirect_dma source(%dma_start3A_838 : memref<367x128xf32, #tpu.memory_space<vmem_shared>>) target(%arg20 : memref<80x128xf32, #tpu.memory_space<vmem>>) offsets(%arg12 : memref<80xi32, #tpu.memory_space<vmem>>) semaphore(%dma_start3A_840 : memref<!tpu.dma_semaphore, #tpu.memory_space<semaphore_mem>>)
      %mul3A_841 = arith.constant 8 : i32
      %mul3A_842 = arith.muli %scan3A_648, %mul3A_841 : i32
      %add3A_843 = arith.constant 4 : i32
      %add3A_844 = arith.addi %mul3A_842, %add3A_843 : i32
      %dma_wait3A_845 = arith.constant 4 : i32
      %dma_wait3A_846 = arith.constant 0 : i32
      %dma_wait3A_847 = arith.constant 0 : i32
      %dma_wait3A_848 = tpu.memref_slice %arg21[%dma_wait3A_846, %dma_wait3A_847] : memref<367x128xf32, #tpu.memory_space<vmem_shared>> -> memref<367x128xf32, #tpu.memory_space<vmem_shared>>
      %dma_wait3A_849 = tpu.memref_slice %arg23[%dma_wait3A_845] : memref<8x!tpu.dma_semaphore, #tpu.memory_space<semaphore_mem>> -> memref<1x!tpu.dma_semaphore, #tpu.memory_space<semaphore_mem>>
      %dma_wait3A_850 = tpu.memref_squeeze %dma_wait3A_849 : memref<1x!tpu.dma_semaphore, #tpu.memory_space<semaphore_mem>> -> memref<!tpu.dma_semaphore, #tpu.memory_space<semaphore_mem>>
      tpu.wait_indirect_dma semaphore(%dma_wait3A_850 : memref<!tpu.dma_semaphore, #tpu.memory_space<semaphore_mem>>) src(%dma_wait3A_848 : memref<367x128xf32, #tpu.memory_space<vmem_shared>>) dst(%arg17 : memref<80x128xf32, #tpu.memory_space<vmem>>)
      %add3A_851 = arith.constant 8 : i32
      %add3A_852 = arith.addi %add3A_844, %add3A_851 : i32
      %mul3A_853 = arith.constant 80 : i32
      %mul3A_854 = arith.muli %add3A_852, %mul3A_853 : i32
      %add3A_855 = arith.addi %mul3A_2, %mul3A_854 : i32
      %dma_start3A_856 = arith.constant 4 : i32
      %dma_start3A_857 = tpu.memref_slice %arg2[%add3A_855] : memref<3276800xi32, #tpu.memory_space<hbm>> -> memref<80xi32, #tpu.memory_space<hbm>>
      %dma_start3A_858 = tpu.memref_slice %arg22[%dma_start3A_856] : memref<8x!tpu.dma_semaphore, #tpu.memory_space<semaphore_mem>> -> memref<1x!tpu.dma_semaphore, #tpu.memory_space<semaphore_mem>>
      %dma_start3A_859 = tpu.memref_squeeze %dma_start3A_858 : memref<1x!tpu.dma_semaphore, #tpu.memory_space<semaphore_mem>> -> memref<!tpu.dma_semaphore, #tpu.memory_space<semaphore_mem>>
      %dma_start3A_860 = tpu.memref_slice %arg2[%add3A_855] : memref<3276800xi32, #tpu.memory_space<hbm>> -> memref<80xi32, #tpu.memory_space<hbm>>
      tpu.enqueue_dma source(%dma_start3A_860 : memref<80xi32, #tpu.memory_space<hbm>>) target(%arg9 : memref<80xi32, #tpu.memory_space<vmem>>) target_semaphore(%dma_start3A_859 : memref<!tpu.dma_semaphore, #tpu.memory_space<semaphore_mem>>)
      %mul3A_861 = arith.constant 80 : i32
      %mul3A_862 = arith.muli %add3A_844, %mul3A_861 : i32
      %add3A_863 = arith.addi %mul3A_2, %mul3A_862 : i32
      %dma_start3A_864 = arith.constant 4 : i32
      %dma_start3A_865 = arith.constant 0 : i32
      %dma_start3A_866 = tpu.memref_slice %arg4[%add3A_863, %dma_start3A_865] : memref<3276800x128xf32, #tpu.memory_space<hbm>> -> memref<80x128xf32, #tpu.memory_space<hbm>>
      %dma_start3A_867 = tpu.memref_slice %arg24[%dma_start3A_864] : memref<8x!tpu.dma_semaphore, #tpu.memory_space<semaphore_mem>> -> memref<1x!tpu.dma_semaphore, #tpu.memory_space<semaphore_mem>>
      %dma_start3A_868 = tpu.memref_squeeze %dma_start3A_867 : memref<1x!tpu.dma_semaphore, #tpu.memory_space<semaphore_mem>> -> memref<!tpu.dma_semaphore, #tpu.memory_space<semaphore_mem>>
      %dma_start3A_869 = arith.constant 0 : i32
      %dma_start3A_870 = tpu.memref_slice %arg4[%add3A_863, %dma_start3A_869] : memref<3276800x128xf32, #tpu.memory_space<hbm>> -> memref<80x128xf32, #tpu.memory_space<hbm>>
      tpu.enqueue_dma source(%arg17 : memref<80x128xf32, #tpu.memory_space<vmem>>) target(%dma_start3A_870 : memref<80x128xf32, #tpu.memory_space<hbm>>) target_semaphore(%dma_start3A_868 : memref<!tpu.dma_semaphore, #tpu.memory_space<semaphore_mem>>)
      %dma_wait3A_871 = arith.constant 0 : i32
      %dma_wait3A_872 = arith.constant 0 : i32
      %dma_wait3A_873 = tpu.memref_slice %arg4[%mul3A_2, %dma_wait3A_872] : memref<3276800x128xf32, #tpu.memory_space<hbm>> -> memref<80x128xf32, #tpu.memory_space<hbm>>
      %dma_wait3A_874 = tpu.memref_slice %arg24[%dma_wait3A_871] : memref<8x!tpu.dma_semaphore, #tpu.memory_space<semaphore_mem>> -> memref<1x!tpu.dma_semaphore, #tpu.memory_space<semaphore_mem>>
      %dma_wait3A_875 = tpu.memref_squeeze %dma_wait3A_874 : memref<1x!tpu.dma_semaphore, #tpu.memory_space<semaphore_mem>> -> memref<!tpu.dma_semaphore, #tpu.memory_space<semaphore_mem>>
      %dma_wait3A_876 = arith.constant 0 : i32
      %dma_wait3A_877 = tpu.memref_slice %arg4[%mul3A_2, %dma_wait3A_876] : memref<3276800x128xf32, #tpu.memory_space<hbm>> -> memref<80x128xf32, #tpu.memory_space<hbm>>
      tpu.wait_dma2 semaphore(%dma_wait3A_875 : memref<!tpu.dma_semaphore, #tpu.memory_space<semaphore_mem>>) src(%arg13 : memref<80x128xf32, #tpu.memory_space<vmem>>) dst(%dma_wait3A_877 : memref<80x128xf32, #tpu.memory_space<hbm>>)
      %dma_wait3A_878 = arith.constant 0 : i32
      %dma_wait3A_879 = tpu.memref_slice %arg2[%mul3A_2] : memref<3276800xi32, #tpu.memory_space<hbm>> -> memref<80xi32, #tpu.memory_space<hbm>>
      %dma_wait3A_880 = tpu.memref_slice %arg22[%dma_wait3A_878] : memref<8x!tpu.dma_semaphore, #tpu.memory_space<semaphore_mem>> -> memref<1x!tpu.dma_semaphore, #tpu.memory_space<semaphore_mem>>
      %dma_wait3A_881 = tpu.memref_squeeze %dma_wait3A_880 : memref<1x!tpu.dma_semaphore, #tpu.memory_space<semaphore_mem>> -> memref<!tpu.dma_semaphore, #tpu.memory_space<semaphore_mem>>
      %dma_wait3A_882 = tpu.memref_slice %arg2[%mul3A_2] : memref<3276800xi32, #tpu.memory_space<hbm>> -> memref<80xi32, #tpu.memory_space<hbm>>
      tpu.wait_dma2 semaphore(%dma_wait3A_881 : memref<!tpu.dma_semaphore, #tpu.memory_space<semaphore_mem>>) src(%dma_wait3A_882 : memref<80xi32, #tpu.memory_space<hbm>>) dst(%arg5 : memref<80xi32, #tpu.memory_space<vmem>>)
      %dma_start3A_883 = arith.constant 0 : i32
      %dma_start3A_884 = arith.constant 0 : i32
      %dma_start3A_885 = arith.constant 0 : i32
      %dma_start3A_886 = tpu.memref_slice %arg21[%dma_start3A_884, %dma_start3A_885] : memref<367x128xf32, #tpu.memory_space<vmem_shared>> -> memref<367x128xf32, #tpu.memory_space<vmem_shared>>
      %dma_start3A_887 = tpu.memref_slice %arg23[%dma_start3A_883] : memref<8x!tpu.dma_semaphore, #tpu.memory_space<semaphore_mem>> -> memref<1x!tpu.dma_semaphore, #tpu.memory_space<semaphore_mem>>
      %dma_start3A_888 = tpu.memref_squeeze %dma_start3A_887 : memref<1x!tpu.dma_semaphore, #tpu.memory_space<semaphore_mem>> -> memref<!tpu.dma_semaphore, #tpu.memory_space<semaphore_mem>>
      tpu.enqueue_indirect_dma source(%dma_start3A_886 : memref<367x128xf32, #tpu.memory_space<vmem_shared>>) target(%arg13 : memref<80x128xf32, #tpu.memory_space<vmem>>) offsets(%arg5 : memref<80xi32, #tpu.memory_space<vmem>>) semaphore(%dma_start3A_888 : memref<!tpu.dma_semaphore, #tpu.memory_space<semaphore_mem>>)
      %mul3A_889 = arith.constant 8 : i32
      %mul3A_890 = arith.muli %scan3A_648, %mul3A_889 : i32
      %add3A_891 = arith.constant 5 : i32
      %add3A_892 = arith.addi %mul3A_890, %add3A_891 : i32
      %dma_wait3A_893 = arith.constant 5 : i32
      %dma_wait3A_894 = arith.constant 0 : i32
      %dma_wait3A_895 = arith.constant 0 : i32
      %dma_wait3A_896 = tpu.memref_slice %arg21[%dma_wait3A_894, %dma_wait3A_895] : memref<367x128xf32, #tpu.memory_space<vmem_shared>> -> memref<367x128xf32, #tpu.memory_space<vmem_shared>>
      %dma_wait3A_897 = tpu.memref_slice %arg23[%dma_wait3A_893] : memref<8x!tpu.dma_semaphore, #tpu.memory_space<semaphore_mem>> -> memref<1x!tpu.dma_semaphore, #tpu.memory_space<semaphore_mem>>
      %dma_wait3A_898 = tpu.memref_squeeze %dma_wait3A_897 : memref<1x!tpu.dma_semaphore, #tpu.memory_space<semaphore_mem>> -> memref<!tpu.dma_semaphore, #tpu.memory_space<semaphore_mem>>
      tpu.wait_indirect_dma semaphore(%dma_wait3A_898 : memref<!tpu.dma_semaphore, #tpu.memory_space<semaphore_mem>>) src(%dma_wait3A_896 : memref<367x128xf32, #tpu.memory_space<vmem_shared>>) dst(%arg18 : memref<80x128xf32, #tpu.memory_space<vmem>>)
      %add3A_899 = arith.constant 8 : i32
      %add3A_900 = arith.addi %add3A_892, %add3A_899 : i32
      %mul3A_901 = arith.constant 80 : i32
      %mul3A_902 = arith.muli %add3A_900, %mul3A_901 : i32
      %add3A_903 = arith.addi %mul3A_2, %mul3A_902 : i32
      %dma_start3A_904 = arith.constant 5 : i32
      %dma_start3A_905 = tpu.memref_slice %arg2[%add3A_903] : memref<3276800xi32, #tpu.memory_space<hbm>> -> memref<80xi32, #tpu.memory_space<hbm>>
      %dma_start3A_906 = tpu.memref_slice %arg22[%dma_start3A_904] : memref<8x!tpu.dma_semaphore, #tpu.memory_space<semaphore_mem>> -> memref<1x!tpu.dma_semaphore, #tpu.memory_space<semaphore_mem>>
      %dma_start3A_907 = tpu.memref_squeeze %dma_start3A_906 : memref<1x!tpu.dma_semaphore, #tpu.memory_space<semaphore_mem>> -> memref<!tpu.dma_semaphore, #tpu.memory_space<semaphore_mem>>
      %dma_start3A_908 = tpu.memref_slice %arg2[%add3A_903] : memref<3276800xi32, #tpu.memory_space<hbm>> -> memref<80xi32, #tpu.memory_space<hbm>>
      tpu.enqueue_dma source(%dma_start3A_908 : memref<80xi32, #tpu.memory_space<hbm>>) target(%arg10 : memref<80xi32, #tpu.memory_space<vmem>>) target_semaphore(%dma_start3A_907 : memref<!tpu.dma_semaphore, #tpu.memory_space<semaphore_mem>>)
      %mul3A_909 = arith.constant 80 : i32
      %mul3A_910 = arith.muli %add3A_892, %mul3A_909 : i32
      %add3A_911 = arith.addi %mul3A_2, %mul3A_910 : i32
      %dma_start3A_912 = arith.constant 5 : i32
      %dma_start3A_913 = arith.constant 0 : i32
      %dma_start3A_914 = tpu.memref_slice %arg4[%add3A_911, %dma_start3A_913] : memref<3276800x128xf32, #tpu.memory_space<hbm>> -> memref<80x128xf32, #tpu.memory_space<hbm>>
      %dma_start3A_915 = tpu.memref_slice %arg24[%dma_start3A_912] : memref<8x!tpu.dma_semaphore, #tpu.memory_space<semaphore_mem>> -> memref<1x!tpu.dma_semaphore, #tpu.memory_space<semaphore_mem>>
      %dma_start3A_916 = tpu.memref_squeeze %dma_start3A_915 : memref<1x!tpu.dma_semaphore, #tpu.memory_space<semaphore_mem>> -> memref<!tpu.dma_semaphore, #tpu.memory_space<semaphore_mem>>
      %dma_start3A_917 = arith.constant 0 : i32
      %dma_start3A_918 = tpu.memref_slice %arg4[%add3A_911, %dma_start3A_917] : memref<3276800x128xf32, #tpu.memory_space<hbm>> -> memref<80x128xf32, #tpu.memory_space<hbm>>
      tpu.enqueue_dma source(%arg18 : memref<80x128xf32, #tpu.memory_space<vmem>>) target(%dma_start3A_918 : memref<80x128xf32, #tpu.memory_space<hbm>>) target_semaphore(%dma_start3A_916 : memref<!tpu.dma_semaphore, #tpu.memory_space<semaphore_mem>>)
      %dma_wait3A_919 = arith.constant 1 : i32
      %dma_wait3A_920 = arith.constant 0 : i32
      %dma_wait3A_921 = tpu.memref_slice %arg4[%mul3A_2, %dma_wait3A_920] : memref<3276800x128xf32, #tpu.memory_space<hbm>> -> memref<80x128xf32, #tpu.memory_space<hbm>>
      %dma_wait3A_922 = tpu.memref_slice %arg24[%dma_wait3A_919] : memref<8x!tpu.dma_semaphore, #tpu.memory_space<semaphore_mem>> -> memref<1x!tpu.dma_semaphore, #tpu.memory_space<semaphore_mem>>
      %dma_wait3A_923 = tpu.memref_squeeze %dma_wait3A_922 : memref<1x!tpu.dma_semaphore, #tpu.memory_space<semaphore_mem>> -> memref<!tpu.dma_semaphore, #tpu.memory_space<semaphore_mem>>
      %dma_wait3A_924 = arith.constant 0 : i32
      %dma_wait3A_925 = tpu.memref_slice %arg4[%mul3A_2, %dma_wait3A_924] : memref<3276800x128xf32, #tpu.memory_space<hbm>> -> memref<80x128xf32, #tpu.memory_space<hbm>>
      tpu.wait_dma2 semaphore(%dma_wait3A_923 : memref<!tpu.dma_semaphore, #tpu.memory_space<semaphore_mem>>) src(%arg14 : memref<80x128xf32, #tpu.memory_space<vmem>>) dst(%dma_wait3A_925 : memref<80x128xf32, #tpu.memory_space<hbm>>)
      %dma_wait3A_926 = arith.constant 1 : i32
      %dma_wait3A_927 = tpu.memref_slice %arg2[%mul3A_2] : memref<3276800xi32, #tpu.memory_space<hbm>> -> memref<80xi32, #tpu.memory_space<hbm>>
      %dma_wait3A_928 = tpu.memref_slice %arg22[%dma_wait3A_926] : memref<8x!tpu.dma_semaphore, #tpu.memory_space<semaphore_mem>> -> memref<1x!tpu.dma_semaphore, #tpu.memory_space<semaphore_mem>>
      %dma_wait3A_929 = tpu.memref_squeeze %dma_wait3A_928 : memref<1x!tpu.dma_semaphore, #tpu.memory_space<semaphore_mem>> -> memref<!tpu.dma_semaphore, #tpu.memory_space<semaphore_mem>>
      %dma_wait3A_930 = tpu.memref_slice %arg2[%mul3A_2] : memref<3276800xi32, #tpu.memory_space<hbm>> -> memref<80xi32, #tpu.memory_space<hbm>>
      tpu.wait_dma2 semaphore(%dma_wait3A_929 : memref<!tpu.dma_semaphore, #tpu.memory_space<semaphore_mem>>) src(%dma_wait3A_930 : memref<80xi32, #tpu.memory_space<hbm>>) dst(%arg6 : memref<80xi32, #tpu.memory_space<vmem>>)
      %dma_start3A_931 = arith.constant 1 : i32
      %dma_start3A_932 = arith.constant 0 : i32
      %dma_start3A_933 = arith.constant 0 : i32
      %dma_start3A_934 = tpu.memref_slice %arg21[%dma_start3A_932, %dma_start3A_933] : memref<367x128xf32, #tpu.memory_space<vmem_shared>> -> memref<367x128xf32, #tpu.memory_space<vmem_shared>>
      %dma_start3A_935 = tpu.memref_slice %arg23[%dma_start3A_931] : memref<8x!tpu.dma_semaphore, #tpu.memory_space<semaphore_mem>> -> memref<1x!tpu.dma_semaphore, #tpu.memory_space<semaphore_mem>>
      %dma_start3A_936 = tpu.memref_squeeze %dma_start3A_935 : memref<1x!tpu.dma_semaphore, #tpu.memory_space<semaphore_mem>> -> memref<!tpu.dma_semaphore, #tpu.memory_space<semaphore_mem>>
      tpu.enqueue_indirect_dma source(%dma_start3A_934 : memref<367x128xf32, #tpu.memory_space<vmem_shared>>) target(%arg14 : memref<80x128xf32, #tpu.memory_space<vmem>>) offsets(%arg6 : memref<80xi32, #tpu.memory_space<vmem>>) semaphore(%dma_start3A_936 : memref<!tpu.dma_semaphore, #tpu.memory_space<semaphore_mem>>)
      %mul3A_937 = arith.constant 8 : i32
      %mul3A_938 = arith.muli %scan3A_648, %mul3A_937 : i32
      %add3A_939 = arith.constant 6 : i32
      %add3A_940 = arith.addi %mul3A_938, %add3A_939 : i32
      %dma_wait3A_941 = arith.constant 6 : i32
      %dma_wait3A_942 = arith.constant 0 : i32
      %dma_wait3A_943 = arith.constant 0 : i32
      %dma_wait3A_944 = tpu.memref_slice %arg21[%dma_wait3A_942, %dma_wait3A_943] : memref<367x128xf32, #tpu.memory_space<vmem_shared>> -> memref<367x128xf32, #tpu.memory_space<vmem_shared>>
      %dma_wait3A_945 = tpu.memref_slice %arg23[%dma_wait3A_941] : memref<8x!tpu.dma_semaphore, #tpu.memory_space<semaphore_mem>> -> memref<1x!tpu.dma_semaphore, #tpu.memory_space<semaphore_mem>>
      %dma_wait3A_946 = tpu.memref_squeeze %dma_wait3A_945 : memref<1x!tpu.dma_semaphore, #tpu.memory_space<semaphore_mem>> -> memref<!tpu.dma_semaphore, #tpu.memory_space<semaphore_mem>>
      tpu.wait_indirect_dma semaphore(%dma_wait3A_946 : memref<!tpu.dma_semaphore, #tpu.memory_space<semaphore_mem>>) src(%dma_wait3A_944 : memref<367x128xf32, #tpu.memory_space<vmem_shared>>) dst(%arg19 : memref<80x128xf32, #tpu.memory_space<vmem>>)
      %add3A_947 = arith.constant 8 : i32
      %add3A_948 = arith.addi %add3A_940, %add3A_947 : i32
      %mul3A_949 = arith.constant 80 : i32
      %mul3A_950 = arith.muli %add3A_948, %mul3A_949 : i32
      %add3A_951 = arith.addi %mul3A_2, %mul3A_950 : i32
      %dma_start3A_952 = arith.constant 6 : i32
      %dma_start3A_953 = tpu.memref_slice %arg2[%add3A_951] : memref<3276800xi32, #tpu.memory_space<hbm>> -> memref<80xi32, #tpu.memory_space<hbm>>
      %dma_start3A_954 = tpu.memref_slice %arg22[%dma_start3A_952] : memref<8x!tpu.dma_semaphore, #tpu.memory_space<semaphore_mem>> -> memref<1x!tpu.dma_semaphore, #tpu.memory_space<semaphore_mem>>
      %dma_start3A_955 = tpu.memref_squeeze %dma_start3A_954 : memref<1x!tpu.dma_semaphore, #tpu.memory_space<semaphore_mem>> -> memref<!tpu.dma_semaphore, #tpu.memory_space<semaphore_mem>>
      %dma_start3A_956 = tpu.memref_slice %arg2[%add3A_951] : memref<3276800xi32, #tpu.memory_space<hbm>> -> memref<80xi32, #tpu.memory_space<hbm>>
      tpu.enqueue_dma source(%dma_start3A_956 : memref<80xi32, #tpu.memory_space<hbm>>) target(%arg11 : memref<80xi32, #tpu.memory_space<vmem>>) target_semaphore(%dma_start3A_955 : memref<!tpu.dma_semaphore, #tpu.memory_space<semaphore_mem>>)
      %mul3A_957 = arith.constant 80 : i32
      %mul3A_958 = arith.muli %add3A_940, %mul3A_957 : i32
      %add3A_959 = arith.addi %mul3A_2, %mul3A_958 : i32
      %dma_start3A_960 = arith.constant 6 : i32
      %dma_start3A_961 = arith.constant 0 : i32
      %dma_start3A_962 = tpu.memref_slice %arg4[%add3A_959, %dma_start3A_961] : memref<3276800x128xf32, #tpu.memory_space<hbm>> -> memref<80x128xf32, #tpu.memory_space<hbm>>
      %dma_start3A_963 = tpu.memref_slice %arg24[%dma_start3A_960] : memref<8x!tpu.dma_semaphore, #tpu.memory_space<semaphore_mem>> -> memref<1x!tpu.dma_semaphore, #tpu.memory_space<semaphore_mem>>
      %dma_start3A_964 = tpu.memref_squeeze %dma_start3A_963 : memref<1x!tpu.dma_semaphore, #tpu.memory_space<semaphore_mem>> -> memref<!tpu.dma_semaphore, #tpu.memory_space<semaphore_mem>>
      %dma_start3A_965 = arith.constant 0 : i32
      %dma_start3A_966 = tpu.memref_slice %arg4[%add3A_959, %dma_start3A_965] : memref<3276800x128xf32, #tpu.memory_space<hbm>> -> memref<80x128xf32, #tpu.memory_space<hbm>>
      tpu.enqueue_dma source(%arg19 : memref<80x128xf32, #tpu.memory_space<vmem>>) target(%dma_start3A_966 : memref<80x128xf32, #tpu.memory_space<hbm>>) target_semaphore(%dma_start3A_964 : memref<!tpu.dma_semaphore, #tpu.memory_space<semaphore_mem>>)
      %dma_wait3A_967 = arith.constant 2 : i32
      %dma_wait3A_968 = arith.constant 0 : i32
      %dma_wait3A_969 = tpu.memref_slice %arg4[%mul3A_2, %dma_wait3A_968] : memref<3276800x128xf32, #tpu.memory_space<hbm>> -> memref<80x128xf32, #tpu.memory_space<hbm>>
      %dma_wait3A_970 = tpu.memref_slice %arg24[%dma_wait3A_967] : memref<8x!tpu.dma_semaphore, #tpu.memory_space<semaphore_mem>> -> memref<1x!tpu.dma_semaphore, #tpu.memory_space<semaphore_mem>>
      %dma_wait3A_971 = tpu.memref_squeeze %dma_wait3A_970 : memref<1x!tpu.dma_semaphore, #tpu.memory_space<semaphore_mem>> -> memref<!tpu.dma_semaphore, #tpu.memory_space<semaphore_mem>>
      %dma_wait3A_972 = arith.constant 0 : i32
      %dma_wait3A_973 = tpu.memref_slice %arg4[%mul3A_2, %dma_wait3A_972] : memref<3276800x128xf32, #tpu.memory_space<hbm>> -> memref<80x128xf32, #tpu.memory_space<hbm>>
      tpu.wait_dma2 semaphore(%dma_wait3A_971 : memref<!tpu.dma_semaphore, #tpu.memory_space<semaphore_mem>>) src(%arg15 : memref<80x128xf32, #tpu.memory_space<vmem>>) dst(%dma_wait3A_973 : memref<80x128xf32, #tpu.memory_space<hbm>>)
      %dma_wait3A_974 = arith.constant 2 : i32
      %dma_wait3A_975 = tpu.memref_slice %arg2[%mul3A_2] : memref<3276800xi32, #tpu.memory_space<hbm>> -> memref<80xi32, #tpu.memory_space<hbm>>
      %dma_wait3A_976 = tpu.memref_slice %arg22[%dma_wait3A_974] : memref<8x!tpu.dma_semaphore, #tpu.memory_space<semaphore_mem>> -> memref<1x!tpu.dma_semaphore, #tpu.memory_space<semaphore_mem>>
      %dma_wait3A_977 = tpu.memref_squeeze %dma_wait3A_976 : memref<1x!tpu.dma_semaphore, #tpu.memory_space<semaphore_mem>> -> memref<!tpu.dma_semaphore, #tpu.memory_space<semaphore_mem>>
      %dma_wait3A_978 = tpu.memref_slice %arg2[%mul3A_2] : memref<3276800xi32, #tpu.memory_space<hbm>> -> memref<80xi32, #tpu.memory_space<hbm>>
      tpu.wait_dma2 semaphore(%dma_wait3A_977 : memref<!tpu.dma_semaphore, #tpu.memory_space<semaphore_mem>>) src(%dma_wait3A_978 : memref<80xi32, #tpu.memory_space<hbm>>) dst(%arg7 : memref<80xi32, #tpu.memory_space<vmem>>)
      %dma_start3A_979 = arith.constant 2 : i32
      %dma_start3A_980 = arith.constant 0 : i32
      %dma_start3A_981 = arith.constant 0 : i32
      %dma_start3A_982 = tpu.memref_slice %arg21[%dma_start3A_980, %dma_start3A_981] : memref<367x128xf32, #tpu.memory_space<vmem_shared>> -> memref<367x128xf32, #tpu.memory_space<vmem_shared>>
      %dma_start3A_983 = tpu.memref_slice %arg23[%dma_start3A_979] : memref<8x!tpu.dma_semaphore, #tpu.memory_space<semaphore_mem>> -> memref<1x!tpu.dma_semaphore, #tpu.memory_space<semaphore_mem>>
      %dma_start3A_984 = tpu.memref_squeeze %dma_start3A_983 : memref<1x!tpu.dma_semaphore, #tpu.memory_space<semaphore_mem>> -> memref<!tpu.dma_semaphore, #tpu.memory_space<semaphore_mem>>
      tpu.enqueue_indirect_dma source(%dma_start3A_982 : memref<367x128xf32, #tpu.memory_space<vmem_shared>>) target(%arg15 : memref<80x128xf32, #tpu.memory_space<vmem>>) offsets(%arg7 : memref<80xi32, #tpu.memory_space<vmem>>) semaphore(%dma_start3A_984 : memref<!tpu.dma_semaphore, #tpu.memory_space<semaphore_mem>>)
      %mul3A_985 = arith.constant 8 : i32
      %mul3A_986 = arith.muli %scan3A_648, %mul3A_985 : i32
      %add3A_987 = arith.constant 7 : i32
      %add3A_988 = arith.addi %mul3A_986, %add3A_987 : i32
      %dma_wait3A_989 = arith.constant 7 : i32
      %dma_wait3A_990 = arith.constant 0 : i32
      %dma_wait3A_991 = arith.constant 0 : i32
      %dma_wait3A_992 = tpu.memref_slice %arg21[%dma_wait3A_990, %dma_wait3A_991] : memref<367x128xf32, #tpu.memory_space<vmem_shared>> -> memref<367x128xf32, #tpu.memory_space<vmem_shared>>
      %dma_wait3A_993 = tpu.memref_slice %arg23[%dma_wait3A_989] : memref<8x!tpu.dma_semaphore, #tpu.memory_space<semaphore_mem>> -> memref<1x!tpu.dma_semaphore, #tpu.memory_space<semaphore_mem>>
      %dma_wait3A_994 = tpu.memref_squeeze %dma_wait3A_993 : memref<1x!tpu.dma_semaphore, #tpu.memory_space<semaphore_mem>> -> memref<!tpu.dma_semaphore, #tpu.memory_space<semaphore_mem>>
      tpu.wait_indirect_dma semaphore(%dma_wait3A_994 : memref<!tpu.dma_semaphore, #tpu.memory_space<semaphore_mem>>) src(%dma_wait3A_992 : memref<367x128xf32, #tpu.memory_space<vmem_shared>>) dst(%arg20 : memref<80x128xf32, #tpu.memory_space<vmem>>)
      %add3A_995 = arith.constant 8 : i32
      %add3A_996 = arith.addi %add3A_988, %add3A_995 : i32
      %mul3A_997 = arith.constant 80 : i32
      %mul3A_998 = arith.muli %add3A_996, %mul3A_997 : i32
      %add3A_999 = arith.addi %mul3A_2, %mul3A_998 : i32
      %dma_start3A_1000 = arith.constant 7 : i32
      %dma_start3A_1001 = tpu.memref_slice %arg2[%add3A_999] : memref<3276800xi32, #tpu.memory_space<hbm>> -> memref<80xi32, #tpu.memory_space<hbm>>
      %dma_start3A_1002 = tpu.memref_slice %arg22[%dma_start3A_1000] : memref<8x!tpu.dma_semaphore, #tpu.memory_space<semaphore_mem>> -> memref<1x!tpu.dma_semaphore, #tpu.memory_space<semaphore_mem>>
      %dma_start3A_1003 = tpu.memref_squeeze %dma_start3A_1002 : memref<1x!tpu.dma_semaphore, #tpu.memory_space<semaphore_mem>> -> memref<!tpu.dma_semaphore, #tpu.memory_space<semaphore_mem>>
      %dma_start3A_1004 = tpu.memref_slice %arg2[%add3A_999] : memref<3276800xi32, #tpu.memory_space<hbm>> -> memref<80xi32, #tpu.memory_space<hbm>>
      tpu.enqueue_dma source(%dma_start3A_1004 : memref<80xi32, #tpu.memory_space<hbm>>) target(%arg12 : memref<80xi32, #tpu.memory_space<vmem>>) target_semaphore(%dma_start3A_1003 : memref<!tpu.dma_semaphore, #tpu.memory_space<semaphore_mem>>)
      %mul3A_1005 = arith.constant 80 : i32
      %mul3A_1006 = arith.muli %add3A_988, %mul3A_1005 : i32
      %add3A_1007 = arith.addi %mul3A_2, %mul3A_1006 : i32
      %dma_start3A_1008 = arith.constant 7 : i32
      %dma_start3A_1009 = arith.constant 0 : i32
      %dma_start3A_1010 = tpu.memref_slice %arg4[%add3A_1007, %dma_start3A_1009] : memref<3276800x128xf32, #tpu.memory_space<hbm>> -> memref<80x128xf32, #tpu.memory_space<hbm>>
      %dma_start3A_1011 = tpu.memref_slice %arg24[%dma_start3A_1008] : memref<8x!tpu.dma_semaphore, #tpu.memory_space<semaphore_mem>> -> memref<1x!tpu.dma_semaphore, #tpu.memory_space<semaphore_mem>>
      %dma_start3A_1012 = tpu.memref_squeeze %dma_start3A_1011 : memref<1x!tpu.dma_semaphore, #tpu.memory_space<semaphore_mem>> -> memref<!tpu.dma_semaphore, #tpu.memory_space<semaphore_mem>>
      %dma_start3A_1013 = arith.constant 0 : i32
      %dma_start3A_1014 = tpu.memref_slice %arg4[%add3A_1007, %dma_start3A_1013] : memref<3276800x128xf32, #tpu.memory_space<hbm>> -> memref<80x128xf32, #tpu.memory_space<hbm>>
      tpu.enqueue_dma source(%arg20 : memref<80x128xf32, #tpu.memory_space<vmem>>) target(%dma_start3A_1014 : memref<80x128xf32, #tpu.memory_space<hbm>>) target_semaphore(%dma_start3A_1012 : memref<!tpu.dma_semaphore, #tpu.memory_space<semaphore_mem>>)
      %dma_wait3A_1015 = arith.constant 3 : i32
      %dma_wait3A_1016 = arith.constant 0 : i32
      %dma_wait3A_1017 = tpu.memref_slice %arg4[%mul3A_2, %dma_wait3A_1016] : memref<3276800x128xf32, #tpu.memory_space<hbm>> -> memref<80x128xf32, #tpu.memory_space<hbm>>
      %dma_wait3A_1018 = tpu.memref_slice %arg24[%dma_wait3A_1015] : memref<8x!tpu.dma_semaphore, #tpu.memory_space<semaphore_mem>> -> memref<1x!tpu.dma_semaphore, #tpu.memory_space<semaphore_mem>>
      %dma_wait3A_1019 = tpu.memref_squeeze %dma_wait3A_1018 : memref<1x!tpu.dma_semaphore, #tpu.memory_space<semaphore_mem>> -> memref<!tpu.dma_semaphore, #tpu.memory_space<semaphore_mem>>
      %dma_wait3A_1020 = arith.constant 0 : i32
      %dma_wait3A_1021 = tpu.memref_slice %arg4[%mul3A_2, %dma_wait3A_1020] : memref<3276800x128xf32, #tpu.memory_space<hbm>> -> memref<80x128xf32, #tpu.memory_space<hbm>>
      tpu.wait_dma2 semaphore(%dma_wait3A_1019 : memref<!tpu.dma_semaphore, #tpu.memory_space<semaphore_mem>>) src(%arg16 : memref<80x128xf32, #tpu.memory_space<vmem>>) dst(%dma_wait3A_1021 : memref<80x128xf32, #tpu.memory_space<hbm>>)
      %dma_wait3A_1022 = arith.constant 3 : i32
      %dma_wait3A_1023 = tpu.memref_slice %arg2[%mul3A_2] : memref<3276800xi32, #tpu.memory_space<hbm>> -> memref<80xi32, #tpu.memory_space<hbm>>
      %dma_wait3A_1024 = tpu.memref_slice %arg22[%dma_wait3A_1022] : memref<8x!tpu.dma_semaphore, #tpu.memory_space<semaphore_mem>> -> memref<1x!tpu.dma_semaphore, #tpu.memory_space<semaphore_mem>>
      %dma_wait3A_1025 = tpu.memref_squeeze %dma_wait3A_1024 : memref<1x!tpu.dma_semaphore, #tpu.memory_space<semaphore_mem>> -> memref<!tpu.dma_semaphore, #tpu.memory_space<semaphore_mem>>
      %dma_wait3A_1026 = tpu.memref_slice %arg2[%mul3A_2] : memref<3276800xi32, #tpu.memory_space<hbm>> -> memref<80xi32, #tpu.memory_space<hbm>>
      tpu.wait_dma2 semaphore(%dma_wait3A_1025 : memref<!tpu.dma_semaphore, #tpu.memory_space<semaphore_mem>>) src(%dma_wait3A_1026 : memref<80xi32, #tpu.memory_space<hbm>>) dst(%arg8 : memref<80xi32, #tpu.memory_space<vmem>>)
      %dma_start3A_1027 = arith.constant 3 : i32
      %dma_start3A_1028 = arith.constant 0 : i32
      %dma_start3A_1029 = arith.constant 0 : i32
      %dma_start3A_1030 = tpu.memref_slice %arg21[%dma_start3A_1028, %dma_start3A_1029] : memref<367x128xf32, #tpu.memory_space<vmem_shared>> -> memref<367x128xf32, #tpu.memory_space<vmem_shared>>
      %dma_start3A_1031 = tpu.memref_slice %arg23[%dma_start3A_1027] : memref<8x!tpu.dma_semaphore, #tpu.memory_space<semaphore_mem>> -> memref<1x!tpu.dma_semaphore, #tpu.memory_space<semaphore_mem>>
      %dma_start3A_1032 = tpu.memref_squeeze %dma_start3A_1031 : memref<1x!tpu.dma_semaphore, #tpu.memory_space<semaphore_mem>> -> memref<!tpu.dma_semaphore, #tpu.memory_space<semaphore_mem>>
      tpu.enqueue_indirect_dma source(%dma_start3A_1030 : memref<367x128xf32, #tpu.memory_space<vmem_shared>>) target(%arg16 : memref<80x128xf32, #tpu.memory_space<vmem>>) offsets(%arg8 : memref<80xi32, #tpu.memory_space<vmem>>) semaphore(%dma_start3A_1032 : memref<!tpu.dma_semaphore, #tpu.memory_space<semaphore_mem>>)
    }
    %scan3A_399 = arith.constant 158 : i32
    %dma_wait3A_400 = arith.constant 0 : i32
    %dma_wait3A_401 = arith.constant 0 : i32
    %dma_wait3A_402 = arith.constant 0 : i32
    %dma_wait3A_403 = tpu.memref_slice %arg21[%dma_wait3A_401, %dma_wait3A_402] : memref<367x128xf32, #tpu.memory_space<vmem_shared>> -> memref<367x128xf32, #tpu.memory_space<vmem_shared>>
    %dma_wait3A_404 = tpu.memref_slice %arg23[%dma_wait3A_400] : memref<8x!tpu.dma_semaphore, #tpu.memory_space<semaphore_mem>> -> memref<1x!tpu.dma_semaphore, #tpu.memory_space<semaphore_mem>>
    %dma_wait3A_405 = tpu.memref_squeeze %dma_wait3A_404 : memref<1x!tpu.dma_semaphore, #tpu.memory_space<semaphore_mem>> -> memref<!tpu.dma_semaphore, #tpu.memory_space<semaphore_mem>>
    tpu.wait_indirect_dma semaphore(%dma_wait3A_405 : memref<!tpu.dma_semaphore, #tpu.memory_space<semaphore_mem>>) src(%dma_wait3A_403 : memref<367x128xf32, #tpu.memory_space<vmem_shared>>) dst(%arg13 : memref<80x128xf32, #tpu.memory_space<vmem>>)
    %add3A_406 = arith.constant 101760 : i32
    %add3A_407 = arith.addi %mul3A_2, %add3A_406 : i32
    %dma_start3A_408 = arith.constant 0 : i32
    %dma_start3A_409 = arith.constant 0 : i32
    %dma_start3A_410 = tpu.memref_slice %arg4[%add3A_407, %dma_start3A_409] : memref<3276800x128xf32, #tpu.memory_space<hbm>> -> memref<80x128xf32, #tpu.memory_space<hbm>>
    %dma_start3A_411 = tpu.memref_slice %arg24[%dma_start3A_408] : memref<8x!tpu.dma_semaphore, #tpu.memory_space<semaphore_mem>> -> memref<1x!tpu.dma_semaphore, #tpu.memory_space<semaphore_mem>>
    %dma_start3A_412 = tpu.memref_squeeze %dma_start3A_411 : memref<1x!tpu.dma_semaphore, #tpu.memory_space<semaphore_mem>> -> memref<!tpu.dma_semaphore, #tpu.memory_space<semaphore_mem>>
    %dma_start3A_413 = arith.constant 0 : i32
    %dma_start3A_414 = tpu.memref_slice %arg4[%add3A_407, %dma_start3A_413] : memref<3276800x128xf32, #tpu.memory_space<hbm>> -> memref<80x128xf32, #tpu.memory_space<hbm>>
    tpu.enqueue_dma source(%arg13 : memref<80x128xf32, #tpu.memory_space<vmem>>) target(%dma_start3A_414 : memref<80x128xf32, #tpu.memory_space<hbm>>) target_semaphore(%dma_start3A_412 : memref<!tpu.dma_semaphore, #tpu.memory_space<semaphore_mem>>)
    %dma_wait3A_415 = arith.constant 4 : i32
    %dma_wait3A_416 = arith.constant 0 : i32
    %dma_wait3A_417 = tpu.memref_slice %arg4[%mul3A_2, %dma_wait3A_416] : memref<3276800x128xf32, #tpu.memory_space<hbm>> -> memref<80x128xf32, #tpu.memory_space<hbm>>
    %dma_wait3A_418 = tpu.memref_slice %arg24[%dma_wait3A_415] : memref<8x!tpu.dma_semaphore, #tpu.memory_space<semaphore_mem>> -> memref<1x!tpu.dma_semaphore, #tpu.memory_space<semaphore_mem>>
    %dma_wait3A_419 = tpu.memref_squeeze %dma_wait3A_418 : memref<1x!tpu.dma_semaphore, #tpu.memory_space<semaphore_mem>> -> memref<!tpu.dma_semaphore, #tpu.memory_space<semaphore_mem>>
    %dma_wait3A_420 = arith.constant 0 : i32
    %dma_wait3A_421 = tpu.memref_slice %arg4[%mul3A_2, %dma_wait3A_420] : memref<3276800x128xf32, #tpu.memory_space<hbm>> -> memref<80x128xf32, #tpu.memory_space<hbm>>
    tpu.wait_dma2 semaphore(%dma_wait3A_419 : memref<!tpu.dma_semaphore, #tpu.memory_space<semaphore_mem>>) src(%arg17 : memref<80x128xf32, #tpu.memory_space<vmem>>) dst(%dma_wait3A_421 : memref<80x128xf32, #tpu.memory_space<hbm>>)
    %dma_wait3A_422 = arith.constant 4 : i32
    %dma_wait3A_423 = tpu.memref_slice %arg2[%mul3A_2] : memref<3276800xi32, #tpu.memory_space<hbm>> -> memref<80xi32, #tpu.memory_space<hbm>>
    %dma_wait3A_424 = tpu.memref_slice %arg22[%dma_wait3A_422] : memref<8x!tpu.dma_semaphore, #tpu.memory_space<semaphore_mem>> -> memref<1x!tpu.dma_semaphore, #tpu.memory_space<semaphore_mem>>
    %dma_wait3A_425 = tpu.memref_squeeze %dma_wait3A_424 : memref<1x!tpu.dma_semaphore, #tpu.memory_space<semaphore_mem>> -> memref<!tpu.dma_semaphore, #tpu.memory_space<semaphore_mem>>
    %dma_wait3A_426 = tpu.memref_slice %arg2[%mul3A_2] : memref<3276800xi32, #tpu.memory_space<hbm>> -> memref<80xi32, #tpu.memory_space<hbm>>
    tpu.wait_dma2 semaphore(%dma_wait3A_425 : memref<!tpu.dma_semaphore, #tpu.memory_space<semaphore_mem>>) src(%dma_wait3A_426 : memref<80xi32, #tpu.memory_space<hbm>>) dst(%arg9 : memref<80xi32, #tpu.memory_space<vmem>>)
    %dma_start3A_427 = arith.constant 4 : i32
    %dma_start3A_428 = arith.constant 0 : i32
    %dma_start3A_429 = arith.constant 0 : i32
    %dma_start3A_430 = tpu.memref_slice %arg21[%dma_start3A_428, %dma_start3A_429] : memref<367x128xf32, #tpu.memory_space<vmem_shared>> -> memref<367x128xf32, #tpu.memory_space<vmem_shared>>
    %dma_start3A_431 = tpu.memref_slice %arg23[%dma_start3A_427] : memref<8x!tpu.dma_semaphore, #tpu.memory_space<semaphore_mem>> -> memref<1x!tpu.dma_semaphore, #tpu.memory_space<semaphore_mem>>
    %dma_start3A_432 = tpu.memref_squeeze %dma_start3A_431 : memref<1x!tpu.dma_semaphore, #tpu.memory_space<semaphore_mem>> -> memref<!tpu.dma_semaphore, #tpu.memory_space<semaphore_mem>>
    tpu.enqueue_indirect_dma source(%dma_start3A_430 : memref<367x128xf32, #tpu.memory_space<vmem_shared>>) target(%arg17 : memref<80x128xf32, #tpu.memory_space<vmem>>) offsets(%arg9 : memref<80xi32, #tpu.memory_space<vmem>>) semaphore(%dma_start3A_432 : memref<!tpu.dma_semaphore, #tpu.memory_space<semaphore_mem>>)
    %dma_wait3A_433 = arith.constant 1 : i32
    %dma_wait3A_434 = arith.constant 0 : i32
    %dma_wait3A_435 = arith.constant 0 : i32
    %dma_wait3A_436 = tpu.memref_slice %arg21[%dma_wait3A_434, %dma_wait3A_435] : memref<367x128xf32, #tpu.memory_space<vmem_shared>> -> memref<367x128xf32, #tpu.memory_space<vmem_shared>>
    %dma_wait3A_437 = tpu.memref_slice %arg23[%dma_wait3A_433] : memref<8x!tpu.dma_semaphore, #tpu.memory_space<semaphore_mem>> -> memref<1x!tpu.dma_semaphore, #tpu.memory_space<semaphore_mem>>
    %dma_wait3A_438 = tpu.memref_squeeze %dma_wait3A_437 : memref<1x!tpu.dma_semaphore, #tpu.memory_space<semaphore_mem>> -> memref<!tpu.dma_semaphore, #tpu.memory_space<semaphore_mem>>
    tpu.wait_indirect_dma semaphore(%dma_wait3A_438 : memref<!tpu.dma_semaphore, #tpu.memory_space<semaphore_mem>>) src(%dma_wait3A_436 : memref<367x128xf32, #tpu.memory_space<vmem_shared>>) dst(%arg14 : memref<80x128xf32, #tpu.memory_space<vmem>>)
    %add3A_439 = arith.constant 101840 : i32
    %add3A_440 = arith.addi %mul3A_2, %add3A_439 : i32
    %dma_start3A_441 = arith.constant 1 : i32
    %dma_start3A_442 = arith.constant 0 : i32
    %dma_start3A_443 = tpu.memref_slice %arg4[%add3A_440, %dma_start3A_442] : memref<3276800x128xf32, #tpu.memory_space<hbm>> -> memref<80x128xf32, #tpu.memory_space<hbm>>
    %dma_start3A_444 = tpu.memref_slice %arg24[%dma_start3A_441] : memref<8x!tpu.dma_semaphore, #tpu.memory_space<semaphore_mem>> -> memref<1x!tpu.dma_semaphore, #tpu.memory_space<semaphore_mem>>
    %dma_start3A_445 = tpu.memref_squeeze %dma_start3A_444 : memref<1x!tpu.dma_semaphore, #tpu.memory_space<semaphore_mem>> -> memref<!tpu.dma_semaphore, #tpu.memory_space<semaphore_mem>>
    %dma_start3A_446 = arith.constant 0 : i32
    %dma_start3A_447 = tpu.memref_slice %arg4[%add3A_440, %dma_start3A_446] : memref<3276800x128xf32, #tpu.memory_space<hbm>> -> memref<80x128xf32, #tpu.memory_space<hbm>>
    tpu.enqueue_dma source(%arg14 : memref<80x128xf32, #tpu.memory_space<vmem>>) target(%dma_start3A_447 : memref<80x128xf32, #tpu.memory_space<hbm>>) target_semaphore(%dma_start3A_445 : memref<!tpu.dma_semaphore, #tpu.memory_space<semaphore_mem>>)
    %dma_wait3A_448 = arith.constant 5 : i32
    %dma_wait3A_449 = arith.constant 0 : i32
    %dma_wait3A_450 = tpu.memref_slice %arg4[%mul3A_2, %dma_wait3A_449] : memref<3276800x128xf32, #tpu.memory_space<hbm>> -> memref<80x128xf32, #tpu.memory_space<hbm>>
    %dma_wait3A_451 = tpu.memref_slice %arg24[%dma_wait3A_448] : memref<8x!tpu.dma_semaphore, #tpu.memory_space<semaphore_mem>> -> memref<1x!tpu.dma_semaphore, #tpu.memory_space<semaphore_mem>>
    %dma_wait3A_452 = tpu.memref_squeeze %dma_wait3A_451 : memref<1x!tpu.dma_semaphore, #tpu.memory_space<semaphore_mem>> -> memref<!tpu.dma_semaphore, #tpu.memory_space<semaphore_mem>>
    %dma_wait3A_453 = arith.constant 0 : i32
    %dma_wait3A_454 = tpu.memref_slice %arg4[%mul3A_2, %dma_wait3A_453] : memref<3276800x128xf32, #tpu.memory_space<hbm>> -> memref<80x128xf32, #tpu.memory_space<hbm>>
    tpu.wait_dma2 semaphore(%dma_wait3A_452 : memref<!tpu.dma_semaphore, #tpu.memory_space<semaphore_mem>>) src(%arg18 : memref<80x128xf32, #tpu.memory_space<vmem>>) dst(%dma_wait3A_454 : memref<80x128xf32, #tpu.memory_space<hbm>>)
    %dma_wait3A_455 = arith.constant 5 : i32
    %dma_wait3A_456 = tpu.memref_slice %arg2[%mul3A_2] : memref<3276800xi32, #tpu.memory_space<hbm>> -> memref<80xi32, #tpu.memory_space<hbm>>
    %dma_wait3A_457 = tpu.memref_slice %arg22[%dma_wait3A_455] : memref<8x!tpu.dma_semaphore, #tpu.memory_space<semaphore_mem>> -> memref<1x!tpu.dma_semaphore, #tpu.memory_space<semaphore_mem>>
    %dma_wait3A_458 = tpu.memref_squeeze %dma_wait3A_457 : memref<1x!tpu.dma_semaphore, #tpu.memory_space<semaphore_mem>> -> memref<!tpu.dma_semaphore, #tpu.memory_space<semaphore_mem>>
    %dma_wait3A_459 = tpu.memref_slice %arg2[%mul3A_2] : memref<3276800xi32, #tpu.memory_space<hbm>> -> memref<80xi32, #tpu.memory_space<hbm>>
    tpu.wait_dma2 semaphore(%dma_wait3A_458 : memref<!tpu.dma_semaphore, #tpu.memory_space<semaphore_mem>>) src(%dma_wait3A_459 : memref<80xi32, #tpu.memory_space<hbm>>) dst(%arg10 : memref<80xi32, #tpu.memory_space<vmem>>)
    %dma_start3A_460 = arith.constant 5 : i32
    %dma_start3A_461 = arith.constant 0 : i32
    %dma_start3A_462 = arith.constant 0 : i32
    %dma_start3A_463 = tpu.memref_slice %arg21[%dma_start3A_461, %dma_start3A_462] : memref<367x128xf32, #tpu.memory_space<vmem_shared>> -> memref<367x128xf32, #tpu.memory_space<vmem_shared>>
    %dma_start3A_464 = tpu.memref_slice %arg23[%dma_start3A_460] : memref<8x!tpu.dma_semaphore, #tpu.memory_space<semaphore_mem>> -> memref<1x!tpu.dma_semaphore, #tpu.memory_space<semaphore_mem>>
    %dma_start3A_465 = tpu.memref_squeeze %dma_start3A_464 : memref<1x!tpu.dma_semaphore, #tpu.memory_space<semaphore_mem>> -> memref<!tpu.dma_semaphore, #tpu.memory_space<semaphore_mem>>
    tpu.enqueue_indirect_dma source(%dma_start3A_463 : memref<367x128xf32, #tpu.memory_space<vmem_shared>>) target(%arg18 : memref<80x128xf32, #tpu.memory_space<vmem>>) offsets(%arg10 : memref<80xi32, #tpu.memory_space<vmem>>) semaphore(%dma_start3A_465 : memref<!tpu.dma_semaphore, #tpu.memory_space<semaphore_mem>>)
    %dma_wait3A_466 = arith.constant 2 : i32
    %dma_wait3A_467 = arith.constant 0 : i32
    %dma_wait3A_468 = arith.constant 0 : i32
    %dma_wait3A_469 = tpu.memref_slice %arg21[%dma_wait3A_467, %dma_wait3A_468] : memref<367x128xf32, #tpu.memory_space<vmem_shared>> -> memref<367x128xf32, #tpu.memory_space<vmem_shared>>
    %dma_wait3A_470 = tpu.memref_slice %arg23[%dma_wait3A_466] : memref<8x!tpu.dma_semaphore, #tpu.memory_space<semaphore_mem>> -> memref<1x!tpu.dma_semaphore, #tpu.memory_space<semaphore_mem>>
    %dma_wait3A_471 = tpu.memref_squeeze %dma_wait3A_470 : memref<1x!tpu.dma_semaphore, #tpu.memory_space<semaphore_mem>> -> memref<!tpu.dma_semaphore, #tpu.memory_space<semaphore_mem>>
    tpu.wait_indirect_dma semaphore(%dma_wait3A_471 : memref<!tpu.dma_semaphore, #tpu.memory_space<semaphore_mem>>) src(%dma_wait3A_469 : memref<367x128xf32, #tpu.memory_space<vmem_shared>>) dst(%arg15 : memref<80x128xf32, #tpu.memory_space<vmem>>)
    %add3A_472 = arith.constant 101920 : i32
    %add3A_473 = arith.addi %mul3A_2, %add3A_472 : i32
    %dma_start3A_474 = arith.constant 2 : i32
    %dma_start3A_475 = arith.constant 0 : i32
    %dma_start3A_476 = tpu.memref_slice %arg4[%add3A_473, %dma_start3A_475] : memref<3276800x128xf32, #tpu.memory_space<hbm>> -> memref<80x128xf32, #tpu.memory_space<hbm>>
    %dma_start3A_477 = tpu.memref_slice %arg24[%dma_start3A_474] : memref<8x!tpu.dma_semaphore, #tpu.memory_space<semaphore_mem>> -> memref<1x!tpu.dma_semaphore, #tpu.memory_space<semaphore_mem>>
    %dma_start3A_478 = tpu.memref_squeeze %dma_start3A_477 : memref<1x!tpu.dma_semaphore, #tpu.memory_space<semaphore_mem>> -> memref<!tpu.dma_semaphore, #tpu.memory_space<semaphore_mem>>
    %dma_start3A_479 = arith.constant 0 : i32
    %dma_start3A_480 = tpu.memref_slice %arg4[%add3A_473, %dma_start3A_479] : memref<3276800x128xf32, #tpu.memory_space<hbm>> -> memref<80x128xf32, #tpu.memory_space<hbm>>
    tpu.enqueue_dma source(%arg15 : memref<80x128xf32, #tpu.memory_space<vmem>>) target(%dma_start3A_480 : memref<80x128xf32, #tpu.memory_space<hbm>>) target_semaphore(%dma_start3A_478 : memref<!tpu.dma_semaphore, #tpu.memory_space<semaphore_mem>>)
    %dma_wait3A_481 = arith.constant 6 : i32
    %dma_wait3A_482 = arith.constant 0 : i32
    %dma_wait3A_483 = tpu.memref_slice %arg4[%mul3A_2, %dma_wait3A_482] : memref<3276800x128xf32, #tpu.memory_space<hbm>> -> memref<80x128xf32, #tpu.memory_space<hbm>>
    %dma_wait3A_484 = tpu.memref_slice %arg24[%dma_wait3A_481] : memref<8x!tpu.dma_semaphore, #tpu.memory_space<semaphore_mem>> -> memref<1x!tpu.dma_semaphore, #tpu.memory_space<semaphore_mem>>
    %dma_wait3A_485 = tpu.memref_squeeze %dma_wait3A_484 : memref<1x!tpu.dma_semaphore, #tpu.memory_space<semaphore_mem>> -> memref<!tpu.dma_semaphore, #tpu.memory_space<semaphore_mem>>
    %dma_wait3A_486 = arith.constant 0 : i32
    %dma_wait3A_487 = tpu.memref_slice %arg4[%mul3A_2, %dma_wait3A_486] : memref<3276800x128xf32, #tpu.memory_space<hbm>> -> memref<80x128xf32, #tpu.memory_space<hbm>>
    tpu.wait_dma2 semaphore(%dma_wait3A_485 : memref<!tpu.dma_semaphore, #tpu.memory_space<semaphore_mem>>) src(%arg19 : memref<80x128xf32, #tpu.memory_space<vmem>>) dst(%dma_wait3A_487 : memref<80x128xf32, #tpu.memory_space<hbm>>)
    %dma_wait3A_488 = arith.constant 6 : i32
    %dma_wait3A_489 = tpu.memref_slice %arg2[%mul3A_2] : memref<3276800xi32, #tpu.memory_space<hbm>> -> memref<80xi32, #tpu.memory_space<hbm>>
    %dma_wait3A_490 = tpu.memref_slice %arg22[%dma_wait3A_488] : memref<8x!tpu.dma_semaphore, #tpu.memory_space<semaphore_mem>> -> memref<1x!tpu.dma_semaphore, #tpu.memory_space<semaphore_mem>>
    %dma_wait3A_491 = tpu.memref_squeeze %dma_wait3A_490 : memref<1x!tpu.dma_semaphore, #tpu.memory_space<semaphore_mem>> -> memref<!tpu.dma_semaphore, #tpu.memory_space<semaphore_mem>>
    %dma_wait3A_492 = tpu.memref_slice %arg2[%mul3A_2] : memref<3276800xi32, #tpu.memory_space<hbm>> -> memref<80xi32, #tpu.memory_space<hbm>>
    tpu.wait_dma2 semaphore(%dma_wait3A_491 : memref<!tpu.dma_semaphore, #tpu.memory_space<semaphore_mem>>) src(%dma_wait3A_492 : memref<80xi32, #tpu.memory_space<hbm>>) dst(%arg11 : memref<80xi32, #tpu.memory_space<vmem>>)
    %dma_start3A_493 = arith.constant 6 : i32
    %dma_start3A_494 = arith.constant 0 : i32
    %dma_start3A_495 = arith.constant 0 : i32
    %dma_start3A_496 = tpu.memref_slice %arg21[%dma_start3A_494, %dma_start3A_495] : memref<367x128xf32, #tpu.memory_space<vmem_shared>> -> memref<367x128xf32, #tpu.memory_space<vmem_shared>>
    %dma_start3A_497 = tpu.memref_slice %arg23[%dma_start3A_493] : memref<8x!tpu.dma_semaphore, #tpu.memory_space<semaphore_mem>> -> memref<1x!tpu.dma_semaphore, #tpu.memory_space<semaphore_mem>>
    %dma_start3A_498 = tpu.memref_squeeze %dma_start3A_497 : memref<1x!tpu.dma_semaphore, #tpu.memory_space<semaphore_mem>> -> memref<!tpu.dma_semaphore, #tpu.memory_space<semaphore_mem>>
    tpu.enqueue_indirect_dma source(%dma_start3A_496 : memref<367x128xf32, #tpu.memory_space<vmem_shared>>) target(%arg19 : memref<80x128xf32, #tpu.memory_space<vmem>>) offsets(%arg11 : memref<80xi32, #tpu.memory_space<vmem>>) semaphore(%dma_start3A_498 : memref<!tpu.dma_semaphore, #tpu.memory_space<semaphore_mem>>)
    %dma_wait3A_499 = arith.constant 3 : i32
    %dma_wait3A_500 = arith.constant 0 : i32
    %dma_wait3A_501 = arith.constant 0 : i32
    %dma_wait3A_502 = tpu.memref_slice %arg21[%dma_wait3A_500, %dma_wait3A_501] : memref<367x128xf32, #tpu.memory_space<vmem_shared>> -> memref<367x128xf32, #tpu.memory_space<vmem_shared>>
    %dma_wait3A_503 = tpu.memref_slice %arg23[%dma_wait3A_499] : memref<8x!tpu.dma_semaphore, #tpu.memory_space<semaphore_mem>> -> memref<1x!tpu.dma_semaphore, #tpu.memory_space<semaphore_mem>>
    %dma_wait3A_504 = tpu.memref_squeeze %dma_wait3A_503 : memref<1x!tpu.dma_semaphore, #tpu.memory_space<semaphore_mem>> -> memref<!tpu.dma_semaphore, #tpu.memory_space<semaphore_mem>>
    tpu.wait_indirect_dma semaphore(%dma_wait3A_504 : memref<!tpu.dma_semaphore, #tpu.memory_space<semaphore_mem>>) src(%dma_wait3A_502 : memref<367x128xf32, #tpu.memory_space<vmem_shared>>) dst(%arg16 : memref<80x128xf32, #tpu.memory_space<vmem>>)
    %add3A_505 = arith.constant 102000 : i32
    %add3A_506 = arith.addi %mul3A_2, %add3A_505 : i32
    %dma_start3A_507 = arith.constant 3 : i32
    %dma_start3A_508 = arith.constant 0 : i32
    %dma_start3A_509 = tpu.memref_slice %arg4[%add3A_506, %dma_start3A_508] : memref<3276800x128xf32, #tpu.memory_space<hbm>> -> memref<80x128xf32, #tpu.memory_space<hbm>>
    %dma_start3A_510 = tpu.memref_slice %arg24[%dma_start3A_507] : memref<8x!tpu.dma_semaphore, #tpu.memory_space<semaphore_mem>> -> memref<1x!tpu.dma_semaphore, #tpu.memory_space<semaphore_mem>>
    %dma_start3A_511 = tpu.memref_squeeze %dma_start3A_510 : memref<1x!tpu.dma_semaphore, #tpu.memory_space<semaphore_mem>> -> memref<!tpu.dma_semaphore, #tpu.memory_space<semaphore_mem>>
    %dma_start3A_512 = arith.constant 0 : i32
    %dma_start3A_513 = tpu.memref_slice %arg4[%add3A_506, %dma_start3A_512] : memref<3276800x128xf32, #tpu.memory_space<hbm>> -> memref<80x128xf32, #tpu.memory_space<hbm>>
    tpu.enqueue_dma source(%arg16 : memref<80x128xf32, #tpu.memory_space<vmem>>) target(%dma_start3A_513 : memref<80x128xf32, #tpu.memory_space<hbm>>) target_semaphore(%dma_start3A_511 : memref<!tpu.dma_semaphore, #tpu.memory_space<semaphore_mem>>)
    %dma_wait3A_514 = arith.constant 7 : i32
    %dma_wait3A_515 = arith.constant 0 : i32
    %dma_wait3A_516 = tpu.memref_slice %arg4[%mul3A_2, %dma_wait3A_515] : memref<3276800x128xf32, #tpu.memory_space<hbm>> -> memref<80x128xf32, #tpu.memory_space<hbm>>
    %dma_wait3A_517 = tpu.memref_slice %arg24[%dma_wait3A_514] : memref<8x!tpu.dma_semaphore, #tpu.memory_space<semaphore_mem>> -> memref<1x!tpu.dma_semaphore, #tpu.memory_space<semaphore_mem>>
    %dma_wait3A_518 = tpu.memref_squeeze %dma_wait3A_517 : memref<1x!tpu.dma_semaphore, #tpu.memory_space<semaphore_mem>> -> memref<!tpu.dma_semaphore, #tpu.memory_space<semaphore_mem>>
    %dma_wait3A_519 = arith.constant 0 : i32
    %dma_wait3A_520 = tpu.memref_slice %arg4[%mul3A_2, %dma_wait3A_519] : memref<3276800x128xf32, #tpu.memory_space<hbm>> -> memref<80x128xf32, #tpu.memory_space<hbm>>
    tpu.wait_dma2 semaphore(%dma_wait3A_518 : memref<!tpu.dma_semaphore, #tpu.memory_space<semaphore_mem>>) src(%arg20 : memref<80x128xf32, #tpu.memory_space<vmem>>) dst(%dma_wait3A_520 : memref<80x128xf32, #tpu.memory_space<hbm>>)
    %dma_wait3A_521 = arith.constant 7 : i32
    %dma_wait3A_522 = tpu.memref_slice %arg2[%mul3A_2] : memref<3276800xi32, #tpu.memory_space<hbm>> -> memref<80xi32, #tpu.memory_space<hbm>>
    %dma_wait3A_523 = tpu.memref_slice %arg22[%dma_wait3A_521] : memref<8x!tpu.dma_semaphore, #tpu.memory_space<semaphore_mem>> -> memref<1x!tpu.dma_semaphore, #tpu.memory_space<semaphore_mem>>
    %dma_wait3A_524 = tpu.memref_squeeze %dma_wait3A_523 : memref<1x!tpu.dma_semaphore, #tpu.memory_space<semaphore_mem>> -> memref<!tpu.dma_semaphore, #tpu.memory_space<semaphore_mem>>
    %dma_wait3A_525 = tpu.memref_slice %arg2[%mul3A_2] : memref<3276800xi32, #tpu.memory_space<hbm>> -> memref<80xi32, #tpu.memory_space<hbm>>
    tpu.wait_dma2 semaphore(%dma_wait3A_524 : memref<!tpu.dma_semaphore, #tpu.memory_space<semaphore_mem>>) src(%dma_wait3A_525 : memref<80xi32, #tpu.memory_space<hbm>>) dst(%arg12 : memref<80xi32, #tpu.memory_space<vmem>>)
    %dma_start3A_526 = arith.constant 7 : i32
    %dma_start3A_527 = arith.constant 0 : i32
    %dma_start3A_528 = arith.constant 0 : i32
    %dma_start3A_529 = tpu.memref_slice %arg21[%dma_start3A_527, %dma_start3A_528] : memref<367x128xf32, #tpu.memory_space<vmem_shared>> -> memref<367x128xf32, #tpu.memory_space<vmem_shared>>
    %dma_start3A_530 = tpu.memref_slice %arg23[%dma_start3A_526] : memref<8x!tpu.dma_semaphore, #tpu.memory_space<semaphore_mem>> -> memref<1x!tpu.dma_semaphore, #tpu.memory_space<semaphore_mem>>
    %dma_start3A_531 = tpu.memref_squeeze %dma_start3A_530 : memref<1x!tpu.dma_semaphore, #tpu.memory_space<semaphore_mem>> -> memref<!tpu.dma_semaphore, #tpu.memory_space<semaphore_mem>>
    tpu.enqueue_indirect_dma source(%dma_start3A_529 : memref<367x128xf32, #tpu.memory_space<vmem_shared>>) target(%arg20 : memref<80x128xf32, #tpu.memory_space<vmem>>) offsets(%arg12 : memref<80xi32, #tpu.memory_space<vmem>>) semaphore(%dma_start3A_531 : memref<!tpu.dma_semaphore, #tpu.memory_space<semaphore_mem>>)
    %dma_wait3A_532 = arith.constant 4 : i32
    %dma_wait3A_533 = arith.constant 0 : i32
    %dma_wait3A_534 = arith.constant 0 : i32
    %dma_wait3A_535 = tpu.memref_slice %arg21[%dma_wait3A_533, %dma_wait3A_534] : memref<367x128xf32, #tpu.memory_space<vmem_shared>> -> memref<367x128xf32, #tpu.memory_space<vmem_shared>>
    %dma_wait3A_536 = tpu.memref_slice %arg23[%dma_wait3A_532] : memref<8x!tpu.dma_semaphore, #tpu.memory_space<semaphore_mem>> -> memref<1x!tpu.dma_semaphore, #tpu.memory_space<semaphore_mem>>
    %dma_wait3A_537 = tpu.memref_squeeze %dma_wait3A_536 : memref<1x!tpu.dma_semaphore, #tpu.memory_space<semaphore_mem>> -> memref<!tpu.dma_semaphore, #tpu.memory_space<semaphore_mem>>
    tpu.wait_indirect_dma semaphore(%dma_wait3A_537 : memref<!tpu.dma_semaphore, #tpu.memory_space<semaphore_mem>>) src(%dma_wait3A_535 : memref<367x128xf32, #tpu.memory_space<vmem_shared>>) dst(%arg17 : memref<80x128xf32, #tpu.memory_space<vmem>>)
    %add3A_538 = arith.constant 102080 : i32
    %add3A_539 = arith.addi %mul3A_2, %add3A_538 : i32
    %dma_start3A_540 = arith.constant 4 : i32
    %dma_start3A_541 = arith.constant 0 : i32
    %dma_start3A_542 = tpu.memref_slice %arg4[%add3A_539, %dma_start3A_541] : memref<3276800x128xf32, #tpu.memory_space<hbm>> -> memref<80x128xf32, #tpu.memory_space<hbm>>
    %dma_start3A_543 = tpu.memref_slice %arg24[%dma_start3A_540] : memref<8x!tpu.dma_semaphore, #tpu.memory_space<semaphore_mem>> -> memref<1x!tpu.dma_semaphore, #tpu.memory_space<semaphore_mem>>
    %dma_start3A_544 = tpu.memref_squeeze %dma_start3A_543 : memref<1x!tpu.dma_semaphore, #tpu.memory_space<semaphore_mem>> -> memref<!tpu.dma_semaphore, #tpu.memory_space<semaphore_mem>>
    %dma_start3A_545 = arith.constant 0 : i32
    %dma_start3A_546 = tpu.memref_slice %arg4[%add3A_539, %dma_start3A_545] : memref<3276800x128xf32, #tpu.memory_space<hbm>> -> memref<80x128xf32, #tpu.memory_space<hbm>>
    tpu.enqueue_dma source(%arg17 : memref<80x128xf32, #tpu.memory_space<vmem>>) target(%dma_start3A_546 : memref<80x128xf32, #tpu.memory_space<hbm>>) target_semaphore(%dma_start3A_544 : memref<!tpu.dma_semaphore, #tpu.memory_space<semaphore_mem>>)
    %dma_wait3A_547 = arith.constant 0 : i32
    %dma_wait3A_548 = arith.constant 0 : i32
    %dma_wait3A_549 = tpu.memref_slice %arg4[%mul3A_2, %dma_wait3A_548] : memref<3276800x128xf32, #tpu.memory_space<hbm>> -> memref<80x128xf32, #tpu.memory_space<hbm>>
    %dma_wait3A_550 = tpu.memref_slice %arg24[%dma_wait3A_547] : memref<8x!tpu.dma_semaphore, #tpu.memory_space<semaphore_mem>> -> memref<1x!tpu.dma_semaphore, #tpu.memory_space<semaphore_mem>>
    %dma_wait3A_551 = tpu.memref_squeeze %dma_wait3A_550 : memref<1x!tpu.dma_semaphore, #tpu.memory_space<semaphore_mem>> -> memref<!tpu.dma_semaphore, #tpu.memory_space<semaphore_mem>>
    %dma_wait3A_552 = arith.constant 0 : i32
    %dma_wait3A_553 = tpu.memref_slice %arg4[%mul3A_2, %dma_wait3A_552] : memref<3276800x128xf32, #tpu.memory_space<hbm>> -> memref<80x128xf32, #tpu.memory_space<hbm>>
    tpu.wait_dma2 semaphore(%dma_wait3A_551 : memref<!tpu.dma_semaphore, #tpu.memory_space<semaphore_mem>>) src(%arg13 : memref<80x128xf32, #tpu.memory_space<vmem>>) dst(%dma_wait3A_553 : memref<80x128xf32, #tpu.memory_space<hbm>>)
    %dma_wait3A_554 = arith.constant 5 : i32
    %dma_wait3A_555 = arith.constant 0 : i32
    %dma_wait3A_556 = arith.constant 0 : i32
    %dma_wait3A_557 = tpu.memref_slice %arg21[%dma_wait3A_555, %dma_wait3A_556] : memref<367x128xf32, #tpu.memory_space<vmem_shared>> -> memref<367x128xf32, #tpu.memory_space<vmem_shared>>
    %dma_wait3A_558 = tpu.memref_slice %arg23[%dma_wait3A_554] : memref<8x!tpu.dma_semaphore, #tpu.memory_space<semaphore_mem>> -> memref<1x!tpu.dma_semaphore, #tpu.memory_space<semaphore_mem>>
    %dma_wait3A_559 = tpu.memref_squeeze %dma_wait3A_558 : memref<1x!tpu.dma_semaphore, #tpu.memory_space<semaphore_mem>> -> memref<!tpu.dma_semaphore, #tpu.memory_space<semaphore_mem>>
    tpu.wait_indirect_dma semaphore(%dma_wait3A_559 : memref<!tpu.dma_semaphore, #tpu.memory_space<semaphore_mem>>) src(%dma_wait3A_557 : memref<367x128xf32, #tpu.memory_space<vmem_shared>>) dst(%arg18 : memref<80x128xf32, #tpu.memory_space<vmem>>)
    %add3A_560 = arith.constant 102160 : i32
    %add3A_561 = arith.addi %mul3A_2, %add3A_560 : i32
    %dma_start3A_562 = arith.constant 5 : i32
    %dma_start3A_563 = arith.constant 0 : i32
    %dma_start3A_564 = tpu.memref_slice %arg4[%add3A_561, %dma_start3A_563] : memref<3276800x128xf32, #tpu.memory_space<hbm>> -> memref<80x128xf32, #tpu.memory_space<hbm>>
    %dma_start3A_565 = tpu.memref_slice %arg24[%dma_start3A_562] : memref<8x!tpu.dma_semaphore, #tpu.memory_space<semaphore_mem>> -> memref<1x!tpu.dma_semaphore, #tpu.memory_space<semaphore_mem>>
    %dma_start3A_566 = tpu.memref_squeeze %dma_start3A_565 : memref<1x!tpu.dma_semaphore, #tpu.memory_space<semaphore_mem>> -> memref<!tpu.dma_semaphore, #tpu.memory_space<semaphore_mem>>
    %dma_start3A_567 = arith.constant 0 : i32
    %dma_start3A_568 = tpu.memref_slice %arg4[%add3A_561, %dma_start3A_567] : memref<3276800x128xf32, #tpu.memory_space<hbm>> -> memref<80x128xf32, #tpu.memory_space<hbm>>
    tpu.enqueue_dma source(%arg18 : memref<80x128xf32, #tpu.memory_space<vmem>>) target(%dma_start3A_568 : memref<80x128xf32, #tpu.memory_space<hbm>>) target_semaphore(%dma_start3A_566 : memref<!tpu.dma_semaphore, #tpu.memory_space<semaphore_mem>>)
    %dma_wait3A_569 = arith.constant 1 : i32
    %dma_wait3A_570 = arith.constant 0 : i32
    %dma_wait3A_571 = tpu.memref_slice %arg4[%mul3A_2, %dma_wait3A_570] : memref<3276800x128xf32, #tpu.memory_space<hbm>> -> memref<80x128xf32, #tpu.memory_space<hbm>>
    %dma_wait3A_572 = tpu.memref_slice %arg24[%dma_wait3A_569] : memref<8x!tpu.dma_semaphore, #tpu.memory_space<semaphore_mem>> -> memref<1x!tpu.dma_semaphore, #tpu.memory_space<semaphore_mem>>
    %dma_wait3A_573 = tpu.memref_squeeze %dma_wait3A_572 : memref<1x!tpu.dma_semaphore, #tpu.memory_space<semaphore_mem>> -> memref<!tpu.dma_semaphore, #tpu.memory_space<semaphore_mem>>
    %dma_wait3A_574 = arith.constant 0 : i32
    %dma_wait3A_575 = tpu.memref_slice %arg4[%mul3A_2, %dma_wait3A_574] : memref<3276800x128xf32, #tpu.memory_space<hbm>> -> memref<80x128xf32, #tpu.memory_space<hbm>>
    tpu.wait_dma2 semaphore(%dma_wait3A_573 : memref<!tpu.dma_semaphore, #tpu.memory_space<semaphore_mem>>) src(%arg14 : memref<80x128xf32, #tpu.memory_space<vmem>>) dst(%dma_wait3A_575 : memref<80x128xf32, #tpu.memory_space<hbm>>)
    %dma_wait3A_576 = arith.constant 6 : i32
    %dma_wait3A_577 = arith.constant 0 : i32
    %dma_wait3A_578 = arith.constant 0 : i32
    %dma_wait3A_579 = tpu.memref_slice %arg21[%dma_wait3A_577, %dma_wait3A_578] : memref<367x128xf32, #tpu.memory_space<vmem_shared>> -> memref<367x128xf32, #tpu.memory_space<vmem_shared>>
    %dma_wait3A_580 = tpu.memref_slice %arg23[%dma_wait3A_576] : memref<8x!tpu.dma_semaphore, #tpu.memory_space<semaphore_mem>> -> memref<1x!tpu.dma_semaphore, #tpu.memory_space<semaphore_mem>>
    %dma_wait3A_581 = tpu.memref_squeeze %dma_wait3A_580 : memref<1x!tpu.dma_semaphore, #tpu.memory_space<semaphore_mem>> -> memref<!tpu.dma_semaphore, #tpu.memory_space<semaphore_mem>>
    tpu.wait_indirect_dma semaphore(%dma_wait3A_581 : memref<!tpu.dma_semaphore, #tpu.memory_space<semaphore_mem>>) src(%dma_wait3A_579 : memref<367x128xf32, #tpu.memory_space<vmem_shared>>) dst(%arg19 : memref<80x128xf32, #tpu.memory_space<vmem>>)
    %add3A_582 = arith.constant 102240 : i32
    %add3A_583 = arith.addi %mul3A_2, %add3A_582 : i32
    %dma_start3A_584 = arith.constant 6 : i32
    %dma_start3A_585 = arith.constant 0 : i32
    %dma_start3A_586 = tpu.memref_slice %arg4[%add3A_583, %dma_start3A_585] : memref<3276800x128xf32, #tpu.memory_space<hbm>> -> memref<80x128xf32, #tpu.memory_space<hbm>>
    %dma_start3A_587 = tpu.memref_slice %arg24[%dma_start3A_584] : memref<8x!tpu.dma_semaphore, #tpu.memory_space<semaphore_mem>> -> memref<1x!tpu.dma_semaphore, #tpu.memory_space<semaphore_mem>>
    %dma_start3A_588 = tpu.memref_squeeze %dma_start3A_587 : memref<1x!tpu.dma_semaphore, #tpu.memory_space<semaphore_mem>> -> memref<!tpu.dma_semaphore, #tpu.memory_space<semaphore_mem>>
    %dma_start3A_589 = arith.constant 0 : i32
    %dma_start3A_590 = tpu.memref_slice %arg4[%add3A_583, %dma_start3A_589] : memref<3276800x128xf32, #tpu.memory_space<hbm>> -> memref<80x128xf32, #tpu.memory_space<hbm>>
    tpu.enqueue_dma source(%arg19 : memref<80x128xf32, #tpu.memory_space<vmem>>) target(%dma_start3A_590 : memref<80x128xf32, #tpu.memory_space<hbm>>) target_semaphore(%dma_start3A_588 : memref<!tpu.dma_semaphore, #tpu.memory_space<semaphore_mem>>)
    %dma_wait3A_591 = arith.constant 2 : i32
    %dma_wait3A_592 = arith.constant 0 : i32
    %dma_wait3A_593 = tpu.memref_slice %arg4[%mul3A_2, %dma_wait3A_592] : memref<3276800x128xf32, #tpu.memory_space<hbm>> -> memref<80x128xf32, #tpu.memory_space<hbm>>
    %dma_wait3A_594 = tpu.memref_slice %arg24[%dma_wait3A_591] : memref<8x!tpu.dma_semaphore, #tpu.memory_space<semaphore_mem>> -> memref<1x!tpu.dma_semaphore, #tpu.memory_space<semaphore_mem>>
    %dma_wait3A_595 = tpu.memref_squeeze %dma_wait3A_594 : memref<1x!tpu.dma_semaphore, #tpu.memory_space<semaphore_mem>> -> memref<!tpu.dma_semaphore, #tpu.memory_space<semaphore_mem>>
    %dma_wait3A_596 = arith.constant 0 : i32
    %dma_wait3A_597 = tpu.memref_slice %arg4[%mul3A_2, %dma_wait3A_596] : memref<3276800x128xf32, #tpu.memory_space<hbm>> -> memref<80x128xf32, #tpu.memory_space<hbm>>
    tpu.wait_dma2 semaphore(%dma_wait3A_595 : memref<!tpu.dma_semaphore, #tpu.memory_space<semaphore_mem>>) src(%arg15 : memref<80x128xf32, #tpu.memory_space<vmem>>) dst(%dma_wait3A_597 : memref<80x128xf32, #tpu.memory_space<hbm>>)
    %dma_wait3A_598 = arith.constant 7 : i32
    %dma_wait3A_599 = arith.constant 0 : i32
    %dma_wait3A_600 = arith.constant 0 : i32
    %dma_wait3A_601 = tpu.memref_slice %arg21[%dma_wait3A_599, %dma_wait3A_600] : memref<367x128xf32, #tpu.memory_space<vmem_shared>> -> memref<367x128xf32, #tpu.memory_space<vmem_shared>>
    %dma_wait3A_602 = tpu.memref_slice %arg23[%dma_wait3A_598] : memref<8x!tpu.dma_semaphore, #tpu.memory_space<semaphore_mem>> -> memref<1x!tpu.dma_semaphore, #tpu.memory_space<semaphore_mem>>
    %dma_wait3A_603 = tpu.memref_squeeze %dma_wait3A_602 : memref<1x!tpu.dma_semaphore, #tpu.memory_space<semaphore_mem>> -> memref<!tpu.dma_semaphore, #tpu.memory_space<semaphore_mem>>
    tpu.wait_indirect_dma semaphore(%dma_wait3A_603 : memref<!tpu.dma_semaphore, #tpu.memory_space<semaphore_mem>>) src(%dma_wait3A_601 : memref<367x128xf32, #tpu.memory_space<vmem_shared>>) dst(%arg20 : memref<80x128xf32, #tpu.memory_space<vmem>>)
    %add3A_604 = arith.constant 102320 : i32
    %add3A_605 = arith.addi %mul3A_2, %add3A_604 : i32
    %dma_start3A_606 = arith.constant 7 : i32
    %dma_start3A_607 = arith.constant 0 : i32
    %dma_start3A_608 = tpu.memref_slice %arg4[%add3A_605, %dma_start3A_607] : memref<3276800x128xf32, #tpu.memory_space<hbm>> -> memref<80x128xf32, #tpu.memory_space<hbm>>
    %dma_start3A_609 = tpu.memref_slice %arg24[%dma_start3A_606] : memref<8x!tpu.dma_semaphore, #tpu.memory_space<semaphore_mem>> -> memref<1x!tpu.dma_semaphore, #tpu.memory_space<semaphore_mem>>
    %dma_start3A_610 = tpu.memref_squeeze %dma_start3A_609 : memref<1x!tpu.dma_semaphore, #tpu.memory_space<semaphore_mem>> -> memref<!tpu.dma_semaphore, #tpu.memory_space<semaphore_mem>>
    %dma_start3A_611 = arith.constant 0 : i32
    %dma_start3A_612 = tpu.memref_slice %arg4[%add3A_605, %dma_start3A_611] : memref<3276800x128xf32, #tpu.memory_space<hbm>> -> memref<80x128xf32, #tpu.memory_space<hbm>>
    tpu.enqueue_dma source(%arg20 : memref<80x128xf32, #tpu.memory_space<vmem>>) target(%dma_start3A_612 : memref<80x128xf32, #tpu.memory_space<hbm>>) target_semaphore(%dma_start3A_610 : memref<!tpu.dma_semaphore, #tpu.memory_space<semaphore_mem>>)
    %dma_wait3A_613 = arith.constant 3 : i32
    %dma_wait3A_614 = arith.constant 0 : i32
    %dma_wait3A_615 = tpu.memref_slice %arg4[%mul3A_2, %dma_wait3A_614] : memref<3276800x128xf32, #tpu.memory_space<hbm>> -> memref<80x128xf32, #tpu.memory_space<hbm>>
    %dma_wait3A_616 = tpu.memref_slice %arg24[%dma_wait3A_613] : memref<8x!tpu.dma_semaphore, #tpu.memory_space<semaphore_mem>> -> memref<1x!tpu.dma_semaphore, #tpu.memory_space<semaphore_mem>>
    %dma_wait3A_617 = tpu.memref_squeeze %dma_wait3A_616 : memref<1x!tpu.dma_semaphore, #tpu.memory_space<semaphore_mem>> -> memref<!tpu.dma_semaphore, #tpu.memory_space<semaphore_mem>>
    %dma_wait3A_618 = arith.constant 0 : i32
    %dma_wait3A_619 = tpu.memref_slice %arg4[%mul3A_2, %dma_wait3A_618] : memref<3276800x128xf32, #tpu.memory_space<hbm>> -> memref<80x128xf32, #tpu.memory_space<hbm>>
    tpu.wait_dma2 semaphore(%dma_wait3A_617 : memref<!tpu.dma_semaphore, #tpu.memory_space<semaphore_mem>>) src(%arg16 : memref<80x128xf32, #tpu.memory_space<vmem>>) dst(%dma_wait3A_619 : memref<80x128xf32, #tpu.memory_space<hbm>>)
    %dma_wait3A_620 = arith.constant 4 : i32
    %dma_wait3A_621 = arith.constant 0 : i32
    %dma_wait3A_622 = tpu.memref_slice %arg4[%mul3A_2, %dma_wait3A_621] : memref<3276800x128xf32, #tpu.memory_space<hbm>> -> memref<80x128xf32, #tpu.memory_space<hbm>>
    %dma_wait3A_623 = tpu.memref_slice %arg24[%dma_wait3A_620] : memref<8x!tpu.dma_semaphore, #tpu.memory_space<semaphore_mem>> -> memref<1x!tpu.dma_semaphore, #tpu.memory_space<semaphore_mem>>
    %dma_wait3A_624 = tpu.memref_squeeze %dma_wait3A_623 : memref<1x!tpu.dma_semaphore, #tpu.memory_space<semaphore_mem>> -> memref<!tpu.dma_semaphore, #tpu.memory_space<semaphore_mem>>
    %dma_wait3A_625 = arith.constant 0 : i32
    %dma_wait3A_626 = tpu.memref_slice %arg4[%mul3A_2, %dma_wait3A_625] : memref<3276800x128xf32, #tpu.memory_space<hbm>> -> memref<80x128xf32, #tpu.memory_space<hbm>>
    tpu.wait_dma2 semaphore(%dma_wait3A_624 : memref<!tpu.dma_semaphore, #tpu.memory_space<semaphore_mem>>) src(%arg17 : memref<80x128xf32, #tpu.memory_space<vmem>>) dst(%dma_wait3A_626 : memref<80x128xf32, #tpu.memory_space<hbm>>)
    %dma_wait3A_627 = arith.constant 5 : i32
    %dma_wait3A_628 = arith.constant 0 : i32
    %dma_wait3A_629 = tpu.memref_slice %arg4[%mul3A_2, %dma_wait3A_628] : memref<3276800x128xf32, #tpu.memory_space<hbm>> -> memref<80x128xf32, #tpu.memory_space<hbm>>
    %dma_wait3A_630 = tpu.memref_slice %arg24[%dma_wait3A_627] : memref<8x!tpu.dma_semaphore, #tpu.memory_space<semaphore_mem>> -> memref<1x!tpu.dma_semaphore, #tpu.memory_space<semaphore_mem>>
    %dma_wait3A_631 = tpu.memref_squeeze %dma_wait3A_630 : memref<1x!tpu.dma_semaphore, #tpu.memory_space<semaphore_mem>> -> memref<!tpu.dma_semaphore, #tpu.memory_space<semaphore_mem>>
    %dma_wait3A_632 = arith.constant 0 : i32
    %dma_wait3A_633 = tpu.memref_slice %arg4[%mul3A_2, %dma_wait3A_632] : memref<3276800x128xf32, #tpu.memory_space<hbm>> -> memref<80x128xf32, #tpu.memory_space<hbm>>
    tpu.wait_dma2 semaphore(%dma_wait3A_631 : memref<!tpu.dma_semaphore, #tpu.memory_space<semaphore_mem>>) src(%arg18 : memref<80x128xf32, #tpu.memory_space<vmem>>) dst(%dma_wait3A_633 : memref<80x128xf32, #tpu.memory_space<hbm>>)
    %dma_wait3A_634 = arith.constant 6 : i32
    %dma_wait3A_635 = arith.constant 0 : i32
    %dma_wait3A_636 = tpu.memref_slice %arg4[%mul3A_2, %dma_wait3A_635] : memref<3276800x128xf32, #tpu.memory_space<hbm>> -> memref<80x128xf32, #tpu.memory_space<hbm>>
    %dma_wait3A_637 = tpu.memref_slice %arg24[%dma_wait3A_634] : memref<8x!tpu.dma_semaphore, #tpu.memory_space<semaphore_mem>> -> memref<1x!tpu.dma_semaphore, #tpu.memory_space<semaphore_mem>>
    %dma_wait3A_638 = tpu.memref_squeeze %dma_wait3A_637 : memref<1x!tpu.dma_semaphore, #tpu.memory_space<semaphore_mem>> -> memref<!tpu.dma_semaphore, #tpu.memory_space<semaphore_mem>>
    %dma_wait3A_639 = arith.constant 0 : i32
    %dma_wait3A_640 = tpu.memref_slice %arg4[%mul3A_2, %dma_wait3A_639] : memref<3276800x128xf32, #tpu.memory_space<hbm>> -> memref<80x128xf32, #tpu.memory_space<hbm>>
    tpu.wait_dma2 semaphore(%dma_wait3A_638 : memref<!tpu.dma_semaphore, #tpu.memory_space<semaphore_mem>>) src(%arg19 : memref<80x128xf32, #tpu.memory_space<vmem>>) dst(%dma_wait3A_640 : memref<80x128xf32, #tpu.memory_space<hbm>>)
    %dma_wait3A_641 = arith.constant 7 : i32
    %dma_wait3A_642 = arith.constant 0 : i32
    %dma_wait3A_643 = tpu.memref_slice %arg4[%mul3A_2, %dma_wait3A_642] : memref<3276800x128xf32, #tpu.memory_space<hbm>> -> memref<80x128xf32, #tpu.memory_space<hbm>>
    %dma_wait3A_644 = tpu.memref_slice %arg24[%dma_wait3A_641] : memref<8x!tpu.dma_semaphore, #tpu.memory_space<semaphore_mem>> -> memref<1x!tpu.dma_semaphore, #tpu.memory_space<semaphore_mem>>
    %dma_wait3A_645 = tpu.memref_squeeze %dma_wait3A_644 : memref<1x!tpu.dma_semaphore, #tpu.memory_space<semaphore_mem>> -> memref<!tpu.dma_semaphore, #tpu.memory_space<semaphore_mem>>
    %dma_wait3A_646 = arith.constant 0 : i32
    %dma_wait3A_647 = tpu.memref_slice %arg4[%mul3A_2, %dma_wait3A_646] : memref<3276800x128xf32, #tpu.memory_space<hbm>> -> memref<80x128xf32, #tpu.memory_space<hbm>>
    tpu.wait_dma2 semaphore(%dma_wait3A_645 : memref<!tpu.dma_semaphore, #tpu.memory_space<semaphore_mem>>) src(%arg20 : memref<80x128xf32, #tpu.memory_space<vmem>>) dst(%dma_wait3A_647 : memref<80x128xf32, #tpu.memory_space<hbm>>)
    return
  }
}

</mosaic_0001>

<sc_bundles>
// kernel: kernel.3.cloned.1.call-start
scs
__scs_entry_jumppad:
0x0: {  	(pc) =	sbr.rel $0x88, $3  }
0x1: {  	(tag) =	ssettag $0x0;
	lr =	simm.s32 $0x1  }
0x2: {  	[smem:$0x3F9F] =	sst lr;
	_ =	strace $0xD0000000  }
0x3: {  	_ = 	snop  }
0x4: {  	_ = 	snop  }
0x5: {  	_ = 	snop  }
0x6: {  	_ = 	snop  }
0x7: {  	_ = 	snop  }
__scs_overlays_trampoline_lowered:
0x8: {  	[smem:$0x3FAE] =	sst s0  }
0x9: {  	[smem:$0x3FAF] =	sst s1  }
0xa: {  	[smem:$0x3FB0] =	sst s2  }
0xb: {  	[smem:$0x3FB1] =	sst s3  }
0xc: {  	[smem:$0x3FB2] =	sst s4  }
0xd: {  	[smem:$0x3FB3] =	sst s5  }
0xe: {  	[smem:$0x3FB4] =	sst s6  }
0xf: {  	[smem:$0x3FB5] =	sst s7  }
0x10: {  	[smem:$0x3FB6] =	sst s8  }
0x11: {  	[smem:$0x3FB7] =	sst s9;
	s0 =	simm.s32 @!p0 $0x0  }
0x12: {  	s1 =	sld [smem:$0x3F9D];
	s0 =	simm.s32 @p0 $0x1  }
0x13: {  	[smem:$0x3FB8] =	sst s0;
	s0 =	simm.s32 @!p1 $0x0  }
0x14: {  	s2 =	sld [smem:$0x3F9C];
	s0 =	simm.s32 @p1 $0x1  }
0x15: {  	[smem:$0x3FB9] =	sst s0;
	s0 =	simm.s32 @!p2 $0x0  }
0x16: {  	s3 =	sld [smem:$0x3FDB];
	s0 =	simm.s32 @p2 $0x1  }
0x17: {  	s4 =	simm.s32 $0x1BF5;
	[smem:$0x3FBB] =	sst s0  }
0x18: {  	s0 =	sld [smem:$0x3F9E];
	_ =	swait.ge [sflag:s4], $0x0  }
0x19: {  	s7 =	sld [smem:$0x3F9F]  }
0x1a: {  	s8 =	sadd.s32 $0xFFFFE003, lr  }
0x1b: {  	s9 =	sadd.s32 $0xFFFFFEF7, lr;
	s5 =	simm.s32 $0xFFFFFFFF;
	p2 =	slt.u32 s8, $0xFFFFF086  }
0x1c: {  	p1 =	slt.u32 s9, $0xF7A;
	s5 =	simm.s32 @!p2 $0x0  }
0x1d: {  	s5 =	simm.s32 @p1 $0x1;
	p0 =	seq.s32 s7, s2  }
0x1e: {  	s7 =	smul.u32 @!p0 $0xF7A, s2;
	p2 =	seq.s32 @!p0 s5, $0x0  }
0x1f: {  	s9 =	smul.u32 $0xF7A, s1;
	s8 =	simm.s32 @!p0 $0x1BF5;
	p2 =	por !p2, p0  }
0x20: {  	[sflag:s8] =	ssyncset.s32 @!p0 $0xFFFFF086;
	s6 =	sadd.s32 @!p0 s3, s7;
	s7 =	simm.s32 @!p0 $0x108  }
0x21: {  	s3 =	sadd.s32 s3, s9;
	s6 =	sadd.s32 @!p0 $0x88, s6;
	s7 =	simm.s32 @p2 $0x1082  }
0x22: {  	[simem:s7], [sflag:s8] =	dma.local @!p0 [hbm:s6], $0xF7A  }
0x23: {  	s9 =	sor.u32 $0xD0000000, s2;
	s6 =	simm.s32 $0x108;
	_ =	swait.ge @!p0 [sflag:s8], $0x0  }
0x24: {  	s3 =	sadd.s32 $0x88, s3;
	s6 =	simm.s32 @!p1 $0x1082;
	[sflag:s4] =	ssyncset.s32 $0xFFFFF086  }
0x25: {  	[simem:s6], [sflag:s4] =	dma.local [hbm:s3], $0xF7A  }
0x26: {  	[smem:$0x3F9F] =	sst s1;
	(tag) =	ssettag s2;
	_ =	strace s9  }
0x27: {  	s1 =	sld [smem:$0x3FAF]  }
0x28: {  	s2 =	sld [smem:$0x3FB0]  }
0x29: {  	s4 =	sld [smem:$0x3FB2]  }
0x2a: {  	p0 =	seq.s32 s5, $0x0;
	s5 =	sld [smem:$0x3FB3]  }
0x2b: {  	s6 =	sld [smem:$0x3FB4]  }
0x2c: {  	s7 =	sld [smem:$0x3FB5]  }
0x2d: {  	s3 =	simm.s32 $0x108;
	s8 =	sld [smem:$0x3FB6]  }
0x2e: {  	s3 =	simm.s32 @!p0 $0x1082;
	s9 =	sld [smem:$0x3FB7]  }
0x2f: {  	lr =	sadd.s32 s0, s3;
	s0 =	sld [smem:$0x3FAE]  }
0x30: {  	s3 =	sld [smem:$0x3FB1]  }
0x31: {  	[smem:$0x3FBA] =	sst s10  }
0x32: {  	s10 =	sld [smem:$0x3FB8];
	_ =	sdelay $0x3  }
0x33: {  	p0 =	seq.s32 s10, $0x1;
	s10 =	sld [smem:$0x3FBA];
	_ =	sdelay $0x3  }
0x34: {  	[smem:$0x3FBA] =	sst s10  }
0x35: {  	s10 =	sld [smem:$0x3FB9];
	_ =	sdelay $0x3  }
0x36: {  	p1 =	seq.s32 s10, $0x1;
	s10 =	sld [smem:$0x3FBA];
	_ =	sdelay $0x3  }
0x37: {  	[smem:$0x3FBA] =	sst s10  }
0x38: {  	s10 =	sld [smem:$0x3FBB]  }
0x39: {  	_ = 	snop;
	(pc) =	sbr.ind lr, $3  }
0x3a: {  	_ = 	snop  }
0x3b: {  	_ = 	snop  }
0x3c: {  	p2 =	seq.s32 s10, $0x1;
	s10 =	sld [smem:$0x3FBA]  }
0x3d: {  	_ =	shalt  }
0x3e: {  	_ =	shalt  }
0x3f: {  	_ =	shalt  }
0x40: {  	_ =	shalt  }
0x41: {  	_ =	shalt  }
0x42: {  	_ =	shalt  }
0x43: {  	_ =	shalt  }
0x44: {  	_ =	shalt  }
0x45: {  	_ =	shalt  }
0x46: {  	_ =	shalt  }
0x47: {  	_ =	shalt  }
0x48: {  	_ =	shalt  }
0x49: {  	_ =	shalt  }
0x4a: {  	_ =	shalt  }
0x4b: {  	_ =	shalt  }
0x4c: {  	_ =	shalt  }
0x4d: {  	_ =	shalt  }
0x4e: {  	_ =	shalt  }
0x4f: {  	_ =	shalt  }
0x50: {  	_ =	shalt  }
0x51: {  	_ =	shalt  }
0x52: {  	_ =	shalt  }
0x53: {  	_ =	shalt  }
0x54: {  	_ =	shalt  }
0x55: {  	_ =	shalt  }
0x56: {  	_ =	shalt  }
0x57: {  	_ =	shalt  }
0x58: {  	_ =	shalt  }
0x59: {  	_ =	shalt  }
0x5a: {  	_ =	shalt  }
0x5b: {  	_ =	shalt  }
0x5c: {  	_ =	shalt  }
0x5d: {  	_ =	shalt  }
0x5e: {  	_ =	shalt  }
0x5f: {  	_ =	shalt  }
0x60: {  	_ =	shalt  }
0x61: {  	_ =	shalt  }
0x62: {  	_ =	shalt  }
0x63: {  	_ =	shalt  }
0x64: {  	_ =	shalt  }
0x65: {  	_ =	shalt  }
0x66: {  	_ =	shalt  }
0x67: {  	_ =	shalt  }
0x68: {  	_ =	shalt  }
0x69: {  	_ =	shalt  }
0x6a: {  	_ =	shalt  }
0x6b: {  	_ =	shalt  }
0x6c: {  	_ =	shalt  }
0x6d: {  	_ =	shalt  }
0x6e: {  	_ =	shalt  }
0x6f: {  	_ =	shalt  }
0x70: {  	_ =	shalt  }
0x71: {  	_ =	shalt  }
0x72: {  	_ =	shalt  }
0x73: {  	_ =	shalt  }
0x74: {  	_ =	shalt  }
0x75: {  	_ =	shalt  }
0x76: {  	_ =	shalt  }
0x77: {  	_ =	shalt  }
0x78: {  	_ =	shalt  }
0x79: {  	_ =	shalt  }
0x7a: {  	_ =	shalt  }
0x7b: {  	_ =	shalt  }
0x7c: {  	_ =	shalt  }
0x7d: {  	_ =	shalt  }
0x7e: {  	_ =	shalt  }
0x7f: {  	_ =	shalt  }
0x80: {  	_ =	shalt  }
0x81: {  	_ =	shalt  }
0x82: {  	_ =	shalt  }
0x83: {  	_ =	shalt  }
0x84: {  	_ =	shalt  }
0x85: {  	_ =	shalt  }
0x86: {  	_ =	shalt  }
0x87: {  	_ =	shalt  }
.Lfunc_end0:
.L_simem_size_0:
called_computation_lowered:
.L_overlay_start_0:
0x88: {  	s2 =	sld [smem:$0x3FD9]  }
0x89: {  	s3 =	sld [smem:$0x3FFE];
	_ =	sdelay $0x1  }
0x8a: {  	s1 =	srdreg.scid  }
0x8b: {  	s0 =	sand.u32 $0x1, s1  }
0x8c: {  	s17 =	sshll.u32 s0, $0xA;
	s2 =	sadd.s32 s3, s2  }
0x8d: {  	s2 =	sadd.s32 s2, s17  }
0x8e: {  	[smem:$0x3FC6] =	sst s2  }
0x8f: {  	_ = 	snop  }
0x90: {  	s2 =	sld [smem:$0x3FC8]  }
0x91: {  	s18 =	sld [smem:$0x3FD0];
	(tm) =	ssettm $0x1  }
0x92: {  	s4 =	sld [smem:$0x3FFB];
	_ =	sdelay $0x3  }
0x93: {  	_ =	strace s4  }
0x94: {  	s4 =	sld [smem:$0x3FFC];
	_ =	sdelay $0x3  }
0x95: {  	_ =	strace s4  }
0x96: {  	s4 =	sld [smem:$0x3FFD];
	_ =	sdelay $0x3  }
0x97: {  	_ =	strace s4  }
0x98: {  	_ =	strace $0x8FFFFFFF  }
0x99: {  	s19 =	sld [smem:$0x3FDB];
	_ =	sdelay $0x1  }
0x9a: {  	s5 =	simm.s32 $_scs_section_size  }
0x9b: {  	s6 =	simm.s32 $_size__tile_overlayer_lowered;
	s7 =	simm.s32 $_tile_overlayer_lowered  }
0x9c: {  	s22 =	simm.s32 $0x1BFF;
	s21 =	sshll.u32 s7, $0x1;
	s4 =	sadd.s32 s5, s19  }
0x9d: {  	s8 =	simm.s32 $0x0;
	s20 =	sshll.u32 s6, $0x1;
	s6 =	sadd.s32 s21, s4  }
0x9e: {  	[timem:s8], [sflag:s22] =	dma.local [hbm:s6], s20  }
0x9f: {  	_ =	swait.ge [sflag:s22], s20  }
0xa0: {  	s5 =	ssub.s32 $0x0, s20;
	[sflag:s22] =	ssyncset.done $0x0  }
0xa1: {  	[sflag:s22] =	ssyncadd.s32 s5;
	_ =	sdelay $0x1  }
0xa2: {  	s23 =	simm.s32 $0x1B8B  }
0xa3: {  	_ =	swait.ge [sflag:s23], $0x1  }
0xa4: {  	[sflag:s23] =	ssyncset.done $0x0  }
0xa5: {  	s25 =	simm.s32 $0x1B8E;
	s24 =	sld [smem:$0x3FFE];
	[sflag:s23] =	ssyncadd.s32 $0xFFFFFFFF  }
0xa6: {  	s26 =	simm.s32 $execute0_lowered;
	[smem:$0x3FD2] =	sst s25  }
0xa7: {  	s6 =	sshll.u32 s26, $0x1;
	_ =	strace $0x80000046;
	[dreg:$0x1] =	wrdreg $0xFFFFFFFF  }
0xa8: {  	s28 =	simm.s32 $_size_execute0_lowered;
	s4 =	sadd.s32 s4, s6;
	[dreg:$0x0] =	wrdreg $0x0  }
0xa9: {  	s6 =	sshll.u32 s28, $0x1;
	[dreg:$0x2] =	wrdreg s4  }
0xaa: {  	[dreg:$0x3] =	wrdreg s6  }
0xab: {  	[dreg:$0x4] =	wrdreg $0xC0  }
0xac: {  	_ =	task [dreg:s8], $0x5FFFF  }
0xad: {  	[dreg:$0x1] =	wrdreg $0xFFFFFFFF  }
0xae: {  	[dreg:$0x0] =	wrdreg $0x60  }
0xaf: {  	[dreg:$0x2] =	wrdreg s24  }
0xb0: {  	[dreg:$0x3] =	wrdreg s2  }
0xb1: {  	[dreg:$0x4] =	wrdreg s18  }
0xb2: {  	[dreg:$0x5] =	wrdreg $0x144000  }
0xb3: {  	[dreg:$0x6] =	wrdreg $0x9  }
0xb4: {  	_ =	task.clear_ibuf [dreg:s8], $0x7FFFF;
	_ =	strace $0x90000046  }
0xb5: {  	s29 =	simm.s32 $0x9;
	_ =	strace $0x80000048  }
0xb6: {  	_ =	swait.ge [sflag:s29], $0x1  }
0xb7: {  	[sflag:s29] =	ssyncadd.s32 $0xFFFFFFFF  }
0xb8: {  	_ =	strace $0x90000048  }
0xb9: {  	_ =	sfence  }
0xba: {  	s30 =	sld [smem:$0x0];
	_ =	sdelay $0x2  }
0xbb: {  	s31 =	sshll.u32 s1, $0xD;
	s1 =	sshrl.u32 s1, $0x2  }
0xbc: {  	s3 =	sand.u32 $0x4000, s31;
	s1 =	sadd.s32 s1, s30  }
0xbd: {  	s0 =	sor.u32 s3, s0;
	s1 =	sshll.u32 s1, $0x11  }
0xbe: {  	s0 =	sor.u32 s1, s0  }
0xbf: {  	s0 =	sadd.s32 $0x8F2B, s0  }
0xc0: {  	[sflag:s0] =	ssyncadd.remote.s32 $0x1  }
0xc1: {  	_ =	sfence.sel $0xFFFF  }
0xc2: {  	[dreg:$0x0] =	wrdreg $0xFFFFFFFF;
	(pc) =	sbr.abs _section_cstart, $3  }
0xc3: {  	[dreg:$0x1] =	wrdreg $0xFFFFFFFF  }
0xc4: {  	_ =	task.clear_ibuf [dreg:s8], $0x2FFFF;
	_ =	strace $0x9FFFFFFF  }
0xc5: {  	(tm) =	ssettm $0x7FFFFFFF  }
tec
execute0_lowered:
.L_overlay_start_1:
0x0: {  	(tag) =	ssettag $0x1  }
0x1: {  	s4 =	rddreg [dreg:$0x0]  }
0x2: {  	s1 =	rddreg [dreg:$0x2];
	s0 =	stileid.u32  }
0x3: {  	s3 =	srdreg.scid;
	s23 =	smul.u32 $0x320000, s0  }
0x4: {  	s2 =	rddreg [dreg:$0x3];
	s6 =	sand.u32 $0x1, s3;
	s15 =	smul.u32 $0x32000, s0  }
0x5: {  	s5 =	sshll.u32 s0, $0x1;
	s3 =	simm.s32 $0x0;
	s16 =	smul.u32 $0x19000, s6  }
0x6: {  	s5 =	sor.u32 s6, s5;
	s7 =	ssub.s32 $0x2, s6;
	s6 =	smul.u32 $0x190000, s6  }
0x7: {  	s17 =	sadd.s32 $0x400, s4;
	[smem:$0x7FF] =	sst s3;
	s8 =	smul.u32 $0x19000, s5  }
0x8: {  	_ =	strace $0x80000047;
	s9 =	sshrl.u32 s7, $0x1;
	s30 =	smul.u32 $0x190000, s5  }
0x9: {  	s5 =	smul.u32 $0xC80000, s5;
	[dreg:$0xe] =	wrdreg s17;
	s15 =	sadd.s32 s16, s15  }
0xa: {  	s18 =	sshrl.u32 s8, $0x3;
	s19 =	sor.u32 $0x50, s8;
	s20 =	sor.u32 $0xA0, s8  }
0xb: {  	s12 =	sor.u32 $0xF0, s8;
	s26 =	sor.u32 $0x730, s15;
	s5 =	sshrl.u32 s5, $0x3  }
0xc: {  	s18 =	sadd.s32 s17, s18;
	s10 =	sshrl.u32 s19, $0x3;
	s28 =	sshrl.u32 s26, $0x3  }
0xd: {  	s11 =	sshrl.u32 s20, $0x3;
	s22 =	sshrl.u32 s12, $0x3;
	[dreg:$0x6] =	wrdreg s28  }
0xe: {  	s5 =	sadd.s32 s1, s5;
	s10 =	sadd.s32 s17, s10;
	[dreg:$0xf] =	wrdreg s18  }
0xf: {  	s21 =	sadd.s32 s17, s11;
	s11 =	sadd.s32 s23, s1;
	[dreg:$0x10] =	wrdreg s10  }
0x10: {  	s23 =	sshll.u32 s12, $0x4;
	s12 =	sadd.s32 $0x18DD00, s5;
	[dreg:$0x11] =	wrdreg s21  }
0x11: {  	s4 =	ssub.s32 s7, s9;
	s10 =	sadd.s32 s17, s22;
	[dreg:$0x1f] =	wrdreg s12  }
0x12: {  	s29 =	sor.u32 $0x6E0, s15;
	s6 =	sadd.s32 s6, s11;
	[dreg:$0x12] =	wrdreg s10  }
0x13: {  	s9 =	sshll.u32 s20, $0x4;
	s11 =	sshrl.u32 s29, $0x3;
	[dreg:$0x5] =	wrdreg s6  }
0x14: {  	s20 =	sor.u32 $0x640, s15;
	s21 =	sadd.s32 s1, s9;
	[dreg:$0x7] =	wrdreg s11  }
0x15: {  	p0 =	sne.s32 s0, $0x0;
	s22 =	sshrl.u32 s20, $0x3;
	[dreg:$0x18] =	wrdreg s21  }
0x16: {  	s14 =	sor.u32 $0x190, s8;
	s7 =	sadd.s32 s1, s23;
	[dreg:$0x9] =	wrdreg s22  }
0x17: {  	s31 =	sor.u32 $0x690, s15;
	s20 =	sadd.s32 $0x18F600, s5;
	[dreg:$0x19] =	wrdreg s7  }
0x18: {  	s24 =	sshrl.u32 s14, $0x3;
	s23 =	sadd.s32 $0x50, s18;
	[smem:$0x7F3] =	sst s20  }
0x19: {  	s26 =	sor.u32 $0x5A0, s15;
	s6 =	sadd.s32 s1, s30;
	[smem:$0x7F6] =	sst s23  }
0x1a: {  	s28 =	sshll.u32 s14, $0x4;
	s11 =	sadd.s32 $0x18D800, s5;
	[dreg:$0x16] =	wrdreg s6  }
0x1b: {  	s10 =	sor.u32 $0x140, s8;
	s21 =	sadd.s32 $0x18FB00, s5;
	[dreg:$0x1e] =	wrdreg s11  }
0x1c: {  	s22 =	smax.u32 s4, $0x1;
	s13 =	sshrl.u32 s10, $0x3;
	[smem:$0x7F4] =	sst s21  }
0x1d: {  	s9 =	sor.u32 $0x500, s15;
	[smem:$0x7F5] =	sst s22;
	s13 =	sadd.s32 s17, s13  }
0x1e: {  	s30 =	sor.u32 $0x550, s15;
	[dreg:$0x13] =	wrdreg s13;
	s13 =	sadd.s32 s17, s24  }
0x1f: {  	s24 =	sor.u32 $0x5F0, s15;
	s15 =	sadd.s32 $0x18E700, s5;
	[dreg:$0x14] =	wrdreg s13  }
0x20: {  	s13 =	sor.u32 $0x1E0, s8;
	s8 =	sor.u32 $0x230, s8;
	[smem:$0x7EF] =	sst s15  }
0x21: {  	s25 =	sshrl.u32 s13, $0x3;
	s29 =	sshll.u32 s13, $0x4;
	s13 =	sadd.s32 $0x18E200, s5  }
0x22: {  	s14 =	sshrl.u32 s8, $0x3;
	s16 =	sadd.s32 s17, s25;
	[smem:$0x7EE] =	sst s13  }
0x23: {  	s25 =	sshll.u32 s10, $0x4;
	s0 =	sadd.s32 s17, s14;
	[dreg:$0x15] =	wrdreg s16  }
0x24: {  	s16 =	sshll.u32 s19, $0x4;
	s19 =	sshrl.u32 s31, $0x3;
	[smem:$0x7F1] =	sst s0  }
0x25: {  	s7 =	sadd.s32 s1, s25;
	[dreg:$0x8] =	wrdreg s19  }
0x26: {  	s31 =	sadd.s32 s1, s29;
	[dreg:$0x1a] =	wrdreg s7  }
0x27: {  	s25 =	sadd.s32 $0x64, s18;
	[dreg:$0x1c] =	wrdreg s31  }
0x28: {  	s29 =	sadd.s32 $0x82, s18;
	[smem:$0x7F8] =	sst s25  }
0x29: {  	s6 =	sadd.s32 s1, s16;
	[smem:$0x7FB] =	sst s29  }
0x2a: {  	s10 =	sshll.u32 s8, $0x4;
	s7 =	sadd.s32 s1, s28;
	[dreg:$0x17] =	wrdreg s6  }
0x2b: {  	s1 =	sadd.s32 s1, s10;
	[dreg:$0x1b] =	wrdreg s7  }
0x2c: {  	s4 =	simm.s32 $0x3;
	s16 =	sadd.s32 $0x18EC00, s5;
	[dreg:$0x1d] =	wrdreg s1  }
0x2d: {  	s20 =	simm.s32 $0x15;
	s19 =	sadd.s32 $0x18F100, s5;
	[smem:$0x7F0] =	sst s16  }
0x2e: {  	s21 =	simm.s32 $0x100;
	s28 =	sadd.s32 $0x78, s18;
	[smem:$0x7F2] =	sst s19  }
0x2f: {  	s22 =	simm.s32 $0x16;
	s31 =	sadd.s32 $0x96, s18;
	[smem:$0x7FA] =	sst s28  }
0x30: {  	s17 =	simm.s32 $0x14;
	s6 =	sshrl.u32 s24, $0x3;
	[smem:$0x7FD] =	sst s31  }
0x31: {  	s24 =	sadd.s32 $0x5A, s18;
	s19 =	simm.s32 $0x50;
	[dreg:$0xa] =	wrdreg s6  }
0x32: {  	s16 =	simm.s32 $0x10;
	s6 =	sshrl.u32 s26, $0x3;
	[smem:$0x7F7] =	sst s24  }
0x33: {  	s1 =	simm.s32 $0x0;
	s26 =	sadd.s32 $0x6E, s18;
	[dreg:$0xb] =	wrdreg s6  }
0x34: {  	s24 =	simm.s32 $0x17;
	s6 =	sshrl.u32 s30, $0x3;
	[smem:$0x7F9] =	sst s26  }
0x35: {  	s30 =	sadd.s32 $0x8C, s18;
	s18 =	simm.s32 $0x80;
	[dreg:$0xc] =	wrdreg s6  }
0x36: {  	s26 =	simm.s32 $0x18;
	s6 =	sshrl.u32 s9, $0x3;
	[smem:$0x7FC] =	sst s30  }
0x37: {  	s9 =	simm.s32 $0x2;
	[dreg:$0xd] =	wrdreg s6;
	s6 =	simm.s32 $0x1  }
.LBB2_1:
0x38: {  	[smem:$0x7ED] =	sst s1  }
0x39: {  	s0 =	sshrl.u32 @!p0 s2, $0x3;
	s8 =	simm.s32 @!p0 $0x1C19;
	s5 =	rddreg [dreg:$0x1]  }
0x3a: {  	[spmem:s0], [sflag:s8] =	dma.local @!p0 [hbm:s5], $0x16F0  }
0x3b: {  	s0 =	simm.s32 @!p0 $0x19  }
0x3c: {  	_ =	swait.ge @!p0 [sflag:s0], $0x16F0  }
0x3d: {  	[sflag:s0] =	ssyncset.done @!p0 $0x0  }
0x3e: {  	[sflag:s0] =	ssyncadd.s32 @!p0 $0xFFFFE910  }
0x3f: {  	[bflag:$0x0] =	sbarrier.arrive $0xFFFF  }
0x40: {  	s29 =	rddreg [dreg:$0xf]  }
0x41: {  	s31 =	rddreg [dreg:$0x10]  }
0x42: {  	[tilespmem:s3], [sflag:$0x1] =	stream.linear.gather [hbm4b:s29+s3], $0x50, $0x38;
	[tilespmem:$0x14F78] =	vst v63  }
0x43: {  	s1 =	rddreg [dreg:$0x11]  }
0x44: {  	[tilespmem:s18], [sflag:$0x2] =	stream.linear.gather [hbm4b:s31+s3], $0x50, $0x38;
	[tilespmem:$0x14F78] =	vst v63  }
0x45: {  	s5 =	rddreg [dreg:$0x12]  }
0x46: {  	[tilespmem:s21], [sflag:$0x3] =	stream.linear.gather [hbm4b:s1+s3], $0x50, $0x38;
	[tilespmem:$0x14F78] =	vst v63  }
0x47: {  	s7 =	simm.s32 $0x180;
	s8 =	rddreg [dreg:$0x13]  }
0x48: {  	[tilespmem:s7], [sflag:$0x4] =	stream.linear.gather [hbm4b:s5+s3], $0x50, $0x38;
	[tilespmem:$0x14F78] =	vst v63  }
0x49: {  	s10 =	simm.s32 $0x200;
	s11 =	rddreg [dreg:$0x14]  }
0x4a: {  	[tilespmem:s10], [sflag:$0x5] =	stream.linear.gather [hbm4b:s8+s3], $0x50, $0x38;
	[tilespmem:$0x14F78] =	vst v63  }
0x4b: {  	s12 =	simm.s32 $0x280;
	s14 =	rddreg [dreg:$0x15]  }
0x4c: {  	[tilespmem:s12], [sflag:$0x6] =	stream.linear.gather [hbm4b:s11+s3], $0x50, $0x38;
	[tilespmem:$0x14F78] =	vst v63  }
0x4d: {  	s15 =	simm.s32 $0x300;
	s23 =	sld [smem:$0x7F1]  }
0x4e: {  	[tilespmem:s15], [sflag:$0x7] =	stream.linear.gather [hbm4b:s14+s3], $0x50, $0x38;
	[tilespmem:$0x14F78] =	vst v63  }
0x4f: {  	s25 =	simm.s32 $0x380  }
0x50: {  	[tilespmem:s25], [sflag:$0x8] =	stream.linear.gather [hbm4b:s23+s3], $0x50, $0x38;
	[tilespmem:$0x14F78] =	vst v63  }
0x51: {  	_ =	swait.ge [sflag:s6], $0x50  }
0x52: {  	[sflag:s6] =	ssyncset.done $0x0  }
0x53: {  	s28 =	simm.s32 $0x400;
	[sflag:s6] =	ssyncadd.s32 $0xFFFFFFB0  }
0x54: {  	[tilespmem:s28], [sflag:$0x9] =	stream.indirect.gather [spmem:s2], $0x80, s3, s19, $0xb8;
	[tilespmem:$0x14F78] =	vst v63  }
0x55: {  	_ =	swait.ge [sflag:s9], $0x50  }
0x56: {  	[sflag:s9] =	ssyncset.done $0x0  }
0x57: {  	s8 =	simm.s32 $0x2C00;
	[sflag:s9] =	ssyncadd.s32 $0xFFFFFFB0  }
0x58: {  	[tilespmem:s8], [sflag:$0xA] =	stream.indirect.gather [spmem:s2], $0x80, s18, s19, $0xb8;
	[tilespmem:$0x14F78] =	vst v63  }
0x59: {  	_ =	swait.ge [sflag:s4], $0x50  }
0x5a: {  	[sflag:s4] =	ssyncset.done $0x0  }
0x5b: {  	s11 =	simm.s32 $0x5400;
	s12 =	simm.s32 $0x4;
	[sflag:s4] =	ssyncadd.s32 $0xFFFFFFB0  }
0x5c: {  	[tilespmem:s11], [sflag:$0xB] =	stream.indirect.gather [spmem:s2], $0x80, s21, s19, $0xb8;
	[tilespmem:$0x14F78] =	vst v63  }
0x5d: {  	_ =	swait.ge [sflag:s12], $0x50  }
0x5e: {  	[sflag:s12] =	ssyncset.done $0x0  }
0x5f: {  	s5 =	simm.s32 $0x180;
	s15 =	simm.s32 $0x7C00;
	[sflag:s12] =	ssyncadd.s32 $0xFFFFFFB0  }
0x60: {  	[tilespmem:s15], [sflag:$0xC] =	stream.indirect.gather [spmem:s2], $0x80, s5, s19, $0xb8;
	[tilespmem:$0x14F78] =	vst v63  }
0x61: {  	s5 =	simm.s32 $0x9  }
0x62: {  	_ =	swait.ge [sflag:s5], $0x2800  }
0x63: {  	s23 =	sld [smem:$0x7F6]  }
0x64: {  	[sflag:s5] =	ssyncset.done $0x0  }
0x65: {  	[sflag:s5] =	ssyncadd.s32 $0xFFFFD800  }
0x66: {  	[tilespmem:s3], [sflag:$0x1] =	stream.linear.gather [hbm4b:s23+s3], $0x50, $0x38;
	[tilespmem:$0x14F78] =	vst v63  }
0x67: {  	s30 =	simm.s32 $0x5;
	s29 =	simm.s32 $0x400;
	s25 =	rddreg [dreg:$0x16]  }
0x68: {  	[hbm4b:s25+s3] =	stream.linear.scatter [tilespmem:s29], [sflag:$0x11], $0x2800, $0x38;
	[tilespmem:$0x14F78] =	vst v63  }
0x69: {  	_ =	swait.ge [sflag:s30], $0x50  }
0x6a: {  	s13 =	simm.s32 $0x200;
	[sflag:s30] =	ssyncset.done $0x0  }
0x6b: {  	s1 =	simm.s32 $0xA;
	s28 =	simm.s32 $0xA400;
	[sflag:s30] =	ssyncadd.s32 $0xFFFFFFB0  }
0x6c: {  	[tilespmem:s28], [sflag:$0xD] =	stream.indirect.gather [spmem:s2], $0x80, s13, s19, $0xb8;
	[tilespmem:$0x14F78] =	vst v63  }
0x6d: {  	_ =	swait.ge [sflag:s1], $0x2800  }
0x6e: {  	s29 =	sld [smem:$0x7F7]  }
0x6f: {  	[sflag:s1] =	ssyncset.done $0x0  }
0x70: {  	[sflag:s1] =	ssyncadd.s32 $0xFFFFD800  }
0x71: {  	[tilespmem:s18], [sflag:$0x2] =	stream.linear.gather [hbm4b:s29+s3], $0x50, $0x38;
	[tilespmem:$0x14F78] =	vst v63  }
0x72: {  	s7 =	simm.s32 $0x2C00;
	s25 =	rddreg [dreg:$0x17]  }
0x73: {  	[hbm4b:s25+s3] =	stream.linear.scatter [tilespmem:s7], [sflag:$0x12], $0x2800, $0x38;
	[tilespmem:$0x14F78] =	vst v63  }
0x74: {  	s7 =	simm.s32 $0x6  }
0x75: {  	_ =	swait.ge [sflag:s7], $0x50  }
0x76: {  	[sflag:s7] =	ssyncset.done $0x0  }
0x77: {  	s10 =	simm.s32 $0x280;
	s28 =	simm.s32 $0xCC00;
	[sflag:s7] =	ssyncadd.s32 $0xFFFFFFB0  }
0x78: {  	[tilespmem:s28], [sflag:$0xE] =	stream.indirect.gather [spmem:s2], $0x80, s10, s19, $0xb8;
	[tilespmem:$0x14F78] =	vst v63  }
0x79: {  	s10 =	simm.s32 $0xB  }
0x7a: {  	_ =	swait.ge [sflag:s10], $0x2800  }
0x7b: {  	s29 =	sld [smem:$0x7F8]  }
0x7c: {  	[sflag:s10] =	ssyncset.done $0x0  }
0x7d: {  	[sflag:s10] =	ssyncadd.s32 $0xFFFFD800  }
0x7e: {  	[tilespmem:s21], [sflag:$0x3] =	stream.linear.gather [hbm4b:s29+s3], $0x50, $0x38;
	[tilespmem:$0x14F78] =	vst v63  }
0x7f: {  	s11 =	simm.s32 $0x5400;
	s29 =	rddreg [dreg:$0x18]  }
0x80: {  	[hbm4b:s29+s3] =	stream.linear.scatter [tilespmem:s11], [sflag:$0x13], $0x2800, $0x38;
	[tilespmem:$0x14F78] =	vst v63  }
0x81: {  	s11 =	simm.s32 $0x7  }
0x82: {  	_ =	swait.ge [sflag:s11], $0x50  }
0x83: {  	[sflag:s11] =	ssyncset.done $0x0  }
0x84: {  	s14 =	simm.s32 $0x300;
	s29 =	simm.s32 $0xF400;
	[sflag:s11] =	ssyncadd.s32 $0xFFFFFFB0  }
0x85: {  	[tilespmem:s29], [sflag:$0xF] =	stream.indirect.gather [spmem:s2], $0x80, s14, s19, $0xb8;
	[tilespmem:$0x14F78] =	vst v63  }
0x86: {  	s14 =	simm.s32 $0xC  }
0x87: {  	_ =	swait.ge [sflag:s14], $0x2800  }
0x88: {  	s0 =	sld [smem:$0x7F9]  }
0x89: {  	[sflag:s14] =	ssyncset.done $0x0  }
0x8a: {  	s12 =	simm.s32 $0x180;
	[sflag:s14] =	ssyncadd.s32 $0xFFFFD800  }
0x8b: {  	[tilespmem:s12], [sflag:$0x4] =	stream.linear.gather [hbm4b:s0+s3], $0x50, $0x38;
	[tilespmem:$0x14F78] =	vst v63  }
0x8c: {  	s15 =	simm.s32 $0x7C00;
	s12 =	rddreg [dreg:$0x19]  }
0x8d: {  	[hbm4b:s12+s3] =	stream.linear.scatter [tilespmem:s15], [sflag:$0x14], $0x2800, $0x38;
	[tilespmem:$0x14F78] =	vst v63  }
0x8e: {  	s12 =	simm.s32 $0x8  }
0x8f: {  	_ =	swait.ge [sflag:s12], $0x50  }
0x90: {  	[sflag:s12] =	ssyncset.done $0x0  }
0x91: {  	s31 =	simm.s32 $0x380;
	s15 =	simm.s32 $0x11C00;
	[sflag:s12] =	ssyncadd.s32 $0xFFFFFFB0  }
0x92: {  	[tilespmem:s15], [sflag:$0x10] =	stream.indirect.gather [spmem:s2], $0x80, s31, s19, $0xb8;
	[tilespmem:$0x14F78] =	vst v63  }
0x93: {  	s15 =	simm.s32 $0xD  }
0x94: {  	_ =	swait.ge [sflag:s15], $0x2800  }
0x95: {  	s0 =	sld [smem:$0x7FA]  }
0x96: {  	[sflag:s15] =	ssyncset.done $0x0  }
0x97: {  	s8 =	simm.s32 $0x200;
	[sflag:s15] =	ssyncadd.s32 $0xFFFFD800  }
0x98: {  	[tilespmem:s8], [sflag:$0x5] =	stream.linear.gather [hbm4b:s0+s3], $0x50, $0x38;
	[tilespmem:$0x14F78] =	vst v63  }
0x99: {  	s13 =	simm.s32 $0xA400;
	s8 =	rddreg [dreg:$0x1a]  }
0x9a: {  	[hbm4b:s8+s3] =	stream.linear.scatter [tilespmem:s13], [sflag:$0x15], $0x2800, $0x38;
	[tilespmem:$0x14F78] =	vst v63  }
0x9b: {  	s13 =	simm.s32 $0x11  }
0x9c: {  	_ =	swait.ge [sflag:s13], $0x2800  }
0x9d: {  	[sflag:s13] =	ssyncset.done $0x0  }
0x9e: {  	[sflag:s13] =	ssyncadd.s32 $0xFFFFD800  }
0x9f: {  	_ =	swait.ge [sflag:s6], $0x50  }
0xa0: {  	[sflag:s6] =	ssyncset.done $0x0  }
0xa1: {  	s23 =	simm.s32 $0x400;
	[sflag:s6] =	ssyncadd.s32 $0xFFFFFFB0  }
0xa2: {  	[tilespmem:s23], [sflag:$0x9] =	stream.indirect.gather [spmem:s2], $0x80, s3, s19, $0xb8;
	[tilespmem:$0x14F78] =	vst v63  }
0xa3: {  	s23 =	simm.s32 $0xE  }
0xa4: {  	_ =	swait.ge [sflag:s23], $0x2800  }
0xa5: {  	s8 =	sld [smem:$0x7FB]  }
0xa6: {  	[sflag:s23] =	ssyncset.done $0x0  }
0xa7: {  	s25 =	simm.s32 $0x280;
	[sflag:s23] =	ssyncadd.s32 $0xFFFFD800  }
0xa8: {  	[tilespmem:s25], [sflag:$0x6] =	stream.linear.gather [hbm4b:s8+s3], $0x50, $0x38;
	[tilespmem:$0x14F78] =	vst v63  }
0xa9: {  	s28 =	simm.s32 $0xCC00;
	s25 =	rddreg [dreg:$0x1b]  }
0xaa: {  	[hbm4b:s25+s3] =	stream.linear.scatter [tilespmem:s28], [sflag:$0x16], $0x2800, $0x38;
	[tilespmem:$0x14F78] =	vst v63  }
0xab: {  	s25 =	simm.s32 $0x12  }
0xac: {  	_ =	swait.ge [sflag:s25], $0x2800  }
0xad: {  	[sflag:s25] =	ssyncset.done $0x0  }
0xae: {  	[sflag:s25] =	ssyncadd.s32 $0xFFFFD800  }
0xaf: {  	_ =	swait.ge [sflag:s9], $0x50  }
0xb0: {  	[sflag:s9] =	ssyncset.done $0x0  }
0xb1: {  	s28 =	simm.s32 $0x2C00;
	[sflag:s9] =	ssyncadd.s32 $0xFFFFFFB0  }
0xb2: {  	[tilespmem:s28], [sflag:$0xA] =	stream.indirect.gather [spmem:s2], $0x80, s18, s19, $0xb8;
	[tilespmem:$0x14F78] =	vst v63  }
0xb3: {  	s28 =	simm.s32 $0xF  }
0xb4: {  	_ =	swait.ge [sflag:s28], $0x2800  }
0xb5: {  	s8 =	sld [smem:$0x7FC]  }
0xb6: {  	[sflag:s28] =	ssyncset.done $0x0  }
0xb7: {  	s29 =	simm.s32 $0x300;
	[sflag:s28] =	ssyncadd.s32 $0xFFFFD800  }
0xb8: {  	[tilespmem:s29], [sflag:$0x7] =	stream.linear.gather [hbm4b:s8+s3], $0x50, $0x38;
	[tilespmem:$0x14F78] =	vst v63  }
0xb9: {  	s8 =	rddreg [dreg:$0x1c];
	s29 =	simm.s32 $0xF400  }
0xba: {  	[hbm4b:s8+s3] =	stream.linear.scatter [tilespmem:s29], [sflag:$0x17], $0x2800, $0x38;
	[tilespmem:$0x14F78] =	vst v63  }
0xbb: {  	s29 =	simm.s32 $0x13  }
0xbc: {  	_ =	swait.ge [sflag:s29], $0x2800  }
0xbd: {  	[sflag:s29] =	ssyncset.done $0x0  }
0xbe: {  	[sflag:s29] =	ssyncadd.s32 $0xFFFFD800  }
0xbf: {  	_ =	swait.ge [sflag:s4], $0x50  }
0xc0: {  	[sflag:s4] =	ssyncset.done $0x0  }
0xc1: {  	s8 =	simm.s32 $0x5400;
	[sflag:s4] =	ssyncadd.s32 $0xFFFFFFB0  }
0xc2: {  	[tilespmem:s8], [sflag:$0xB] =	stream.indirect.gather [spmem:s2], $0x80, s21, s19, $0xb8;
	[tilespmem:$0x14F78] =	vst v63  }
0xc3: {  	_ =	swait.ge [sflag:s16], $0x2800  }
0xc4: {  	s8 =	sld [smem:$0x7FD]  }
0xc5: {  	[sflag:s16] =	ssyncset.done $0x0  }
0xc6: {  	s31 =	simm.s32 $0x380;
	[sflag:s16] =	ssyncadd.s32 $0xFFFFD800  }
0xc7: {  	[tilespmem:s31], [sflag:$0x8] =	stream.linear.gather [hbm4b:s8+s3], $0x50, $0x38;
	[tilespmem:$0x14F78] =	vst v63  }
0xc8: {  	s8 =	rddreg [dreg:$0x1d];
	s31 =	simm.s32 $0x11C00  }
0xc9: {  	[hbm4b:s8+s3] =	stream.linear.scatter [tilespmem:s31], [sflag:$0x18], $0x2800, $0x38;
	[tilespmem:$0x14F78] =	vst v63  }
0xca: {  	_ =	swait.ge [sflag:s17], $0x2800  }
0xcb: {  	[sflag:s17] =	ssyncset.done $0x0  }
0xcc: {  	s31 =	simm.s32 $0x4;
	[sflag:s17] =	ssyncadd.s32 $0xFFFFD800  }
0xcd: {  	_ =	swait.ge [sflag:s31], $0x50  }
0xce: {  	[sflag:s31] =	ssyncset.done $0x0  }
0xcf: {  	s8 =	simm.s32 $0x180;
	[sflag:s31] =	ssyncadd.s32 $0xFFFFFFB0;
	s31 =	simm.s32 $0x7C00  }
0xd0: {  	[tilespmem:s31], [sflag:$0xC] =	stream.indirect.gather [spmem:s2], $0x80, s8, s19, $0xb8;
	[tilespmem:$0x14F78] =	vst v63  }
0xd1: {  	_ =	swait.ge [sflag:s5], $0x2800  }
0xd2: {  	s8 =	rddreg [dreg:$0xd];
	[sflag:s5] =	ssyncset.done $0x0  }
0xd3: {  	[sflag:s5] =	ssyncadd.s32 $0xFFFFD800;
	s5 =	rddreg [dreg:$0xe]  }
0xd4: {  	s31 =	rddreg [dreg:$0x5];
	s0 =	sadd.s32 s5, s8  }
0xd5: {  	[tilespmem:s3], [sflag:$0x1] =	stream.linear.gather [hbm4b:s0+s3], $0x50, $0x38;
	[tilespmem:$0x14F78] =	vst v63  }
0xd6: {  	s0 =	sadd.s32 $0x0, s31  }
0xd7: {  	s31 =	simm.s32 $0x400;
	s8 =	sadd.s32 $0x2800, s0  }
0xd8: {  	[hbm4b:s8+s3] =	stream.linear.scatter [tilespmem:s31], [sflag:$0x11], $0x2800, $0x38;
	[tilespmem:$0x14F78] =	vst v63  }
0xd9: {  	_ =	swait.ge [sflag:s20], $0x2800  }
0xda: {  	[sflag:s20] =	ssyncset.done $0x0  }
0xdb: {  	[sflag:s20] =	ssyncadd.s32 $0xFFFFD800  }
0xdc: {  	_ =	swait.ge [sflag:s30], $0x50  }
0xdd: {  	[sflag:s30] =	ssyncset.done $0x0  }
0xde: {  	s31 =	simm.s32 $0xA400;
	[sflag:s30] =	ssyncadd.s32 $0xFFFFFFB0;
	s30 =	simm.s32 $0x200  }
0xdf: {  	[tilespmem:s31], [sflag:$0xD] =	stream.indirect.gather [spmem:s2], $0x80, s30, s19, $0xb8;
	[tilespmem:$0x14F78] =	vst v63  }
0xe0: {  	_ =	swait.ge [sflag:s1], $0x2800  }
0xe1: {  	s8 =	rddreg [dreg:$0xc];
	[sflag:s1] =	ssyncset.done $0x0  }
0xe2: {  	[sflag:s1] =	ssyncadd.s32 $0xFFFFD800;
	s8 =	sadd.s32 s5, s8  }
0xe3: {  	[tilespmem:s18], [sflag:$0x2] =	stream.linear.gather [hbm4b:s8+s3], $0x50, $0x38;
	[tilespmem:$0x14F78] =	vst v63  }
0xe4: {  	s1 =	simm.s32 $0x2C00;
	s8 =	sadd.s32 $0x2D00, s0  }
0xe5: {  	[hbm4b:s8+s3] =	stream.linear.scatter [tilespmem:s1], [sflag:$0x12], $0x2800, $0x38;
	[tilespmem:$0x14F78] =	vst v63  }
0xe6: {  	_ =	swait.ge [sflag:s22], $0x2800  }
0xe7: {  	[sflag:s22] =	ssyncset.done $0x0  }
0xe8: {  	[sflag:s22] =	ssyncadd.s32 $0xFFFFD800  }
0xe9: {  	_ =	swait.ge [sflag:s7], $0x50  }
0xea: {  	[sflag:s7] =	ssyncset.done $0x0  }
0xeb: {  	s8 =	simm.s32 $0x280;
	[sflag:s7] =	ssyncadd.s32 $0xFFFFFFB0;
	s7 =	simm.s32 $0xCC00  }
0xec: {  	[tilespmem:s7], [sflag:$0xE] =	stream.indirect.gather [spmem:s2], $0x80, s8, s19, $0xb8;
	[tilespmem:$0x14F78] =	vst v63  }
0xed: {  	_ =	swait.ge [sflag:s10], $0x2800  }
0xee: {  	s7 =	rddreg [dreg:$0xb];
	[sflag:s10] =	ssyncset.done $0x0  }
0xef: {  	[sflag:s10] =	ssyncadd.s32 $0xFFFFD800;
	s8 =	sadd.s32 s5, s7  }
0xf0: {  	[tilespmem:s21], [sflag:$0x3] =	stream.linear.gather [hbm4b:s8+s3], $0x50, $0x38;
	[tilespmem:$0x14F78] =	vst v63  }
0xf1: {  	s1 =	sadd.s32 $0x3200, s0;
	s7 =	simm.s32 $0x5400  }
0xf2: {  	[hbm4b:s1+s3] =	stream.linear.scatter [tilespmem:s7], [sflag:$0x13], $0x2800, $0x38;
	[tilespmem:$0x14F78] =	vst v63  }
0xf3: {  	_ =	swait.ge [sflag:s24], $0x2800  }
0xf4: {  	[sflag:s24] =	ssyncset.done $0x0  }
0xf5: {  	[sflag:s24] =	ssyncadd.s32 $0xFFFFD800  }
0xf6: {  	_ =	swait.ge [sflag:s11], $0x50  }
0xf7: {  	[sflag:s11] =	ssyncset.done $0x0  }
0xf8: {  	s10 =	simm.s32 $0xF400;
	[sflag:s11] =	ssyncadd.s32 $0xFFFFFFB0;
	s11 =	simm.s32 $0x300  }
0xf9: {  	[tilespmem:s10], [sflag:$0xF] =	stream.indirect.gather [spmem:s2], $0x80, s11, s19, $0xb8;
	[tilespmem:$0x14F78] =	vst v63  }
0xfa: {  	_ =	swait.ge [sflag:s14], $0x2800  }
0xfb: {  	s7 =	rddreg [dreg:$0xa];
	[sflag:s14] =	ssyncset.done $0x0  }
0xfc: {  	[sflag:s14] =	ssyncadd.s32 $0xFFFFD800;
	s8 =	sadd.s32 s5, s7;
	s14 =	simm.s32 $0x180  }
0xfd: {  	[tilespmem:s14], [sflag:$0x4] =	stream.linear.gather [hbm4b:s8+s3], $0x50, $0x38;
	[tilespmem:$0x14F78] =	vst v63  }
0xfe: {  	s1 =	sadd.s32 $0x3700, s0;
	s7 =	simm.s32 $0x7C00  }
0xff: {  	[hbm4b:s1+s3] =	stream.linear.scatter [tilespmem:s7], [sflag:$0x14], $0x2800, $0x38;
	[tilespmem:$0x14F78] =	vst v63  }
0x100: {  	_ =	swait.ge [sflag:s26], $0x2800  }
0x101: {  	[sflag:s26] =	ssyncset.done $0x0  }
0x102: {  	[sflag:s26] =	ssyncadd.s32 $0xFFFFD800  }
0x103: {  	_ =	swait.ge [sflag:s12], $0x50  }
0x104: {  	[sflag:s12] =	ssyncset.done $0x0  }
0x105: {  	s1 =	simm.s32 $0x380;
	s7 =	simm.s32 $0x11C00;
	[sflag:s12] =	ssyncadd.s32 $0xFFFFFFB0  }
0x106: {  	[tilespmem:s7], [sflag:$0x10] =	stream.indirect.gather [spmem:s2], $0x80, s1, s19, $0xb8;
	[tilespmem:$0x14F78] =	vst v63  }
0x107: {  	_ =	swait.ge [sflag:s15], $0x2800  }
0x108: {  	s14 =	rddreg [dreg:$0x9];
	[sflag:s15] =	ssyncset.done $0x0  }
0x109: {  	[sflag:s15] =	ssyncadd.s32 $0xFFFFD800;
	s8 =	sadd.s32 s5, s14  }
0x10a: {  	[tilespmem:s30], [sflag:$0x5] =	stream.linear.gather [hbm4b:s8+s3], $0x50, $0x38;
	[tilespmem:$0x14F78] =	vst v63  }
0x10b: {  	s15 =	sadd.s32 $0x3C00, s0  }
0x10c: {  	[hbm4b:s15+s3] =	stream.linear.scatter [tilespmem:s31], [sflag:$0x15], $0x2800, $0x38;
	[tilespmem:$0x14F78] =	vst v63  }
0x10d: {  	_ =	swait.ge [sflag:s13], $0x2800  }
0x10e: {  	[sflag:s13] =	ssyncset.done $0x0  }
0x10f: {  	[sflag:s13] =	ssyncadd.s32 $0xFFFFD800  }
0x110: {  	_ =	swait.ge [sflag:s6], $0x50  }
0x111: {  	[sflag:s6] =	ssyncset.done $0x0  }
0x112: {  	s31 =	simm.s32 $0x400;
	[sflag:s6] =	ssyncadd.s32 $0xFFFFFFB0  }
0x113: {  	[tilespmem:s31], [sflag:$0x9] =	stream.indirect.gather [spmem:s2], $0x80, s3, s19, $0xb8;
	[tilespmem:$0x14F78] =	vst v63  }
0x114: {  	_ =	swait.ge [sflag:s23], $0x2800  }
0x115: {  	s6 =	rddreg [dreg:$0x8];
	[sflag:s23] =	ssyncset.done $0x0  }
0x116: {  	s12 =	simm.s32 $0x280;
	[sflag:s23] =	ssyncadd.s32 $0xFFFFD800;
	s8 =	sadd.s32 s5, s6  }
0x117: {  	[tilespmem:s12], [sflag:$0x6] =	stream.linear.gather [hbm4b:s8+s3], $0x50, $0x38;
	[tilespmem:$0x14F78] =	vst v63  }
0x118: {  	s14 =	simm.s32 $0xCC00;
	s13 =	sadd.s32 $0x4100, s0  }
0x119: {  	[hbm4b:s13+s3] =	stream.linear.scatter [tilespmem:s14], [sflag:$0x16], $0x2800, $0x38;
	[tilespmem:$0x14F78] =	vst v63  }
0x11a: {  	_ =	swait.ge [sflag:s25], $0x2800  }
0x11b: {  	[sflag:s25] =	ssyncset.done $0x0  }
0x11c: {  	[sflag:s25] =	ssyncadd.s32 $0xFFFFD800  }
0x11d: {  	_ =	swait.ge [sflag:s9], $0x50  }
0x11e: {  	[sflag:s9] =	ssyncset.done $0x0  }
0x11f: {  	s15 =	simm.s32 $0x2C00;
	[sflag:s9] =	ssyncadd.s32 $0xFFFFFFB0  }
0x120: {  	[tilespmem:s15], [sflag:$0xA] =	stream.indirect.gather [spmem:s2], $0x80, s18, s19, $0xb8;
	[tilespmem:$0x14F78] =	vst v63  }
0x121: {  	_ =	swait.ge [sflag:s28], $0x2800  }
0x122: {  	s23 =	rddreg [dreg:$0x7];
	[sflag:s28] =	ssyncset.done $0x0  }
0x123: {  	s11 =	simm.s32 $0x300;
	[sflag:s28] =	ssyncadd.s32 $0xFFFFD800;
	s8 =	sadd.s32 s5, s23  }
0x124: {  	[tilespmem:s11], [sflag:$0x7] =	stream.linear.gather [hbm4b:s8+s3], $0x50, $0x38;
	[tilespmem:$0x14F78] =	vst v63  }
0x125: {  	s10 =	simm.s32 $0xF400;
	s25 =	sadd.s32 $0x4600, s0  }
0x126: {  	[hbm4b:s25+s3] =	stream.linear.scatter [tilespmem:s10], [sflag:$0x17], $0x2800, $0x38;
	[tilespmem:$0x14F78] =	vst v63  }
0x127: {  	_ =	swait.ge [sflag:s29], $0x2800  }
0x128: {  	[sflag:s29] =	ssyncset.done $0x0  }
0x129: {  	[sflag:s29] =	ssyncadd.s32 $0xFFFFD800  }
0x12a: {  	_ =	swait.ge [sflag:s4], $0x50  }
0x12b: {  	[sflag:s4] =	ssyncset.done $0x0  }
0x12c: {  	s28 =	simm.s32 $0x5400;
	[sflag:s4] =	ssyncadd.s32 $0xFFFFFFB0  }
0x12d: {  	[tilespmem:s28], [sflag:$0xB] =	stream.indirect.gather [spmem:s2], $0x80, s21, s19, $0xb8;
	[tilespmem:$0x14F78] =	vst v63  }
0x12e: {  	_ =	swait.ge [sflag:s16], $0x2800  }
0x12f: {  	s29 =	rddreg [dreg:$0x6];
	[sflag:s16] =	ssyncset.done $0x0  }
0x130: {  	[sflag:s16] =	ssyncadd.s32 $0xFFFFD800;
	s8 =	sadd.s32 s5, s29  }
0x131: {  	[tilespmem:s1], [sflag:$0x8] =	stream.linear.gather [hbm4b:s8+s3], $0x50, $0x38;
	[tilespmem:$0x14F78] =	vst v63  }
0x132: {  	s0 =	sadd.s32 $0x4B00, s0  }
0x133: {  	[hbm4b:s0+s3] =	stream.linear.scatter [tilespmem:s7], [sflag:$0x18], $0x2800, $0x38;
	[tilespmem:$0x14F78] =	vst v63  }
0x134: {  	_ =	swait.ge [sflag:s17], $0x2800  }
0x135: {  	[sflag:s17] =	ssyncset.done $0x0  }
0x136: {  	s30 =	simm.s32 $0x2800;
	s31 =	simm.s32 $0x4;
	[sflag:s17] =	ssyncadd.s32 $0xFFFFD800  }
0x137: {  	s23 =	simm.s32 $0x100;
	s21 =	simm.s32 $0x80;
	_ =	swait.ge [sflag:s31], $0x50  }
0x138: {  	s0 =	smov.u32 s5;
	s7 =	simm.s32 $0x1;
	[sflag:s31] =	ssyncset.done $0x0  }
.LBB2_2:
0x139: {  	s13 =	simm.s32 $0x4;
	s28 =	simm.s32 $0x180  }
0x13a: {  	s6 =	simm.s32 $0x7C00;
	s1 =	simm.s32 $0x9;
	[sflag:s13] =	ssyncadd.s32 $0xFFFFFFB0  }
0x13b: {  	[tilespmem:s6], [sflag:$0xC] =	stream.indirect.gather [spmem:s2], $0x80, s28, s19, $0xb8;
	[tilespmem:$0x14F78] =	vst v63  }
0x13c: {  	_ =	swait.ge [sflag:s1], $0x2800  }
0x13d: {  	s0 =	sadd.s32 $0x50, s0;
	s5 =	rddreg [dreg:$0xd]  }
0x13e: {  	s8 =	smov.u32 s30;
	s18 =	rddreg [dreg:$0x5];
	[sflag:s1] =	ssyncset.done $0x0  }
0x13f: {  	[sflag:s1] =	ssyncadd.s32 $0xFFFFD800;
	s5 =	sadd.s32 s0, s5;
	s8 =	sadd.s32 s8, s18  }
0x140: {  	[tilespmem:s3], [sflag:$0x1] =	stream.linear.gather [hbm4b:s5+s3], $0x50, $0x38;
	[tilespmem:$0x14F78] =	vst v63  }
0x141: {  	s9 =	simm.s32 $0x400;
	s10 =	sadd.s32 $0x2800, s8  }
0x142: {  	[hbm4b:s10+s3] =	stream.linear.scatter [tilespmem:s9], [sflag:$0x11], $0x2800, $0x38;
	[tilespmem:$0x14F78] =	vst v63  }
0x143: {  	_ =	swait.ge [sflag:s20], $0x2800  }
0x144: {  	[sflag:s20] =	ssyncset.done $0x0  }
0x145: {  	s11 =	simm.s32 $0x5;
	[sflag:s20] =	ssyncadd.s32 $0xFFFFD800  }
0x146: {  	_ =	swait.ge [sflag:s11], $0x50  }
0x147: {  	s29 =	simm.s32 $0x200;
	[sflag:s11] =	ssyncset.done $0x0  }
0x148: {  	s12 =	simm.s32 $0xA;
	s10 =	simm.s32 $0xA400;
	[sflag:s11] =	ssyncadd.s32 $0xFFFFFFB0  }
0x149: {  	[tilespmem:s10], [sflag:$0xD] =	stream.indirect.gather [spmem:s2], $0x80, s29, s19, $0xb8;
	[tilespmem:$0x14F78] =	vst v63  }
0x14a: {  	_ =	swait.ge [sflag:s12], $0x2800  }
0x14b: {  	s14 =	rddreg [dreg:$0xc];
	[sflag:s12] =	ssyncset.done $0x0  }
0x14c: {  	[sflag:s12] =	ssyncadd.s32 $0xFFFFD800;
	s5 =	sadd.s32 s0, s14  }
0x14d: {  	[tilespmem:s21], [sflag:$0x2] =	stream.linear.gather [hbm4b:s5+s3], $0x50, $0x38;
	[tilespmem:$0x14F78] =	vst v63  }
0x14e: {  	s4 =	simm.s32 $0x2C00;
	s18 =	sadd.s32 $0x2D00, s8  }
0x14f: {  	[hbm4b:s18+s3] =	stream.linear.scatter [tilespmem:s4], [sflag:$0x12], $0x2800, $0x38;
	[tilespmem:$0x14F78] =	vst v63  }
0x150: {  	_ =	swait.ge [sflag:s22], $0x2800  }
0x151: {  	[sflag:s22] =	ssyncset.done $0x0  }
0x152: {  	s15 =	simm.s32 $0x6;
	[sflag:s22] =	ssyncadd.s32 $0xFFFFD800  }
0x153: {  	_ =	swait.ge [sflag:s15], $0x50  }
0x154: {  	s31 =	simm.s32 $0x280;
	[sflag:s15] =	ssyncset.done $0x0  }
0x155: {  	s11 =	simm.s32 $0xCC00;
	s18 =	simm.s32 $0xB;
	[sflag:s15] =	ssyncadd.s32 $0xFFFFFFB0  }
0x156: {  	[tilespmem:s11], [sflag:$0xE] =	stream.indirect.gather [spmem:s2], $0x80, s31, s19, $0xb8;
	[tilespmem:$0x14F78] =	vst v63  }
0x157: {  	_ =	swait.ge [sflag:s18], $0x2800  }
0x158: {  	s25 =	rddreg [dreg:$0xb];
	[sflag:s18] =	ssyncset.done $0x0  }
0x159: {  	[sflag:s18] =	ssyncadd.s32 $0xFFFFD800;
	s5 =	sadd.s32 s0, s25  }
0x15a: {  	[tilespmem:s23], [sflag:$0x3] =	stream.linear.gather [hbm4b:s5+s3], $0x50, $0x38;
	[tilespmem:$0x14F78] =	vst v63  }
0x15b: {  	s1 =	sadd.s32 $0x3200, s8;
	s12 =	simm.s32 $0x5400  }
0x15c: {  	[hbm4b:s1+s3] =	stream.linear.scatter [tilespmem:s12], [sflag:$0x13], $0x2800, $0x38;
	[tilespmem:$0x14F78] =	vst v63  }
0x15d: {  	_ =	swait.ge [sflag:s24], $0x2800  }
0x15e: {  	[sflag:s24] =	ssyncset.done $0x0  }
0x15f: {  	s14 =	simm.s32 $0x7;
	[sflag:s24] =	ssyncadd.s32 $0xFFFFD800  }
0x160: {  	_ =	swait.ge [sflag:s14], $0x50  }
0x161: {  	s15 =	simm.s32 $0xC;
	[sflag:s14] =	ssyncset.done $0x0  }
0x162: {  	s1 =	simm.s32 $0x300;
	[sflag:s14] =	ssyncadd.s32 $0xFFFFFFB0;
	s14 =	simm.s32 $0xF400  }
0x163: {  	[tilespmem:s14], [sflag:$0xF] =	stream.indirect.gather [spmem:s2], $0x80, s1, s19, $0xb8;
	[tilespmem:$0x14F78] =	vst v63  }
0x164: {  	_ =	swait.ge [sflag:s15], $0x2800  }
0x165: {  	s25 =	rddreg [dreg:$0xa];
	[sflag:s15] =	ssyncset.done $0x0  }
0x166: {  	[sflag:s15] =	ssyncadd.s32 $0xFFFFD800;
	s5 =	sadd.s32 s0, s25  }
0x167: {  	[tilespmem:s28], [sflag:$0x4] =	stream.linear.gather [hbm4b:s5+s3], $0x50, $0x38;
	[tilespmem:$0x14F78] =	vst v63  }
0x168: {  	s15 =	sadd.s32 $0x3700, s8  }
0x169: {  	[hbm4b:s15+s3] =	stream.linear.scatter [tilespmem:s6], [sflag:$0x14], $0x2800, $0x38;
	[tilespmem:$0x14F78] =	vst v63  }
0x16a: {  	_ =	swait.ge [sflag:s26], $0x2800  }
0x16b: {  	[sflag:s26] =	ssyncset.done $0x0  }
0x16c: {  	s6 =	simm.s32 $0x8;
	[sflag:s26] =	ssyncadd.s32 $0xFFFFD800  }
0x16d: {  	_ =	swait.ge [sflag:s6], $0x50  }
0x16e: {  	s18 =	simm.s32 $0xD;
	[sflag:s6] =	ssyncset.done $0x0  }
0x16f: {  	s15 =	simm.s32 $0x11C00;
	[sflag:s6] =	ssyncadd.s32 $0xFFFFFFB0;
	s6 =	simm.s32 $0x380  }
0x170: {  	[tilespmem:s15], [sflag:$0x10] =	stream.indirect.gather [spmem:s2], $0x80, s6, s19, $0xb8;
	[tilespmem:$0x14F78] =	vst v63  }
0x171: {  	_ =	swait.ge [sflag:s18], $0x2800  }
0x172: {  	s5 =	rddreg [dreg:$0x9];
	[sflag:s18] =	ssyncset.done $0x0  }
0x173: {  	[sflag:s18] =	ssyncadd.s32 $0xFFFFD800;
	s5 =	sadd.s32 s0, s5  }
0x174: {  	[tilespmem:s29], [sflag:$0x5] =	stream.linear.gather [hbm4b:s5+s3], $0x50, $0x38;
	[tilespmem:$0x14F78] =	vst v63  }
0x175: {  	s18 =	sadd.s32 $0x3C00, s8  }
0x176: {  	[hbm4b:s18+s3] =	stream.linear.scatter [tilespmem:s10], [sflag:$0x15], $0x2800, $0x38;
	[tilespmem:$0x14F78] =	vst v63  }
0x177: {  	s10 =	simm.s32 $0x11  }
0x178: {  	_ =	swait.ge [sflag:s10], $0x2800  }
0x179: {  	[sflag:s10] =	ssyncset.done $0x0  }
0x17a: {  	[sflag:s10] =	ssyncadd.s32 $0xFFFFD800  }
0x17b: {  	_ =	swait.ge [sflag:s7], $0x50  }
0x17c: {  	[sflag:s7] =	ssyncset.done $0x0  }
0x17d: {  	s18 =	simm.s32 $0xE;
	[sflag:s7] =	ssyncadd.s32 $0xFFFFFFB0  }
0x17e: {  	[tilespmem:s9], [sflag:$0x9] =	stream.indirect.gather [spmem:s2], $0x80, s3, s19, $0xb8;
	[tilespmem:$0x14F78] =	vst v63  }
0x17f: {  	_ =	swait.ge [sflag:s18], $0x2800  }
0x180: {  	s5 =	rddreg [dreg:$0x8];
	[sflag:s18] =	ssyncset.done $0x0  }
0x181: {  	[sflag:s18] =	ssyncadd.s32 $0xFFFFD800;
	s5 =	sadd.s32 s0, s5  }
0x182: {  	[tilespmem:s31], [sflag:$0x6] =	stream.linear.gather [hbm4b:s5+s3], $0x50, $0x38;
	[tilespmem:$0x14F78] =	vst v63  }
0x183: {  	s18 =	sadd.s32 $0x4100, s8  }
0x184: {  	[hbm4b:s18+s3] =	stream.linear.scatter [tilespmem:s11], [sflag:$0x16], $0x2800, $0x38;
	[tilespmem:$0x14F78] =	vst v63  }
0x185: {  	s18 =	simm.s32 $0x12  }
0x186: {  	_ =	swait.ge [sflag:s18], $0x2800  }
0x187: {  	[sflag:s18] =	ssyncset.done $0x0  }
0x188: {  	s9 =	simm.s32 $0x2;
	[sflag:s18] =	ssyncadd.s32 $0xFFFFD800  }
0x189: {  	_ =	swait.ge [sflag:s9], $0x50  }
0x18a: {  	[sflag:s9] =	ssyncset.done $0x0  }
0x18b: {  	s18 =	simm.s32 $0xF;
	[sflag:s9] =	ssyncadd.s32 $0xFFFFFFB0  }
0x18c: {  	[tilespmem:s4], [sflag:$0xA] =	stream.indirect.gather [spmem:s2], $0x80, s21, s19, $0xb8;
	[tilespmem:$0x14F78] =	vst v63  }
0x18d: {  	_ =	swait.ge [sflag:s18], $0x2800  }
0x18e: {  	s5 =	rddreg [dreg:$0x7];
	[sflag:s18] =	ssyncset.done $0x0  }
0x18f: {  	[sflag:s18] =	ssyncadd.s32 $0xFFFFD800;
	s5 =	sadd.s32 s0, s5  }
0x190: {  	[tilespmem:s1], [sflag:$0x7] =	stream.linear.gather [hbm4b:s5+s3], $0x50, $0x38;
	[tilespmem:$0x14F78] =	vst v63  }
0x191: {  	s18 =	sadd.s32 $0x4600, s8;
	s5 =	simm.s32 $0x13  }
0x192: {  	[hbm4b:s18+s3] =	stream.linear.scatter [tilespmem:s14], [sflag:$0x17], $0x2800, $0x38;
	[tilespmem:$0x14F78] =	vst v63  }
0x193: {  	_ =	swait.ge [sflag:s5], $0x2800  }
0x194: {  	[sflag:s5] =	ssyncset.done $0x0  }
0x195: {  	s4 =	simm.s32 $0x3;
	[sflag:s5] =	ssyncadd.s32 $0xFFFFD800  }
0x196: {  	_ =	swait.ge [sflag:s4], $0x50  }
0x197: {  	[sflag:s4] =	ssyncset.done $0x0  }
0x198: {  	[sflag:s4] =	ssyncadd.s32 $0xFFFFFFB0  }
0x199: {  	[tilespmem:s12], [sflag:$0xB] =	stream.indirect.gather [spmem:s2], $0x80, s23, s19, $0xb8;
	[tilespmem:$0x14F78] =	vst v63  }
0x19a: {  	_ =	swait.ge [sflag:s16], $0x2800  }
0x19b: {  	s14 =	rddreg [dreg:$0x6];
	[sflag:s16] =	ssyncset.done $0x0  }
0x19c: {  	[sflag:s16] =	ssyncadd.s32 $0xFFFFD800;
	s5 =	sadd.s32 s0, s14  }
0x19d: {  	[tilespmem:s6], [sflag:$0x8] =	stream.linear.gather [hbm4b:s5+s3], $0x50, $0x38;
	[tilespmem:$0x14F78] =	vst v63  }
0x19e: {  	p1 =	sne.s32 s30, $0x188800;
	s30 =	sadd.s32 $0x2800, s30;
	s8 =	sadd.s32 $0x4B00, s8  }
0x19f: {  	[hbm4b:s8+s3] =	stream.linear.scatter [tilespmem:s15], [sflag:$0x18], $0x2800, $0x38;
	[tilespmem:$0x14F78] =	vst v63  }
.Ltmp0:
0x1a0: {  	s25 =	simm.s32 $0x180;
	_ =	swait.ge [sflag:s17], $0x2800;
	(pc) =	sbr.rel @p1 .LBB2_2-.Ltmp0, $4  }
0x1a1: {  	s28 =	simm.s32 $0x200;
	s29 =	simm.s32 $0x280;
	[sflag:s17] =	ssyncset.done $0x0  }
0x1a2: {  	s10 =	simm.s32 $0x400;
	s31 =	simm.s32 $0x300;
	[sflag:s17] =	ssyncadd.s32 $0xFFFFD800  }
0x1a3: {  	s11 =	simm.s32 $0x2C00;
	s1 =	simm.s32 $0x380;
	_ =	swait.ge [sflag:s13], $0x50  }
0x1a4: {  	s18 =	simm.s32 $0x5400;
	s5 =	simm.s32 $0x4;
	[sflag:s13] =	ssyncset.done $0x0  }
0x1a5: {  	[sflag:s5] =	ssyncadd.s32 $0xFFFFFFB0;
	s12 =	simm.s32 $0x7C00;
	s0 =	simm.s32 $0x9  }
0x1a6: {  	[tilespmem:s12], [sflag:$0xC] =	stream.indirect.gather [spmem:s2], $0x80, s25, s19, $0xb8;
	[tilespmem:$0x14F78] =	vst v63  }
0x1a7: {  	_ =	swait.ge [sflag:s0], $0x2800  }
0x1a8: {  	[sflag:s0] =	ssyncset.done $0x0  }
0x1a9: {  	s13 =	rddreg [dreg:$0x1e];
	[sflag:s0] =	ssyncadd.s32 $0xFFFFD800  }
0x1aa: {  	[hbm4b:s13+s3] =	stream.linear.scatter [tilespmem:s10], [sflag:$0x11], $0x2800, $0x38;
	[tilespmem:$0x14F78] =	vst v63  }
0x1ab: {  	_ =	swait.ge [sflag:s20], $0x2800  }
0x1ac: {  	[sflag:s20] =	ssyncset.done $0x0  }
0x1ad: {  	s14 =	simm.s32 $0x5;
	[sflag:s20] =	ssyncadd.s32 $0xFFFFD800  }
0x1ae: {  	_ =	swait.ge [sflag:s14], $0x50  }
0x1af: {  	[sflag:s14] =	ssyncset.done $0x0  }
0x1b0: {  	s6 =	simm.s32 $0xA400;
	s15 =	simm.s32 $0xA;
	[sflag:s14] =	ssyncadd.s32 $0xFFFFFFB0  }
0x1b1: {  	[tilespmem:s6], [sflag:$0xD] =	stream.indirect.gather [spmem:s2], $0x80, s28, s19, $0xb8;
	[tilespmem:$0x14F78] =	vst v63  }
0x1b2: {  	_ =	swait.ge [sflag:s15], $0x2800  }
0x1b3: {  	[sflag:s15] =	ssyncset.done $0x0  }
0x1b4: {  	s21 =	rddreg [dreg:$0x1f];
	[sflag:s15] =	ssyncadd.s32 $0xFFFFD800  }
0x1b5: {  	[hbm4b:s21+s3] =	stream.linear.scatter [tilespmem:s11], [sflag:$0x12], $0x2800, $0x38;
	[tilespmem:$0x14F78] =	vst v63  }
0x1b6: {  	_ =	swait.ge [sflag:s22], $0x2800  }
0x1b7: {  	[sflag:s22] =	ssyncset.done $0x0  }
0x1b8: {  	s23 =	simm.s32 $0x6;
	[sflag:s22] =	ssyncadd.s32 $0xFFFFD800  }
0x1b9: {  	_ =	swait.ge [sflag:s23], $0x50  }
0x1ba: {  	[sflag:s23] =	ssyncset.done $0x0  }
0x1bb: {  	s7 =	simm.s32 $0xCC00;
	s25 =	simm.s32 $0xB;
	[sflag:s23] =	ssyncadd.s32 $0xFFFFFFB0  }
0x1bc: {  	[tilespmem:s7], [sflag:$0xE] =	stream.indirect.gather [spmem:s2], $0x80, s29, s19, $0xb8;
	[tilespmem:$0x14F78] =	vst v63  }
0x1bd: {  	_ =	swait.ge [sflag:s25], $0x2800  }
0x1be: {  	s28 =	sld [smem:$0x7EE]  }
0x1bf: {  	[sflag:s25] =	ssyncset.done $0x0  }
0x1c0: {  	[sflag:s25] =	ssyncadd.s32 $0xFFFFD800  }
0x1c1: {  	[hbm4b:s28+s3] =	stream.linear.scatter [tilespmem:s18], [sflag:$0x13], $0x2800, $0x38;
	[tilespmem:$0x14F78] =	vst v63  }
0x1c2: {  	_ =	swait.ge [sflag:s24], $0x2800  }
0x1c3: {  	[sflag:s24] =	ssyncset.done $0x0  }
0x1c4: {  	s29 =	simm.s32 $0x7;
	[sflag:s24] =	ssyncadd.s32 $0xFFFFD800  }
0x1c5: {  	_ =	swait.ge [sflag:s29], $0x50  }
0x1c6: {  	[sflag:s29] =	ssyncset.done $0x0  }
0x1c7: {  	s8 =	simm.s32 $0xF400;
	s30 =	simm.s32 $0xC;
	[sflag:s29] =	ssyncadd.s32 $0xFFFFFFB0  }
0x1c8: {  	[tilespmem:s8], [sflag:$0xF] =	stream.indirect.gather [spmem:s2], $0x80, s31, s19, $0xb8;
	[tilespmem:$0x14F78] =	vst v63  }
0x1c9: {  	_ =	swait.ge [sflag:s30], $0x2800  }
0x1ca: {  	s31 =	sld [smem:$0x7EF]  }
0x1cb: {  	[sflag:s30] =	ssyncset.done $0x0  }
0x1cc: {  	[sflag:s30] =	ssyncadd.s32 $0xFFFFD800  }
0x1cd: {  	[hbm4b:s31+s3] =	stream.linear.scatter [tilespmem:s12], [sflag:$0x14], $0x2800, $0x38;
	[tilespmem:$0x14F78] =	vst v63  }
0x1ce: {  	_ =	swait.ge [sflag:s26], $0x2800  }
0x1cf: {  	[sflag:s26] =	ssyncset.done $0x0  }
0x1d0: {  	s10 =	simm.s32 $0x8;
	[sflag:s26] =	ssyncadd.s32 $0xFFFFD800  }
0x1d1: {  	_ =	swait.ge [sflag:s10], $0x50  }
0x1d2: {  	[sflag:s10] =	ssyncset.done $0x0  }
0x1d3: {  	s11 =	simm.s32 $0x11C00;
	s12 =	simm.s32 $0xD;
	[sflag:s10] =	ssyncadd.s32 $0xFFFFFFB0  }
0x1d4: {  	[tilespmem:s11], [sflag:$0x10] =	stream.indirect.gather [spmem:s2], $0x80, s1, s19, $0xb8;
	[tilespmem:$0x14F78] =	vst v63  }
0x1d5: {  	_ =	swait.ge [sflag:s12], $0x2800  }
0x1d6: {  	s13 =	sld [smem:$0x7F0]  }
0x1d7: {  	[sflag:s12] =	ssyncset.done $0x0  }
0x1d8: {  	s14 =	simm.s32 $0x11;
	[sflag:s12] =	ssyncadd.s32 $0xFFFFD800  }
0x1d9: {  	[hbm4b:s13+s3] =	stream.linear.scatter [tilespmem:s6], [sflag:$0x15], $0x2800, $0x38;
	[tilespmem:$0x14F78] =	vst v63  }
0x1da: {  	_ =	swait.ge [sflag:s14], $0x2800  }
0x1db: {  	[sflag:s14] =	ssyncset.done $0x0  }
0x1dc: {  	s15 =	simm.s32 $0xE;
	[sflag:s14] =	ssyncadd.s32 $0xFFFFD800  }
0x1dd: {  	_ =	swait.ge [sflag:s15], $0x2800  }
0x1de: {  	s18 =	sld [smem:$0x7F2]  }
0x1df: {  	[sflag:s15] =	ssyncset.done $0x0  }
0x1e0: {  	s21 =	simm.s32 $0x12;
	[sflag:s15] =	ssyncadd.s32 $0xFFFFD800  }
0x1e1: {  	[hbm4b:s18+s3] =	stream.linear.scatter [tilespmem:s7], [sflag:$0x16], $0x2800, $0x38;
	[tilespmem:$0x14F78] =	vst v63  }
0x1e2: {  	_ =	swait.ge [sflag:s21], $0x2800  }
0x1e3: {  	[sflag:s21] =	ssyncset.done $0x0  }
0x1e4: {  	s23 =	simm.s32 $0xF;
	[sflag:s21] =	ssyncadd.s32 $0xFFFFD800  }
0x1e5: {  	_ =	swait.ge [sflag:s23], $0x2800  }
0x1e6: {  	s25 =	sld [smem:$0x7F3]  }
0x1e7: {  	[sflag:s23] =	ssyncset.done $0x0  }
0x1e8: {  	s28 =	simm.s32 $0x13;
	[sflag:s23] =	ssyncadd.s32 $0xFFFFD800  }
0x1e9: {  	[hbm4b:s25+s3] =	stream.linear.scatter [tilespmem:s8], [sflag:$0x17], $0x2800, $0x38;
	[tilespmem:$0x14F78] =	vst v63  }
0x1ea: {  	_ =	swait.ge [sflag:s28], $0x2800  }
0x1eb: {  	[sflag:s28] =	ssyncset.done $0x0  }
0x1ec: {  	[sflag:s28] =	ssyncadd.s32 $0xFFFFD800  }
0x1ed: {  	_ =	swait.ge [sflag:s16], $0x2800  }
0x1ee: {  	s29 =	sld [smem:$0x7F4]  }
0x1ef: {  	[sflag:s16] =	ssyncset.done $0x0  }
0x1f0: {  	[sflag:s16] =	ssyncadd.s32 $0xFFFFD800  }
0x1f1: {  	[hbm4b:s29+s3] =	stream.linear.scatter [tilespmem:s11], [sflag:$0x18], $0x2800, $0x38;
	[tilespmem:$0x14F78] =	vst v63  }
0x1f2: {  	_ =	swait.ge [sflag:s17], $0x2800  }
0x1f3: {  	[sflag:s17] =	ssyncset.done $0x0  }
0x1f4: {  	[sflag:s17] =	ssyncadd.s32 $0xFFFFD800  }
0x1f5: {  	_ =	swait.ge [sflag:s20], $0x2800  }
0x1f6: {  	[sflag:s20] =	ssyncset.done $0x0  }
0x1f7: {  	[sflag:s20] =	ssyncadd.s32 $0xFFFFD800  }
0x1f8: {  	_ =	swait.ge [sflag:s22], $0x2800  }
0x1f9: {  	[sflag:s22] =	ssyncset.done $0x0  }
0x1fa: {  	[sflag:s22] =	ssyncadd.s32 $0xFFFFD800  }
0x1fb: {  	_ =	swait.ge [sflag:s24], $0x2800  }
0x1fc: {  	[sflag:s24] =	ssyncset.done $0x0  }
0x1fd: {  	[sflag:s24] =	ssyncadd.s32 $0xFFFFD800  }
0x1fe: {  	_ =	swait.ge [sflag:s26], $0x2800  }
0x1ff: {  	s30 =	sld [smem:$0x7ED]  }
0x200: {  	s31 =	sld [smem:$0x7F5];
	_ =	sdelay $0x1  }
0x201: {  	s1 =	sadd.s32 $0x1, s30  }
0x202: {  	p1 =	sne.s32 s1, s31  }
.Ltmp1:
0x203: {  	_ = 	snop;
	(pc) =	sbr.rel @p1 .LBB2_1-.Ltmp1, $3  }
0x204: {  	_ =	sdelay $0x1  }
0x205: {  	s6 =	simm.s32 $0x1;
	[sflag:s26] =	ssyncset.done $0x0  }
0x206: {  	s18 =	simm.s32 $0x80;
	s21 =	simm.s32 $0x100;
	[sflag:s26] =	ssyncadd.s32 $0xFFFFD800  }
0x207: {  	_ =	sfence.sel $0x180000  }
0x208: {  	[bflag:$0x0] =	sbarrier.arrive $0xFFFF  }
0x209: {  	_ =	strace $0x90000047  }
0x20a: {  	[bflag:$0x2] =	sbarrier.arrive $0xFFFF  }
0x20b: {  	s0 =	rddreg [dreg:$0x4]  }
0x20c: {  	s0 =	sadd.s32 @!p0 $0x100000, s0  }
0x20d: {  	[sflag:s0] =	ssyncadd.tile.s32 @!p0 $0x1;
	_ =	shalt  }
.Lfunc_end2:
_tile_overlayer_lowered:
.L_overlay_start_2:
0x20e: {  	(tag) =	ssettag $0x2  }
0x20f: {  	s0 =	rddreg [dreg:$0x0];
	s2 =	stileid.u32  }
0x210: {  	s1 =	rddreg [dreg:$0x1];
	p0 =	sne.s32 s2, $0x0  }
0x211: {  	s3 =	rddreg [dreg:$0x2];
	[bflag:$0x3] =	sbarrier.arrive $0xFFFF;
	s2 =	simm.s32 @!p0 $0x1C19  }
0x212: {  	[timem:s3], [sflag:s2] =	dma.local @!p0 [hbm:s0], s1  }
0x213: {  	s0 =	simm.s32 @!p0 $0x19  }
0x214: {  	_ =	swait.ge @!p0 [sflag:s0], s1  }
0x215: {  	s1 =	ssub.s32 @!p0 $0x0, s1;
	[sflag:s0] =	ssyncset.done @!p0 $0x0  }
0x216: {  	[sflag:s0] =	ssyncadd.s32 @!p0 s1  }
0x217: {  	[bflag:$0x3] =	sbarrier.arrive $0xFFFF  }
0x218: {  	_ =	shalt  }

</sc_bundles>
